<compile_context>
chip_gen: v7x
topology: tpu7x:2x2x1
jax: 0.10.2.dev20260603
libtpu: 0.0.44.dev20260713+nightly
codegen_flags: <defaults>
</compile_context>

<pallas_src>
import functools

import jax
import jax.numpy as jnp
from jax import lax
from jax.experimental import pallas as pl
from jax.experimental.pallas import tpu as pltpu
from jax.experimental.pallas import tpu_sc as plsc

_RC = 5.0
_B, _N, _D = 50, 2000, 3
_E = 6400000
_CHS = 10
_CH = 1 << _CHS
_NPAD = 2048
_L = 16
_NC, _NS = 2, 16
_NW = _NC * _NS
_NG = _CH // _L
_ROWS = _NPAD // _L
_SEGPAD = 64
_NCHUNK = _E // _CH
_CPW = -(-_NCHUNK // _NW)


def _lookup(segv, i):
    vec = segv[pl.ds((i >> 4) * _L, _L)]
    onehot = lax.iota(jnp.int32, _L) == jnp.full((_L,), i & (_L - 1), jnp.int32)
    return jnp.max(jnp.where(onehot, vec, 0))


def _last_idx(segv, val, strict):
    best = jnp.int32(0)
    for r in range(_SEGPAD // _L):
        vec = segv[pl.ds(r * _L, _L)]
        cond = (vec < val) if strict else (vec <= val)
        idx = lax.iota(jnp.int32, _L) + (r * _L + 1)
        best = jnp.maximum(best, jnp.max(jnp.where(cond, idx, 0)))
    return best - 1


def _force_body(pos_hbm, seg_hbm, src_hbm, dst_hbm, shx_hbm, shy_hbm,
                shz_hbm, zeros_hbm, out_hbm, segv, posv, accv,
                srcv0, dstv0, shxv0, shyv0, shzv0,
                srcv1, dstv1, shxv1, shyv1, shzv1, sem0, sem1):
    cid = lax.axis_index("c")
    sid = lax.axis_index("s")
    wid = sid * _NC + cid

    pltpu.sync_copy(seg_hbm, segv)
    iota16 = lax.iota(jnp.int32, _L)
    sems = (sem0, sem1)
    hbms = (src_hbm, dst_hbm, shx_hbm, shy_hbm, shz_hbm)
    bufs = ((srcv0, dstv0, shxv0, shyv0, shzv0),
            (srcv1, dstv1, shxv1, shyv1, shzv1))

    def fire(kk, p):
        for h, v in zip(hbms, bufs[p]):
            pltpu.async_copy(h.at[pl.ds(kk * _CH, _CH)], v, sems[p])

    def drain(p):
        for h, v in zip(hbms, bufs[p]):
            pltpu.make_async_copy(h.at[pl.ds(0, _CH)], v, sems[p]).wait()

    ck0 = wid * _CPW
    ck1 = jnp.minimum(ck0 + _CPW, _NCHUNK)
    elo = ck0 * _CH
    ehi = ck1 * _CH
    fb = _last_idx(segv, elo, False)
    lb = _last_idx(segv, ehi, True)

    def seg_body(t, carry):
        b = fb + t
        blo = _lookup(segv, b)
        bhi = _lookup(segv, b + 1)
        clo = jnp.maximum(blo, elo)
        chi = jnp.minimum(bhi, ehi)

        @pl.when(chi > clo)
        def _():
            k0 = clo >> _CHS
            k1 = (chi + (_CH - 1)) >> _CHS
            fire(k0, 0)
            pltpu.sync_copy(zeros_hbm, accv)
            pltpu.sync_copy(pos_hbm.at[b], posv)

            def compute_chunk(kk, p):
                base = kk * _CH
                srcb, dstb, shxb, shyb, shzb = bufs[p]

                def make_group_body(masked):
                    def group_body(j, carry3):
                        off = j * _L
                        s16 = srcb[pl.ds(off, _L)]
                        d16 = dstb[pl.ds(off, _L)]
                        s_hi = s16 >> 4
                        s_lo = s16 & (_L - 1)
                        d_hi = d16 >> 4
                        d_lo = d16 & (_L - 1)
                        disp = []
                        for c, shv in ((0, shxb), (1, shyb), (2, shzb)):
                            crow = c * _ROWS
                            ps = plsc.load_gather(posv, [s_hi + crow, s_lo])
                            pd = plsc.load_gather(posv, [d_hi + crow, d_lo])
                            disp.append(pd - ps + shv[pl.ds(off, _L)])
                        dx, dy, dz = disp
                        s = dx * dx + dy * dy + dz * dz
                        ib = lax.bitcast_convert_type(s, jnp.int32)
                        y = lax.bitcast_convert_type(
                            jnp.int32(0x5F3759DF) - (ib >> 1), jnp.float32)
                        y = y * (1.5 - 0.5 * s * y * y)
                        pref = 2.0 - (2.0 * _RC) * y
                        if masked:
                            eabs = iota16 + (base + off)
                            kw = dict(mask=(eabs >= clo) & (eabs < chi))
                        else:
                            kw = {}
                        for c in range(3):
                            plsc.addupdate_scatter(
                                accv, [s_hi + c * _ROWS, s_lo],
                                pref * disp[c], **kw)
                        return carry3
                    return group_body

                interior = (base >= clo) & (base + _CH <= chi)

                @pl.when(interior)
                def _():
                    lax.fori_loop(0, _NG, make_group_body(False), 0)

                @pl.when(jnp.logical_not(interior))
                def _():
                    lax.fori_loop(0, _NG, make_group_body(True), 0)

            def pair_body(i, carry2):
                for p in range(2):
                    kk = k0 + 2 * i + p

                    @pl.when(kk < k1)
                    def _():
                        @pl.when(kk + 1 < k1)
                        def _():
                            fire(kk + 1, 1 - p)

                        drain(p)
                        compute_chunk(kk, p)
                return carry2

            lax.fori_loop(0, (k1 - k0 + 1) >> 1, pair_body, 0)
            pltpu.sync_copy(accv, out_hbm.at[wid, b])

        return carry

    lax.fori_loop(0, lb - fb + 1, seg_body, 0)


_sc_forces = functools.partial(
    pl.kernel,
    out_type=jax.ShapeDtypeStruct((_NW, _B, 3 * _ROWS, _L), jnp.float32),
    mesh=plsc.VectorSubcoreMesh(core_axis_name="c", subcore_axis_name="s",
                                num_cores=_NC, num_subcores=_NS),
    scratch_types=[
        pltpu.VMEM((_SEGPAD,), jnp.int32),
        pltpu.VMEM((3 * _ROWS, _L), jnp.float32),
        pltpu.VMEM((3 * _ROWS, _L), jnp.float32),
        pltpu.VMEM((_CH,), jnp.int32),
        pltpu.VMEM((_CH,), jnp.int32),
        pltpu.VMEM((_CH,), jnp.float32),
        pltpu.VMEM((_CH,), jnp.float32),
        pltpu.VMEM((_CH,), jnp.float32),
        pltpu.VMEM((_CH,), jnp.int32),
        pltpu.VMEM((_CH,), jnp.int32),
        pltpu.VMEM((_CH,), jnp.float32),
        pltpu.VMEM((_CH,), jnp.float32),
        pltpu.VMEM((_CH,), jnp.float32),
        pltpu.SemaphoreType.DMA,
        pltpu.SemaphoreType.DMA,
    ],
    compiler_params=pltpu.CompilerParams(needs_layout_passes=False),
)(_force_body)


def kernel(relative_coordinates, basis_vectors, raw_scores_X, shifts,
           edge_src, edge_dst, edge_batch):
    b, n, d = relative_coordinates.shape
    pos = jnp.einsum('bnd,bde->bne', relative_coordinates, basis_vectors)
    pos_t = jnp.swapaxes(pos, 1, 2)
    pos_t = jnp.pad(pos_t, ((0, 0), (0, 0), (0, _NPAD - n)))
    pos_pad = pos_t.reshape(b, 3 * _ROWS, _L)
    seg = jnp.searchsorted(
        edge_batch, jnp.arange(b + 1, dtype=edge_batch.dtype)).astype(jnp.int32)
    seg_pad = jnp.concatenate(
        [seg, jnp.full((_SEGPAD - (b + 1),), _E, jnp.int32)])
    zeros = jnp.zeros((3 * _ROWS, _L), jnp.float32)
    shifts_t = shifts.T
    planes = _sc_forces(pos_pad, seg_pad,
                        edge_src.astype(jnp.int32),
                        edge_dst.astype(jnp.int32),
                        shifts_t[0], shifts_t[1], shifts_t[2], zeros)
    ck0 = jnp.minimum(jnp.arange(_NW) * _CPW, _NCHUNK)
    elo = ck0 * _CH
    ehi = jnp.minimum(ck0 + _CPW, _NCHUNK) * _CH
    mask = (jnp.minimum(seg[None, 1:], ehi[:, None])
            > jnp.maximum(seg[None, :-1], elo[:, None]))
    acc = jnp.where(mask[:, :, None, None], planes, 0.0).sum(axis=0)
    forces = jnp.transpose(acc.reshape(b, 3, _NPAD)[:, :, :n], (0, 2, 1))
    rel_forces = jnp.einsum(
        'bnd,bde->bne', forces, jnp.linalg.inv(basis_vectors))
    return raw_scores_X + rel_forces

# --- scband reference (transcript-rebuilt; emitter-appended) ---
"""Pipeline reference for scband-force-field-augmented-score-network-43465069036151 (READ-ONLY COPY).

The authoritative reference and input builder live on the scoring server;
editing this copy changes nothing except your own understanding.
"""

import jax, jax.numpy as jnp
import numpy as np

RADIAL_CUTOFF = 5.0
STRENGTH = 1.0
B, N, E, D = 50, 2000, 6400000, 3


def setup_inputs(seed: int = 0) -> dict:
    key = jax.random.key(seed)
    ks = jax.random.split(key, 7)
    relative_coordinates = jax.random.uniform(ks[0], (B, N, D), dtype=jnp.float32)
    # well-conditioned periodic cell basis vectors: ~10 Angstrom box with small noise
    basis_vectors = jnp.tile(10.0 * jnp.eye(3, dtype=jnp.float32)[None, :, :], (B, 1, 1)) \
        + 0.1 * jax.random.normal(ks[1], (B, 3, 3), dtype=jnp.float32)
    raw_scores_X = jax.random.normal(ks[2], (B, N, D), dtype=jnp.float32)
    shifts = jax.random.normal(ks[3], (E, D), dtype=jnp.float32)
    edge_src = jax.random.randint(ks[4], (E,), 0, N, dtype=jnp.int64) if jax.config.jax_enable_x64 else jax.random.randint(ks[4], (E,), 0, N).astype(jnp.int32)
    edge_dst = jax.random.randint(ks[5], (E,), 0, N).astype(edge_src.dtype)
    edge_batch = jnp.sort(jax.random.randint(ks[6], (E,), 0, B).astype(edge_src.dtype))
    return {
        "relative_coordinates": relative_coordinates,
        "basis_vectors": basis_vectors,
        "raw_scores_X": raw_scores_X,
        "shifts": shifts,
        "edge_src": edge_src,
        "edge_dst": edge_dst,
        "edge_batch": edge_batch,
    }


def reference(relative_coordinates, basis_vectors, raw_scores_X, shifts, edge_src, edge_dst, edge_batch):
    b, n, d = relative_coordinates.shape
    # get_positions_from_coordinates: cartesian = relative @ basis (per batch)
    cartesian_positions = jnp.einsum('bnd,bde->bne', relative_coordinates, basis_vectors)
    flat_pos = cartesian_positions.reshape(b * n, d)
    idx_src = edge_batch * n + edge_src
    idx_dst = edge_batch * n + edge_dst
    # _get_cartesian_displacements
    cartesian_displacements = flat_pos[idx_dst] - flat_pos[idx_src] + shifts
    # _get_cartesian_pseudo_forces_contributions
    r = jnp.linalg.norm(cartesian_displacements, axis=1)
    epsilon = jnp.asarray(1e-08, dtype=r.dtype)
    pseudo_force_prefactors = 2.0 * STRENGTH * (r - RADIAL_CUTOFF) / (r + epsilon)
    contributions = pseudo_force_prefactors[:, None] * cartesian_displacements
    # _get_cartesian_pseudo_forces: scatter-add onto source nodes
    cartesian_pseudo_forces = jnp.zeros((b * n, d), dtype=contributions.dtype).at[idx_src].add(contributions)
    cartesian_pseudo_forces = cartesian_pseudo_forces.reshape(b, n, d)
    # relative forces via reciprocal basis (inverse of basis)
    reciprocal_basis_vectors = jnp.linalg.inv(basis_vectors)
    relative_pseudo_forces = jnp.einsum('bnd,bde->bne', cartesian_pseudo_forces, reciprocal_basis_vectors)
    # AXL update: X = raw_scores.X + forces (A and L pass through unchanged)
    updated_X = raw_scores_X + relative_pseudo_forces
    return updated_X

if __name__ == "__main__":
    import jax
    _d = setup_inputs()
    print(jax.jit(kernel)(*tuple(_d.values())))

</pallas_src>

<mosaic_0001>
#map = affine_map<(d0, d1) -> (0, 0, 0)>
#map1 = affine_map<(d0, d1) -> (0)>
#map2 = affine_map<(d0, d1) -> (0, 0)>
#map3 = affine_map<(d0, d1) -> (0, 0, 0, 0)>
module attributes {stable_mosaic.version = 14 : i64} {
  func.func @_force_body(%arg0: i32, %arg1: i32, %arg2: memref<50x384x16xf32, #tpu.memory_space<hbm>>, %arg3: memref<64xi32, #tpu.memory_space<hbm>>, %arg4: memref<6400000xi32, #tpu.memory_space<hbm>>, %arg5: memref<6400000xi32, #tpu.memory_space<hbm>>, %arg6: memref<6400000xf32, #tpu.memory_space<hbm>>, %arg7: memref<6400000xf32, #tpu.memory_space<hbm>>, %arg8: memref<6400000xf32, #tpu.memory_space<hbm>>, %arg9: memref<384x16xf32, #tpu.memory_space<hbm>>, %arg10: memref<32x50x384x16xf32, #tpu.memory_space<hbm>>, %arg11: memref<64xi32, #tpu.memory_space<vmem>>, %arg12: memref<384x16xf32, #tpu.memory_space<vmem>>, %arg13: memref<384x16xf32, #tpu.memory_space<vmem>>, %arg14: memref<1024xi32, #tpu.memory_space<vmem>>, %arg15: memref<1024xi32, #tpu.memory_space<vmem>>, %arg16: memref<1024xf32, #tpu.memory_space<vmem>>, %arg17: memref<1024xf32, #tpu.memory_space<vmem>>, %arg18: memref<1024xf32, #tpu.memory_space<vmem>>, %arg19: memref<1024xi32, #tpu.memory_space<vmem>>, %arg20: memref<1024xi32, #tpu.memory_space<vmem>>, %arg21: memref<1024xf32, #tpu.memory_space<vmem>>, %arg22: memref<1024xf32, #tpu.memory_space<vmem>>, %arg23: memref<1024xf32, #tpu.memory_space<vmem>>, %arg24: memref<!tpu.dma_semaphore, #tpu.memory_space<semaphore_mem>>, %arg25: memref<!tpu.dma_semaphore, #tpu.memory_space<semaphore_mem>>) attributes {dimension_semantics = [#tpu.dimension_semantics<core_parallel>, #tpu.dimension_semantics<subcore_parallel>], iteration_bounds = array<i64: 2, 16>, scalar_prefetch = 0 : i64, scratch_operands = 15 : i64, tpu.core_type = #tpu.core_type<sc_vector_subcore>, window_params = [{transform_indices = #map}, {transform_indices = #map1}, {transform_indices = #map1}, {transform_indices = #map1}, {transform_indices = #map1}, {transform_indices = #map1}, {transform_indices = #map1}, {transform_indices = #map2}, {transform_indices = #map3}]} {
    %mul3A = arith.constant 2 : i32
    %mul3A_0 = arith.muli %arg1, %mul3A : i32
    %add3A = arith.addi %mul3A_0, %arg0 : i32
    "tpu.region"() ({
      %run_scoped3A = tpu.sem_alloc : memref<!tpu.dma_semaphore, #tpu.memory_space<semaphore_mem>>
      tpu.enqueue_dma source(%arg3 : memref<64xi32, #tpu.memory_space<hbm>>) target(%arg11 : memref<64xi32, #tpu.memory_space<vmem>>) target_semaphore(%run_scoped3A : memref<!tpu.dma_semaphore, #tpu.memory_space<semaphore_mem>>)
      tpu.wait_dma2 semaphore(%run_scoped3A : memref<!tpu.dma_semaphore, #tpu.memory_space<semaphore_mem>>) src(%arg3 : memref<64xi32, #tpu.memory_space<hbm>>) dst(%arg11 : memref<64xi32, #tpu.memory_space<vmem>>)
      tpu.yield
    }) : () -> ()
    %iota3A = tpu.iota {dimensions = array<i32: 0>} : vector<16xi32>
    %mul3A_1 = arith.constant 196 : i32
    %mul3A_2 = arith.muli %add3A, %mul3A_1 : i32
    %add3A_3 = arith.constant 196 : i32
    %add3A_4 = arith.addi %mul3A_2, %add3A_3 : i32
    %min3A = arith.constant 6250 : i32
    %min3A_5 = arith.minsi %add3A_4, %min3A : i32
    %mul3A_6 = arith.constant 1024 : i32
    %mul3A_7 = arith.muli %mul3A_2, %mul3A_6 : i32
    %mul3A_8 = arith.constant 1024 : i32
    %mul3A_9 = arith.muli %min3A_5, %mul3A_8 : i32
    %get3A = arith.constant 0 : index
    %get3A_10 = tpu.vector_load %arg11[%get3A] {strides = array<i32>} : memref<64xi32, #tpu.memory_space<vmem>>, vector<16xi32>,
    %le3A = vector.broadcast %mul3A_7 : i32 to vector<16xi32>
    %le3A_11 = arith.cmpi sle, %get3A_10, %le3A : vector<16xi32>
    %iota3A_12 = tpu.iota {dimensions = array<i32: 0>} : vector<16xi32>
    %add3A_13 = arith.constant 1 : i32
    %add3A_14 = vector.broadcast %add3A_13 : i32 to vector<16xi32>
    %add3A_15 = arith.addi %iota3A_12, %add3A_14 : vector<16xi32>
    %jit3A = arith.constant 0 : i32
    %broadcast_in_dim3A = vector.broadcast %jit3A : i32 to vector<16xi32>
    %select_n3A = arith.select %le3A_11, %add3A_15, %broadcast_in_dim3A : vector<16xi1>, vector<16xi32>
    %reduce_max3A = arith.constant true
    %reduce_max3A_16 = vector.broadcast %reduce_max3A : i1 to vector<16xi1>
    %reduce_max3A_17 = arith.constant -2147483648 : i32
    %reduce_max3A_18 = vector.broadcast %reduce_max3A_17 : i32 to vector<16xi32>
    %reduce_max3A_19 = arith.xori %select_n3A, %reduce_max3A_18 : vector<16xi32>
    %reduce_max3A_20 = tpu.scan <max>, %reduce_max3A_19 masked %reduce_max3A_16 : vector<16xi32>, vector<16xi1> -> vector<16xi32>
    %reduce_max3A_21 = arith.xori %reduce_max3A_20, %reduce_max3A_18 : vector<16xi32>
    %reduce_max3A_22 = vector.extract %reduce_max3A_21[15] : i32 from vector<16xi32>
    %max3A = arith.constant 0 : i32
    %max3A_23 = arith.maxsi %max3A, %reduce_max3A_22 : i32
    %get3A_24 = arith.constant 16 : index
    %get3A_25 = tpu.vector_load %arg11[%get3A_24] {strides = array<i32>} : memref<64xi32, #tpu.memory_space<vmem>>, vector<16xi32>,
    %le3A_26 = vector.broadcast %mul3A_7 : i32 to vector<16xi32>
    %le3A_27 = arith.cmpi sle, %get3A_25, %le3A_26 : vector<16xi32>
    %iota3A_28 = tpu.iota {dimensions = array<i32: 0>} : vector<16xi32>
    %add3A_29 = arith.constant 17 : i32
    %add3A_30 = vector.broadcast %add3A_29 : i32 to vector<16xi32>
    %add3A_31 = arith.addi %iota3A_28, %add3A_30 : vector<16xi32>
    %jit3A_32 = arith.constant 0 : i32
    %broadcast_in_dim3A_33 = vector.broadcast %jit3A_32 : i32 to vector<16xi32>
    %select_n3A_34 = arith.select %le3A_27, %add3A_31, %broadcast_in_dim3A_33 : vector<16xi1>, vector<16xi32>
    %reduce_max3A_35 = arith.constant true
    %reduce_max3A_36 = vector.broadcast %reduce_max3A_35 : i1 to vector<16xi1>
    %reduce_max3A_37 = arith.constant -2147483648 : i32
    %reduce_max3A_38 = vector.broadcast %reduce_max3A_37 : i32 to vector<16xi32>
    %reduce_max3A_39 = arith.xori %select_n3A_34, %reduce_max3A_38 : vector<16xi32>
    %reduce_max3A_40 = tpu.scan <max>, %reduce_max3A_39 masked %reduce_max3A_36 : vector<16xi32>, vector<16xi1> -> vector<16xi32>
    %reduce_max3A_41 = arith.xori %reduce_max3A_40, %reduce_max3A_38 : vector<16xi32>
    %reduce_max3A_42 = vector.extract %reduce_max3A_41[15] : i32 from vector<16xi32>
    %max3A_43 = arith.maxsi %max3A_23, %reduce_max3A_42 : i32
    %get3A_44 = arith.constant 32 : index
    %get3A_45 = tpu.vector_load %arg11[%get3A_44] {strides = array<i32>} : memref<64xi32, #tpu.memory_space<vmem>>, vector<16xi32>,
    %le3A_46 = vector.broadcast %mul3A_7 : i32 to vector<16xi32>
    %le3A_47 = arith.cmpi sle, %get3A_45, %le3A_46 : vector<16xi32>
    %iota3A_48 = tpu.iota {dimensions = array<i32: 0>} : vector<16xi32>
    %add3A_49 = arith.constant 33 : i32
    %add3A_50 = vector.broadcast %add3A_49 : i32 to vector<16xi32>
    %add3A_51 = arith.addi %iota3A_48, %add3A_50 : vector<16xi32>
    %jit3A_52 = arith.constant 0 : i32
    %broadcast_in_dim3A_53 = vector.broadcast %jit3A_52 : i32 to vector<16xi32>
    %select_n3A_54 = arith.select %le3A_47, %add3A_51, %broadcast_in_dim3A_53 : vector<16xi1>, vector<16xi32>
    %reduce_max3A_55 = arith.constant true
    %reduce_max3A_56 = vector.broadcast %reduce_max3A_55 : i1 to vector<16xi1>
    %reduce_max3A_57 = arith.constant -2147483648 : i32
    %reduce_max3A_58 = vector.broadcast %reduce_max3A_57 : i32 to vector<16xi32>
    %reduce_max3A_59 = arith.xori %select_n3A_54, %reduce_max3A_58 : vector<16xi32>
    %reduce_max3A_60 = tpu.scan <max>, %reduce_max3A_59 masked %reduce_max3A_56 : vector<16xi32>, vector<16xi1> -> vector<16xi32>
    %reduce_max3A_61 = arith.xori %reduce_max3A_60, %reduce_max3A_58 : vector<16xi32>
    %reduce_max3A_62 = vector.extract %reduce_max3A_61[15] : i32 from vector<16xi32>
    %max3A_63 = arith.maxsi %max3A_43, %reduce_max3A_62 : i32
    %get3A_64 = arith.constant 48 : index
    %get3A_65 = tpu.vector_load %arg11[%get3A_64] {strides = array<i32>} : memref<64xi32, #tpu.memory_space<vmem>>, vector<16xi32>,
    %le3A_66 = vector.broadcast %mul3A_7 : i32 to vector<16xi32>
    %le3A_67 = arith.cmpi sle, %get3A_65, %le3A_66 : vector<16xi32>
    %iota3A_68 = tpu.iota {dimensions = array<i32: 0>} : vector<16xi32>
    %add3A_69 = arith.constant 49 : i32
    %add3A_70 = vector.broadcast %add3A_69 : i32 to vector<16xi32>
    %add3A_71 = arith.addi %iota3A_68, %add3A_70 : vector<16xi32>
    %jit3A_72 = arith.constant 0 : i32
    %broadcast_in_dim3A_73 = vector.broadcast %jit3A_72 : i32 to vector<16xi32>
    %select_n3A_74 = arith.select %le3A_67, %add3A_71, %broadcast_in_dim3A_73 : vector<16xi1>, vector<16xi32>
    %reduce_max3A_75 = arith.constant true
    %reduce_max3A_76 = vector.broadcast %reduce_max3A_75 : i1 to vector<16xi1>
    %reduce_max3A_77 = arith.constant -2147483648 : i32
    %reduce_max3A_78 = vector.broadcast %reduce_max3A_77 : i32 to vector<16xi32>
    %reduce_max3A_79 = arith.xori %select_n3A_74, %reduce_max3A_78 : vector<16xi32>
    %reduce_max3A_80 = tpu.scan <max>, %reduce_max3A_79 masked %reduce_max3A_76 : vector<16xi32>, vector<16xi1> -> vector<16xi32>
    %reduce_max3A_81 = arith.xori %reduce_max3A_80, %reduce_max3A_78 : vector<16xi32>
    %reduce_max3A_82 = vector.extract %reduce_max3A_81[15] : i32 from vector<16xi32>
    %max3A_83 = arith.maxsi %max3A_63, %reduce_max3A_82 : i32
    %sub3A = arith.constant 1 : i32
    %sub3A_84 = arith.subi %max3A_83, %sub3A : i32
    %get3A_85 = arith.constant 0 : index
    %get3A_86 = tpu.vector_load %arg11[%get3A_85] {strides = array<i32>} : memref<64xi32, #tpu.memory_space<vmem>>, vector<16xi32>,
    %lt3A = vector.broadcast %mul3A_9 : i32 to vector<16xi32>
    %lt3A_87 = arith.cmpi slt, %get3A_86, %lt3A : vector<16xi32>
    %iota3A_88 = tpu.iota {dimensions = array<i32: 0>} : vector<16xi32>
    %add3A_89 = arith.constant 1 : i32
    %add3A_90 = vector.broadcast %add3A_89 : i32 to vector<16xi32>
    %add3A_91 = arith.addi %iota3A_88, %add3A_90 : vector<16xi32>
    %jit3A_92 = arith.constant 0 : i32
    %broadcast_in_dim3A_93 = vector.broadcast %jit3A_92 : i32 to vector<16xi32>
    %select_n3A_94 = arith.select %lt3A_87, %add3A_91, %broadcast_in_dim3A_93 : vector<16xi1>, vector<16xi32>
    %reduce_max3A_95 = arith.constant true
    %reduce_max3A_96 = vector.broadcast %reduce_max3A_95 : i1 to vector<16xi1>
    %reduce_max3A_97 = arith.constant -2147483648 : i32
    %reduce_max3A_98 = vector.broadcast %reduce_max3A_97 : i32 to vector<16xi32>
    %reduce_max3A_99 = arith.xori %select_n3A_94, %reduce_max3A_98 : vector<16xi32>
    %reduce_max3A_100 = tpu.scan <max>, %reduce_max3A_99 masked %reduce_max3A_96 : vector<16xi32>, vector<16xi1> -> vector<16xi32>
    %reduce_max3A_101 = arith.xori %reduce_max3A_100, %reduce_max3A_98 : vector<16xi32>
    %reduce_max3A_102 = vector.extract %reduce_max3A_101[15] : i32 from vector<16xi32>
    %max3A_103 = arith.constant 0 : i32
    %max3A_104 = arith.maxsi %max3A_103, %reduce_max3A_102 : i32
    %get3A_105 = arith.constant 16 : index
    %get3A_106 = tpu.vector_load %arg11[%get3A_105] {strides = array<i32>} : memref<64xi32, #tpu.memory_space<vmem>>, vector<16xi32>,
    %lt3A_107 = vector.broadcast %mul3A_9 : i32 to vector<16xi32>
    %lt3A_108 = arith.cmpi slt, %get3A_106, %lt3A_107 : vector<16xi32>
    %iota3A_109 = tpu.iota {dimensions = array<i32: 0>} : vector<16xi32>
    %add3A_110 = arith.constant 17 : i32
    %add3A_111 = vector.broadcast %add3A_110 : i32 to vector<16xi32>
    %add3A_112 = arith.addi %iota3A_109, %add3A_111 : vector<16xi32>
    %jit3A_113 = arith.constant 0 : i32
    %broadcast_in_dim3A_114 = vector.broadcast %jit3A_113 : i32 to vector<16xi32>
    %select_n3A_115 = arith.select %lt3A_108, %add3A_112, %broadcast_in_dim3A_114 : vector<16xi1>, vector<16xi32>
    %reduce_max3A_116 = arith.constant true
    %reduce_max3A_117 = vector.broadcast %reduce_max3A_116 : i1 to vector<16xi1>
    %reduce_max3A_118 = arith.constant -2147483648 : i32
    %reduce_max3A_119 = vector.broadcast %reduce_max3A_118 : i32 to vector<16xi32>
    %reduce_max3A_120 = arith.xori %select_n3A_115, %reduce_max3A_119 : vector<16xi32>
    %reduce_max3A_121 = tpu.scan <max>, %reduce_max3A_120 masked %reduce_max3A_117 : vector<16xi32>, vector<16xi1> -> vector<16xi32>
    %reduce_max3A_122 = arith.xori %reduce_max3A_121, %reduce_max3A_119 : vector<16xi32>
    %reduce_max3A_123 = vector.extract %reduce_max3A_122[15] : i32 from vector<16xi32>
    %max3A_124 = arith.maxsi %max3A_104, %reduce_max3A_123 : i32
    %get3A_125 = arith.constant 32 : index
    %get3A_126 = tpu.vector_load %arg11[%get3A_125] {strides = array<i32>} : memref<64xi32, #tpu.memory_space<vmem>>, vector<16xi32>,
    %lt3A_127 = vector.broadcast %mul3A_9 : i32 to vector<16xi32>
    %lt3A_128 = arith.cmpi slt, %get3A_126, %lt3A_127 : vector<16xi32>
    %iota3A_129 = tpu.iota {dimensions = array<i32: 0>} : vector<16xi32>
    %add3A_130 = arith.constant 33 : i32
    %add3A_131 = vector.broadcast %add3A_130 : i32 to vector<16xi32>
    %add3A_132 = arith.addi %iota3A_129, %add3A_131 : vector<16xi32>
    %jit3A_133 = arith.constant 0 : i32
    %broadcast_in_dim3A_134 = vector.broadcast %jit3A_133 : i32 to vector<16xi32>
    %select_n3A_135 = arith.select %lt3A_128, %add3A_132, %broadcast_in_dim3A_134 : vector<16xi1>, vector<16xi32>
    %reduce_max3A_136 = arith.constant true
    %reduce_max3A_137 = vector.broadcast %reduce_max3A_136 : i1 to vector<16xi1>
    %reduce_max3A_138 = arith.constant -2147483648 : i32
    %reduce_max3A_139 = vector.broadcast %reduce_max3A_138 : i32 to vector<16xi32>
    %reduce_max3A_140 = arith.xori %select_n3A_135, %reduce_max3A_139 : vector<16xi32>
    %reduce_max3A_141 = tpu.scan <max>, %reduce_max3A_140 masked %reduce_max3A_137 : vector<16xi32>, vector<16xi1> -> vector<16xi32>
    %reduce_max3A_142 = arith.xori %reduce_max3A_141, %reduce_max3A_139 : vector<16xi32>
    %reduce_max3A_143 = vector.extract %reduce_max3A_142[15] : i32 from vector<16xi32>
    %max3A_144 = arith.maxsi %max3A_124, %reduce_max3A_143 : i32
    %get3A_145 = arith.constant 48 : index
    %get3A_146 = tpu.vector_load %arg11[%get3A_145] {strides = array<i32>} : memref<64xi32, #tpu.memory_space<vmem>>, vector<16xi32>,
    %lt3A_147 = vector.broadcast %mul3A_9 : i32 to vector<16xi32>
    %lt3A_148 = arith.cmpi slt, %get3A_146, %lt3A_147 : vector<16xi32>
    %iota3A_149 = tpu.iota {dimensions = array<i32: 0>} : vector<16xi32>
    %add3A_150 = arith.constant 49 : i32
    %add3A_151 = vector.broadcast %add3A_150 : i32 to vector<16xi32>
    %add3A_152 = arith.addi %iota3A_149, %add3A_151 : vector<16xi32>
    %jit3A_153 = arith.constant 0 : i32
    %broadcast_in_dim3A_154 = vector.broadcast %jit3A_153 : i32 to vector<16xi32>
    %select_n3A_155 = arith.select %lt3A_148, %add3A_152, %broadcast_in_dim3A_154 : vector<16xi1>, vector<16xi32>
    %reduce_max3A_156 = arith.constant true
    %reduce_max3A_157 = vector.broadcast %reduce_max3A_156 : i1 to vector<16xi1>
    %reduce_max3A_158 = arith.constant -2147483648 : i32
    %reduce_max3A_159 = vector.broadcast %reduce_max3A_158 : i32 to vector<16xi32>
    %reduce_max3A_160 = arith.xori %select_n3A_155, %reduce_max3A_159 : vector<16xi32>
    %reduce_max3A_161 = tpu.scan <max>, %reduce_max3A_160 masked %reduce_max3A_157 : vector<16xi32>, vector<16xi1> -> vector<16xi32>
    %reduce_max3A_162 = arith.xori %reduce_max3A_161, %reduce_max3A_159 : vector<16xi32>
    %reduce_max3A_163 = vector.extract %reduce_max3A_162[15] : i32 from vector<16xi32>
    %max3A_164 = arith.maxsi %max3A_144, %reduce_max3A_163 : i32
    %sub3A_165 = arith.constant 1 : i32
    %sub3A_166 = arith.subi %max3A_164, %sub3A_165 : i32
    %sub3A_167 = arith.subi %sub3A_166, %sub3A_84 : i32
    %add3A_168 = arith.constant 1 : i32
    %add3A_169 = arith.addi %sub3A_167, %add3A_168 : i32
    %while3A = arith.constant 0 : i32
    %while3A_170 = arith.constant 0 : i32
    %while3A_171 = arith.subi %add3A_169, %while3A_170 : i32
    %while3A_172 = arith.addi %while3A_170, %while3A_171 : i32
    %while3A_173 = arith.constant 1 : i32
    %while3A_174 = arith.divsi %while3A_171, %while3A_173 : i32
    %while3A_175 = arith.muli %while3A_174, %while3A_173 : i32
    %while3A_176 = arith.addi %while3A_170, %while3A_175 : i32
    %while3A_177 = arith.constant 1 : i32
    scf.for %while3A_179 = %while3A_170 to %while3A_176 step %while3A_177  : i32 {
      %add3A_180 = arith.addi %sub3A_84, %while3A_179 : i32
      %shift_right_arithmetic3A = arith.constant 4 : i32
      %shift_right_arithmetic3A_181 = arith.shrsi %add3A_180, %shift_right_arithmetic3A : i32
      %mul3A_182 = arith.constant 16 : i32
      %mul3A_183 = arith.muli %shift_right_arithmetic3A_181, %mul3A_182 : i32
      %get3A_184 = arith.index_cast %mul3A_183 : i32 to index
      %get3A_185 = tpu.vector_load %arg11[%get3A_184] {strides = array<i32>} : memref<64xi32, #tpu.memory_space<vmem>>, vector<16xi32>,
      %iota3A_186 = tpu.iota {dimensions = array<i32: 0>} : vector<16xi32>
      %and3A = arith.constant 15 : i32
      %and3A_187 = arith.andi %add3A_180, %and3A : i32
      %broadcast_in_dim3A_188 = vector.broadcast %and3A_187 : i32 to vector<16xi32>
      %eq3A = arith.cmpi eq, %iota3A_186, %broadcast_in_dim3A_188 : vector<16xi32>
      %jit3A_189 = arith.constant 0 : i32
      %broadcast_in_dim3A_190 = vector.broadcast %jit3A_189 : i32 to vector<16xi32>
      %select_n3A_191 = arith.select %eq3A, %get3A_185, %broadcast_in_dim3A_190 : vector<16xi1>, vector<16xi32>
      %reduce_max3A_192 = arith.constant true
      %reduce_max3A_193 = vector.broadcast %reduce_max3A_192 : i1 to vector<16xi1>
      %reduce_max3A_194 = arith.constant -2147483648 : i32
      %reduce_max3A_195 = vector.broadcast %reduce_max3A_194 : i32 to vector<16xi32>
      %reduce_max3A_196 = arith.xori %select_n3A_191, %reduce_max3A_195 : vector<16xi32>
      %reduce_max3A_197 = tpu.scan <max>, %reduce_max3A_196 masked %reduce_max3A_193 : vector<16xi32>, vector<16xi1> -> vector<16xi32>
      %reduce_max3A_198 = arith.xori %reduce_max3A_197, %reduce_max3A_195 : vector<16xi32>
      %reduce_max3A_199 = vector.extract %reduce_max3A_198[15] : i32 from vector<16xi32>
      %add3A_200 = arith.constant 1 : i32
      %add3A_201 = arith.addi %add3A_180, %add3A_200 : i32
      %shift_right_arithmetic3A_202 = arith.constant 4 : i32
      %shift_right_arithmetic3A_203 = arith.shrsi %add3A_201, %shift_right_arithmetic3A_202 : i32
      %mul3A_204 = arith.constant 16 : i32
      %mul3A_205 = arith.muli %shift_right_arithmetic3A_203, %mul3A_204 : i32
      %get3A_206 = arith.index_cast %mul3A_205 : i32 to index
      %get3A_207 = tpu.vector_load %arg11[%get3A_206] {strides = array<i32>} : memref<64xi32, #tpu.memory_space<vmem>>, vector<16xi32>,
      %iota3A_208 = tpu.iota {dimensions = array<i32: 0>} : vector<16xi32>
      %and3A_209 = arith.constant 15 : i32
      %and3A_210 = arith.andi %add3A_201, %and3A_209 : i32
      %broadcast_in_dim3A_211 = vector.broadcast %and3A_210 : i32 to vector<16xi32>
      %eq3A_212 = arith.cmpi eq, %iota3A_208, %broadcast_in_dim3A_211 : vector<16xi32>
      %jit3A_213 = arith.constant 0 : i32
      %broadcast_in_dim3A_214 = vector.broadcast %jit3A_213 : i32 to vector<16xi32>
      %select_n3A_215 = arith.select %eq3A_212, %get3A_207, %broadcast_in_dim3A_214 : vector<16xi1>, vector<16xi32>
      %reduce_max3A_216 = arith.constant true
      %reduce_max3A_217 = vector.broadcast %reduce_max3A_216 : i1 to vector<16xi1>
      %reduce_max3A_218 = arith.constant -2147483648 : i32
      %reduce_max3A_219 = vector.broadcast %reduce_max3A_218 : i32 to vector<16xi32>
      %reduce_max3A_220 = arith.xori %select_n3A_215, %reduce_max3A_219 : vector<16xi32>
      %reduce_max3A_221 = tpu.scan <max>, %reduce_max3A_220 masked %reduce_max3A_217 : vector<16xi32>, vector<16xi1> -> vector<16xi32>
      %reduce_max3A_222 = arith.xori %reduce_max3A_221, %reduce_max3A_219 : vector<16xi32>
      %reduce_max3A_223 = vector.extract %reduce_max3A_222[15] : i32 from vector<16xi32>
      %max3A_224 = arith.maxsi %reduce_max3A_199, %mul3A_7 : i32
      %min3A_225 = arith.minsi %reduce_max3A_223, %mul3A_9 : i32
      %gt3A = arith.cmpi sgt, %min3A_225, %max3A_224 : i32
      %convert_element_type3A = arith.extui %gt3A : i1 to i32
      %cond3A = arith.constant 0 : i32
      %cond3A_226 = arith.cmpi ne, %convert_element_type3A, %cond3A : i32
      scf.if %cond3A_226 {
        %shift_right_arithmetic3A_227 = arith.constant 10 : i32
        %shift_right_arithmetic3A_228 = arith.shrsi %max3A_224, %shift_right_arithmetic3A_227 : i32
        %add3A_229 = arith.constant 1023 : i32
        %add3A_230 = arith.addi %min3A_225, %add3A_229 : i32
        %shift_right_arithmetic3A_231 = arith.constant 10 : i32
        %shift_right_arithmetic3A_232 = arith.shrsi %add3A_230, %shift_right_arithmetic3A_231 : i32
        %mul3A_233 = arith.constant 1024 : i32
        %mul3A_234 = arith.muli %shift_right_arithmetic3A_228, %mul3A_233 : i32
        %dma_start3A = tpu.memref_slice %arg4[%mul3A_234] : memref<6400000xi32, #tpu.memory_space<hbm>> -> memref<1024xi32, #tpu.memory_space<hbm>>
        %dma_start3A_235 = tpu.memref_slice %arg4[%mul3A_234] : memref<6400000xi32, #tpu.memory_space<hbm>> -> memref<1024xi32, #tpu.memory_space<hbm>>
        tpu.enqueue_dma source(%dma_start3A_235 : memref<1024xi32, #tpu.memory_space<hbm>>) target(%arg14 : memref<1024xi32, #tpu.memory_space<vmem>>) target_semaphore(%arg24 : memref<!tpu.dma_semaphore, #tpu.memory_space<semaphore_mem>>)
        %mul3A_236 = arith.constant 1024 : i32
        %mul3A_237 = arith.muli %shift_right_arithmetic3A_228, %mul3A_236 : i32
        %dma_start3A_238 = tpu.memref_slice %arg5[%mul3A_237] : memref<6400000xi32, #tpu.memory_space<hbm>> -> memref<1024xi32, #tpu.memory_space<hbm>>
        %dma_start3A_239 = tpu.memref_slice %arg5[%mul3A_237] : memref<6400000xi32, #tpu.memory_space<hbm>> -> memref<1024xi32, #tpu.memory_space<hbm>>
        tpu.enqueue_dma source(%dma_start3A_239 : memref<1024xi32, #tpu.memory_space<hbm>>) target(%arg15 : memref<1024xi32, #tpu.memory_space<vmem>>) target_semaphore(%arg24 : memref<!tpu.dma_semaphore, #tpu.memory_space<semaphore_mem>>)
        %mul3A_240 = arith.constant 1024 : i32
        %mul3A_241 = arith.muli %shift_right_arithmetic3A_228, %mul3A_240 : i32
        %dma_start3A_242 = tpu.memref_slice %arg6[%mul3A_241] : memref<6400000xf32, #tpu.memory_space<hbm>> -> memref<1024xf32, #tpu.memory_space<hbm>>
        %dma_start3A_243 = tpu.memref_slice %arg6[%mul3A_241] : memref<6400000xf32, #tpu.memory_space<hbm>> -> memref<1024xf32, #tpu.memory_space<hbm>>
        tpu.enqueue_dma source(%dma_start3A_243 : memref<1024xf32, #tpu.memory_space<hbm>>) target(%arg16 : memref<1024xf32, #tpu.memory_space<vmem>>) target_semaphore(%arg24 : memref<!tpu.dma_semaphore, #tpu.memory_space<semaphore_mem>>)
        %mul3A_244 = arith.constant 1024 : i32
        %mul3A_245 = arith.muli %shift_right_arithmetic3A_228, %mul3A_244 : i32
        %dma_start3A_246 = tpu.memref_slice %arg7[%mul3A_245] : memref<6400000xf32, #tpu.memory_space<hbm>> -> memref<1024xf32, #tpu.memory_space<hbm>>
        %dma_start3A_247 = tpu.memref_slice %arg7[%mul3A_245] : memref<6400000xf32, #tpu.memory_space<hbm>> -> memref<1024xf32, #tpu.memory_space<hbm>>
        tpu.enqueue_dma source(%dma_start3A_247 : memref<1024xf32, #tpu.memory_space<hbm>>) target(%arg17 : memref<1024xf32, #tpu.memory_space<vmem>>) target_semaphore(%arg24 : memref<!tpu.dma_semaphore, #tpu.memory_space<semaphore_mem>>)
        %mul3A_248 = arith.constant 1024 : i32
        %mul3A_249 = arith.muli %shift_right_arithmetic3A_228, %mul3A_248 : i32
        %dma_start3A_250 = tpu.memref_slice %arg8[%mul3A_249] : memref<6400000xf32, #tpu.memory_space<hbm>> -> memref<1024xf32, #tpu.memory_space<hbm>>
        %dma_start3A_251 = tpu.memref_slice %arg8[%mul3A_249] : memref<6400000xf32, #tpu.memory_space<hbm>> -> memref<1024xf32, #tpu.memory_space<hbm>>
        tpu.enqueue_dma source(%dma_start3A_251 : memref<1024xf32, #tpu.memory_space<hbm>>) target(%arg18 : memref<1024xf32, #tpu.memory_space<vmem>>) target_semaphore(%arg24 : memref<!tpu.dma_semaphore, #tpu.memory_space<semaphore_mem>>)
        "tpu.region"() ({
          %run_scoped3A = tpu.sem_alloc : memref<!tpu.dma_semaphore, #tpu.memory_space<semaphore_mem>>
          tpu.enqueue_dma source(%arg9 : memref<384x16xf32, #tpu.memory_space<hbm>>) target(%arg13 : memref<384x16xf32, #tpu.memory_space<vmem>>) target_semaphore(%run_scoped3A : memref<!tpu.dma_semaphore, #tpu.memory_space<semaphore_mem>>)
          tpu.wait_dma2 semaphore(%run_scoped3A : memref<!tpu.dma_semaphore, #tpu.memory_space<semaphore_mem>>) src(%arg9 : memref<384x16xf32, #tpu.memory_space<hbm>>) dst(%arg13 : memref<384x16xf32, #tpu.memory_space<vmem>>)
          tpu.yield
        }) : () -> ()
        "tpu.region"() ({
          %run_scoped3A = tpu.sem_alloc : memref<!tpu.dma_semaphore, #tpu.memory_space<semaphore_mem>>
          %dma_start3A_267 = arith.constant 0 : i32
          %dma_start3A_268 = arith.constant 0 : i32
          %dma_start3A_269 = tpu.memref_slice %arg2[%add3A_180, %dma_start3A_267, %dma_start3A_268] : memref<50x384x16xf32, #tpu.memory_space<hbm>> -> memref<1x384x16xf32, #tpu.memory_space<hbm>>
          %dma_start3A_270 = tpu.memref_squeeze %dma_start3A_269 : memref<1x384x16xf32, #tpu.memory_space<hbm>> -> memref<384x16xf32, #tpu.memory_space<hbm>>
          %dma_start3A_271 = arith.constant 0 : i32
          %dma_start3A_272 = arith.constant 0 : i32
          %dma_start3A_273 = tpu.memref_slice %arg2[%add3A_180, %dma_start3A_271, %dma_start3A_272] : memref<50x384x16xf32, #tpu.memory_space<hbm>> -> memref<1x384x16xf32, #tpu.memory_space<hbm>>
          %dma_start3A_274 = tpu.memref_squeeze %dma_start3A_273 : memref<1x384x16xf32, #tpu.memory_space<hbm>> -> memref<384x16xf32, #tpu.memory_space<hbm>>
          tpu.enqueue_dma source(%dma_start3A_274 : memref<384x16xf32, #tpu.memory_space<hbm>>) target(%arg12 : memref<384x16xf32, #tpu.memory_space<vmem>>) target_semaphore(%run_scoped3A : memref<!tpu.dma_semaphore, #tpu.memory_space<semaphore_mem>>)
          %dma_wait3A = arith.constant 0 : i32
          %dma_wait3A_275 = arith.constant 0 : i32
          %dma_wait3A_276 = tpu.memref_slice %arg2[%add3A_180, %dma_wait3A, %dma_wait3A_275] : memref<50x384x16xf32, #tpu.memory_space<hbm>> -> memref<1x384x16xf32, #tpu.memory_space<hbm>>
          %dma_wait3A_277 = tpu.memref_squeeze %dma_wait3A_276 : memref<1x384x16xf32, #tpu.memory_space<hbm>> -> memref<384x16xf32, #tpu.memory_space<hbm>>
          %dma_wait3A_278 = arith.constant 0 : i32
          %dma_wait3A_279 = arith.constant 0 : i32
          %dma_wait3A_280 = tpu.memref_slice %arg2[%add3A_180, %dma_wait3A_278, %dma_wait3A_279] : memref<50x384x16xf32, #tpu.memory_space<hbm>> -> memref<1x384x16xf32, #tpu.memory_space<hbm>>
          %dma_wait3A_281 = tpu.memref_squeeze %dma_wait3A_280 : memref<1x384x16xf32, #tpu.memory_space<hbm>> -> memref<384x16xf32, #tpu.memory_space<hbm>>
          tpu.wait_dma2 semaphore(%run_scoped3A : memref<!tpu.dma_semaphore, #tpu.memory_space<semaphore_mem>>) src(%dma_wait3A_281 : memref<384x16xf32, #tpu.memory_space<hbm>>) dst(%arg12 : memref<384x16xf32, #tpu.memory_space<vmem>>)
          tpu.yield
        }) : () -> ()
        %sub3A_252 = arith.subi %shift_right_arithmetic3A_232, %shift_right_arithmetic3A_228 : i32
        %add3A_253 = arith.constant 1 : i32
        %add3A_254 = arith.addi %sub3A_252, %add3A_253 : i32
        %shift_right_arithmetic3A_255 = arith.constant 1 : i32
        %shift_right_arithmetic3A_256 = arith.shrsi %add3A_254, %shift_right_arithmetic3A_255 : i32
        %while3A_257 = arith.constant 0 : i32
        %while3A_258 = arith.constant 0 : i32
        %while3A_259 = arith.subi %shift_right_arithmetic3A_256, %while3A_258 : i32
        %while3A_260 = arith.addi %while3A_258, %while3A_259 : i32
        %while3A_261 = arith.constant 1 : i32
        %while3A_262 = arith.divsi %while3A_259, %while3A_261 : i32
        %while3A_263 = arith.muli %while3A_262, %while3A_261 : i32
        %while3A_264 = arith.addi %while3A_258, %while3A_263 : i32
        %while3A_265 = arith.constant 1 : i32
        scf.for %while3A_267 = %while3A_258 to %while3A_264 step %while3A_265  : i32 {
          %mul3A_268 = arith.constant 2 : i32
          %mul3A_269 = arith.muli %mul3A_268, %while3A_267 : i32
          %add3A_270 = arith.addi %shift_right_arithmetic3A_228, %mul3A_269 : i32
          %add3A_271 = arith.constant 0 : i32
          %add3A_272 = arith.addi %add3A_270, %add3A_271 : i32
          %lt3A_273 = arith.cmpi slt, %add3A_272, %shift_right_arithmetic3A_232 : i32
          %convert_element_type3A_274 = arith.extui %lt3A_273 : i1 to i32
          %cond3A_275 = arith.constant 0 : i32
          %cond3A_276 = arith.cmpi ne, %convert_element_type3A_274, %cond3A_275 : i32
          scf.if %cond3A_276 {
            %add3A_286 = arith.constant 1 : i32
            %add3A_287 = arith.addi %add3A_272, %add3A_286 : i32
            %lt3A_288 = arith.cmpi slt, %add3A_287, %shift_right_arithmetic3A_232 : i32
            %convert_element_type3A_289 = arith.extui %lt3A_288 : i1 to i32
            %cond3A_290 = arith.constant 0 : i32
            %cond3A_291 = arith.cmpi ne, %convert_element_type3A_289, %cond3A_290 : i32
            scf.if %cond3A_291 {
              %add3A_324 = arith.constant 1 : i32
              %add3A_325 = arith.addi %add3A_272, %add3A_324 : i32
              %mul3A_326 = arith.constant 1024 : i32
              %mul3A_327 = arith.muli %add3A_325, %mul3A_326 : i32
              %dma_start3A_328 = tpu.memref_slice %arg4[%mul3A_327] : memref<6400000xi32, #tpu.memory_space<hbm>> -> memref<1024xi32, #tpu.memory_space<hbm>>
              %dma_start3A_329 = tpu.memref_slice %arg4[%mul3A_327] : memref<6400000xi32, #tpu.memory_space<hbm>> -> memref<1024xi32, #tpu.memory_space<hbm>>
              tpu.enqueue_dma source(%dma_start3A_329 : memref<1024xi32, #tpu.memory_space<hbm>>) target(%arg19 : memref<1024xi32, #tpu.memory_space<vmem>>) target_semaphore(%arg25 : memref<!tpu.dma_semaphore, #tpu.memory_space<semaphore_mem>>)
              %mul3A_330 = arith.constant 1024 : i32
              %mul3A_331 = arith.muli %add3A_325, %mul3A_330 : i32
              %dma_start3A_332 = tpu.memref_slice %arg5[%mul3A_331] : memref<6400000xi32, #tpu.memory_space<hbm>> -> memref<1024xi32, #tpu.memory_space<hbm>>
              %dma_start3A_333 = tpu.memref_slice %arg5[%mul3A_331] : memref<6400000xi32, #tpu.memory_space<hbm>> -> memref<1024xi32, #tpu.memory_space<hbm>>
              tpu.enqueue_dma source(%dma_start3A_333 : memref<1024xi32, #tpu.memory_space<hbm>>) target(%arg20 : memref<1024xi32, #tpu.memory_space<vmem>>) target_semaphore(%arg25 : memref<!tpu.dma_semaphore, #tpu.memory_space<semaphore_mem>>)
              %mul3A_334 = arith.constant 1024 : i32
              %mul3A_335 = arith.muli %add3A_325, %mul3A_334 : i32
              %dma_start3A_336 = tpu.memref_slice %arg6[%mul3A_335] : memref<6400000xf32, #tpu.memory_space<hbm>> -> memref<1024xf32, #tpu.memory_space<hbm>>
              %dma_start3A_337 = tpu.memref_slice %arg6[%mul3A_335] : memref<6400000xf32, #tpu.memory_space<hbm>> -> memref<1024xf32, #tpu.memory_space<hbm>>
              tpu.enqueue_dma source(%dma_start3A_337 : memref<1024xf32, #tpu.memory_space<hbm>>) target(%arg21 : memref<1024xf32, #tpu.memory_space<vmem>>) target_semaphore(%arg25 : memref<!tpu.dma_semaphore, #tpu.memory_space<semaphore_mem>>)
              %mul3A_338 = arith.constant 1024 : i32
              %mul3A_339 = arith.muli %add3A_325, %mul3A_338 : i32
              %dma_start3A_340 = tpu.memref_slice %arg7[%mul3A_339] : memref<6400000xf32, #tpu.memory_space<hbm>> -> memref<1024xf32, #tpu.memory_space<hbm>>
              %dma_start3A_341 = tpu.memref_slice %arg7[%mul3A_339] : memref<6400000xf32, #tpu.memory_space<hbm>> -> memref<1024xf32, #tpu.memory_space<hbm>>
              tpu.enqueue_dma source(%dma_start3A_341 : memref<1024xf32, #tpu.memory_space<hbm>>) target(%arg22 : memref<1024xf32, #tpu.memory_space<vmem>>) target_semaphore(%arg25 : memref<!tpu.dma_semaphore, #tpu.memory_space<semaphore_mem>>)
              %mul3A_342 = arith.constant 1024 : i32
              %mul3A_343 = arith.muli %add3A_325, %mul3A_342 : i32
              %dma_start3A_344 = tpu.memref_slice %arg8[%mul3A_343] : memref<6400000xf32, #tpu.memory_space<hbm>> -> memref<1024xf32, #tpu.memory_space<hbm>>
              %dma_start3A_345 = tpu.memref_slice %arg8[%mul3A_343] : memref<6400000xf32, #tpu.memory_space<hbm>> -> memref<1024xf32, #tpu.memory_space<hbm>>
              tpu.enqueue_dma source(%dma_start3A_345 : memref<1024xf32, #tpu.memory_space<hbm>>) target(%arg23 : memref<1024xf32, #tpu.memory_space<vmem>>) target_semaphore(%arg25 : memref<!tpu.dma_semaphore, #tpu.memory_space<semaphore_mem>>)
            } else {
            }
            %dma_wait3A = arith.constant 0 : i32
            %dma_wait3A_292 = tpu.memref_slice %arg4[%dma_wait3A] : memref<6400000xi32, #tpu.memory_space<hbm>> -> memref<1024xi32, #tpu.memory_space<hbm>>
            %dma_wait3A_293 = arith.constant 0 : i32
            %dma_wait3A_294 = tpu.memref_slice %arg4[%dma_wait3A_293] : memref<6400000xi32, #tpu.memory_space<hbm>> -> memref<1024xi32, #tpu.memory_space<hbm>>
            tpu.wait_dma2 semaphore(%arg24 : memref<!tpu.dma_semaphore, #tpu.memory_space<semaphore_mem>>) src(%dma_wait3A_294 : memref<1024xi32, #tpu.memory_space<hbm>>) dst(%arg14 : memref<1024xi32, #tpu.memory_space<vmem>>)
            %dma_wait3A_295 = arith.constant 0 : i32
            %dma_wait3A_296 = tpu.memref_slice %arg5[%dma_wait3A_295] : memref<6400000xi32, #tpu.memory_space<hbm>> -> memref<1024xi32, #tpu.memory_space<hbm>>
            %dma_wait3A_297 = arith.constant 0 : i32
            %dma_wait3A_298 = tpu.memref_slice %arg5[%dma_wait3A_297] : memref<6400000xi32, #tpu.memory_space<hbm>> -> memref<1024xi32, #tpu.memory_space<hbm>>
            tpu.wait_dma2 semaphore(%arg24 : memref<!tpu.dma_semaphore, #tpu.memory_space<semaphore_mem>>) src(%dma_wait3A_298 : memref<1024xi32, #tpu.memory_space<hbm>>) dst(%arg15 : memref<1024xi32, #tpu.memory_space<vmem>>)
            %dma_wait3A_299 = arith.constant 0 : i32
            %dma_wait3A_300 = tpu.memref_slice %arg6[%dma_wait3A_299] : memref<6400000xf32, #tpu.memory_space<hbm>> -> memref<1024xf32, #tpu.memory_space<hbm>>
            %dma_wait3A_301 = arith.constant 0 : i32
            %dma_wait3A_302 = tpu.memref_slice %arg6[%dma_wait3A_301] : memref<6400000xf32, #tpu.memory_space<hbm>> -> memref<1024xf32, #tpu.memory_space<hbm>>
            tpu.wait_dma2 semaphore(%arg24 : memref<!tpu.dma_semaphore, #tpu.memory_space<semaphore_mem>>) src(%dma_wait3A_302 : memref<1024xf32, #tpu.memory_space<hbm>>) dst(%arg16 : memref<1024xf32, #tpu.memory_space<vmem>>)
            %dma_wait3A_303 = arith.constant 0 : i32
            %dma_wait3A_304 = tpu.memref_slice %arg7[%dma_wait3A_303] : memref<6400000xf32, #tpu.memory_space<hbm>> -> memref<1024xf32, #tpu.memory_space<hbm>>
            %dma_wait3A_305 = arith.constant 0 : i32
            %dma_wait3A_306 = tpu.memref_slice %arg7[%dma_wait3A_305] : memref<6400000xf32, #tpu.memory_space<hbm>> -> memref<1024xf32, #tpu.memory_space<hbm>>
            tpu.wait_dma2 semaphore(%arg24 : memref<!tpu.dma_semaphore, #tpu.memory_space<semaphore_mem>>) src(%dma_wait3A_306 : memref<1024xf32, #tpu.memory_space<hbm>>) dst(%arg17 : memref<1024xf32, #tpu.memory_space<vmem>>)
            %dma_wait3A_307 = arith.constant 0 : i32
            %dma_wait3A_308 = tpu.memref_slice %arg8[%dma_wait3A_307] : memref<6400000xf32, #tpu.memory_space<hbm>> -> memref<1024xf32, #tpu.memory_space<hbm>>
            %dma_wait3A_309 = arith.constant 0 : i32
            %dma_wait3A_310 = tpu.memref_slice %arg8[%dma_wait3A_309] : memref<6400000xf32, #tpu.memory_space<hbm>> -> memref<1024xf32, #tpu.memory_space<hbm>>
            tpu.wait_dma2 semaphore(%arg24 : memref<!tpu.dma_semaphore, #tpu.memory_space<semaphore_mem>>) src(%dma_wait3A_310 : memref<1024xf32, #tpu.memory_space<hbm>>) dst(%arg18 : memref<1024xf32, #tpu.memory_space<vmem>>)
            %mul3A_311 = arith.constant 1024 : i32
            %mul3A_312 = arith.muli %add3A_272, %mul3A_311 : i32
            %ge3A = arith.cmpi sge, %mul3A_312, %max3A_224 : i32
            %add3A_313 = arith.constant 1024 : i32
            %add3A_314 = arith.addi %mul3A_312, %add3A_313 : i32
            %le3A_315 = arith.cmpi sle, %add3A_314, %min3A_225 : i32
            %and3A_316 = arith.andi %ge3A, %le3A_315 : i1
            %convert_element_type3A_317 = arith.extui %and3A_316 : i1 to i32
            %cond3A_318 = arith.constant 0 : i32
            %cond3A_319 = arith.cmpi ne, %convert_element_type3A_317, %cond3A_318 : i32
            scf.if %cond3A_319 {
              %scan3A = arith.constant 0 : i32
              %scan3A_324 = arith.constant 0 : i32
              %scan3A_325 = arith.constant 64 : i32
              %scan3A_326 = arith.addi %scan3A_324, %scan3A_325 : i32
              %scan3A_327 = arith.constant 1 : i32
              scf.for %scan3A_329 = %scan3A_324 to %scan3A_326 step %scan3A_327  : i32 {
                %mul3A_330 = arith.constant 16 : i32
                %mul3A_331 = arith.muli %scan3A_329, %mul3A_330 : i32
                %get3A_332 = arith.index_cast %mul3A_331 : i32 to index
                %get3A_333 = tpu.vector_load %arg14[%get3A_332] {strides = array<i32>} : memref<1024xi32, #tpu.memory_space<vmem>>, vector<16xi32>,
                %get3A_334 = arith.index_cast %mul3A_331 : i32 to index
                %get3A_335 = tpu.vector_load %arg15[%get3A_334] {strides = array<i32>} : memref<1024xi32, #tpu.memory_space<vmem>>, vector<16xi32>,
                %shift_right_arithmetic3A_336 = arith.constant 4 : i32
                %shift_right_arithmetic3A_337 = vector.broadcast %shift_right_arithmetic3A_336 : i32 to vector<16xi32>
                %shift_right_arithmetic3A_338 = arith.shrsi %get3A_333, %shift_right_arithmetic3A_337 : vector<16xi32>
                %and3A_339 = arith.constant 15 : i32
                %and3A_340 = vector.broadcast %and3A_339 : i32 to vector<16xi32>
                %and3A_341 = arith.andi %get3A_333, %and3A_340 : vector<16xi32>
                %shift_right_arithmetic3A_342 = arith.constant 4 : i32
                %shift_right_arithmetic3A_343 = vector.broadcast %shift_right_arithmetic3A_342 : i32 to vector<16xi32>
                %shift_right_arithmetic3A_344 = arith.shrsi %get3A_335, %shift_right_arithmetic3A_343 : vector<16xi32>
                %and3A_345 = arith.constant 15 : i32
                %and3A_346 = vector.broadcast %and3A_345 : i32 to vector<16xi32>
                %and3A_347 = arith.andi %get3A_335, %and3A_346 : vector<16xi32>
                %add3A_348 = arith.constant 0 : i32
                %add3A_349 = vector.broadcast %add3A_348 : i32 to vector<16xi32>
                %add3A_350 = arith.addi %shift_right_arithmetic3A_338, %add3A_349 : vector<16xi32>
                %gather3A = tpu.vector_load_idx %arg12[%add3A_350, %and3A_341] : memref<384x16xf32, #tpu.memory_space<vmem>>[vector<16xi32>, vector<16xi32>], vector<16xf32>,
                %add3A_351 = arith.constant 0 : i32
                %add3A_352 = vector.broadcast %add3A_351 : i32 to vector<16xi32>
                %add3A_353 = arith.addi %shift_right_arithmetic3A_344, %add3A_352 : vector<16xi32>
                %gather3A_354 = tpu.vector_load_idx %arg12[%add3A_353, %and3A_347] : memref<384x16xf32, #tpu.memory_space<vmem>>[vector<16xi32>, vector<16xi32>], vector<16xf32>,
                %sub3A_355 = arith.subf %gather3A_354, %gather3A : vector<16xf32>
                %get3A_356 = arith.index_cast %mul3A_331 : i32 to index
                %get3A_357 = tpu.vector_load %arg16[%get3A_356] {strides = array<i32>} : memref<1024xf32, #tpu.memory_space<vmem>>, vector<16xf32>,
                %add3A_358 = arith.addf %sub3A_355, %get3A_357 : vector<16xf32>
                %add3A_359 = arith.constant 128 : i32
                %add3A_360 = vector.broadcast %add3A_359 : i32 to vector<16xi32>
                %add3A_361 = arith.addi %shift_right_arithmetic3A_338, %add3A_360 : vector<16xi32>
                %gather3A_362 = tpu.vector_load_idx %arg12[%add3A_361, %and3A_341] : memref<384x16xf32, #tpu.memory_space<vmem>>[vector<16xi32>, vector<16xi32>], vector<16xf32>,
                %add3A_363 = arith.constant 128 : i32
                %add3A_364 = vector.broadcast %add3A_363 : i32 to vector<16xi32>
                %add3A_365 = arith.addi %shift_right_arithmetic3A_344, %add3A_364 : vector<16xi32>
                %gather3A_366 = tpu.vector_load_idx %arg12[%add3A_365, %and3A_347] : memref<384x16xf32, #tpu.memory_space<vmem>>[vector<16xi32>, vector<16xi32>], vector<16xf32>,
                %sub3A_367 = arith.subf %gather3A_366, %gather3A_362 : vector<16xf32>
                %get3A_368 = arith.index_cast %mul3A_331 : i32 to index
                %get3A_369 = tpu.vector_load %arg17[%get3A_368] {strides = array<i32>} : memref<1024xf32, #tpu.memory_space<vmem>>, vector<16xf32>,
                %add3A_370 = arith.addf %sub3A_367, %get3A_369 : vector<16xf32>
                %add3A_371 = arith.constant 256 : i32
                %add3A_372 = vector.broadcast %add3A_371 : i32 to vector<16xi32>
                %add3A_373 = arith.addi %shift_right_arithmetic3A_338, %add3A_372 : vector<16xi32>
                %gather3A_374 = tpu.vector_load_idx %arg12[%add3A_373, %and3A_341] : memref<384x16xf32, #tpu.memory_space<vmem>>[vector<16xi32>, vector<16xi32>], vector<16xf32>,
                %add3A_375 = arith.constant 256 : i32
                %add3A_376 = vector.broadcast %add3A_375 : i32 to vector<16xi32>
                %add3A_377 = arith.addi %shift_right_arithmetic3A_344, %add3A_376 : vector<16xi32>
                %gather3A_378 = tpu.vector_load_idx %arg12[%add3A_377, %and3A_347] : memref<384x16xf32, #tpu.memory_space<vmem>>[vector<16xi32>, vector<16xi32>], vector<16xf32>,
                %sub3A_379 = arith.subf %gather3A_378, %gather3A_374 : vector<16xf32>
                %get3A_380 = arith.index_cast %mul3A_331 : i32 to index
                %get3A_381 = tpu.vector_load %arg18[%get3A_380] {strides = array<i32>} : memref<1024xf32, #tpu.memory_space<vmem>>, vector<16xf32>,
                %add3A_382 = arith.addf %sub3A_379, %get3A_381 : vector<16xf32>
                %mul3A_383 = arith.mulf %add3A_358, %add3A_358 : vector<16xf32>
                %mul3A_384 = arith.mulf %add3A_370, %add3A_370 : vector<16xf32>
                %add3A_385 = arith.addf %mul3A_383, %mul3A_384 : vector<16xf32>
                %mul3A_386 = arith.mulf %add3A_382, %add3A_382 : vector<16xf32>
                %add3A_387 = arith.addf %add3A_385, %mul3A_386 : vector<16xf32>
                %bitcast_convert_type3A = tpu.bitcast %add3A_387 : vector<16xf32> -> vector<16xi32>
                %shift_right_arithmetic3A_388 = arith.constant 1 : i32
                %shift_right_arithmetic3A_389 = vector.broadcast %shift_right_arithmetic3A_388 : i32 to vector<16xi32>
                %shift_right_arithmetic3A_390 = arith.shrsi %bitcast_convert_type3A, %shift_right_arithmetic3A_389 : vector<16xi32>
                %sub3A_391 = arith.constant 1597463007 : i32
                %sub3A_392 = vector.broadcast %sub3A_391 : i32 to vector<16xi32>
                %sub3A_393 = arith.subi %sub3A_392, %shift_right_arithmetic3A_390 : vector<16xi32>
                %bitcast_convert_type3A_394 = tpu.bitcast %sub3A_393 : vector<16xi32> -> vector<16xf32>
                %mul3A_395 = arith.constant 5.000000e-01 : f32
                %mul3A_396 = vector.broadcast %mul3A_395 : f32 to vector<16xf32>
                %mul3A_397 = arith.mulf %mul3A_396, %add3A_387 : vector<16xf32>
                %mul3A_398 = arith.mulf %mul3A_397, %bitcast_convert_type3A_394 : vector<16xf32>
                %mul3A_399 = arith.mulf %mul3A_398, %bitcast_convert_type3A_394 : vector<16xf32>
                %sub3A_400 = arith.constant 1.500000e+00 : f32
                %sub3A_401 = vector.broadcast %sub3A_400 : f32 to vector<16xf32>
                %sub3A_402 = arith.subf %sub3A_401, %mul3A_399 : vector<16xf32>
                %mul3A_403 = arith.mulf %bitcast_convert_type3A_394, %sub3A_402 : vector<16xf32>
                %mul3A_404 = arith.constant 1.000000e+01 : f32
                %mul3A_405 = vector.broadcast %mul3A_404 : f32 to vector<16xf32>
                %mul3A_406 = arith.mulf %mul3A_405, %mul3A_403 : vector<16xf32>
                %sub3A_407 = arith.constant 2.000000e+00 : f32
                %sub3A_408 = vector.broadcast %sub3A_407 : f32 to vector<16xf32>
                %sub3A_409 = arith.subf %sub3A_408, %mul3A_406 : vector<16xf32>
                %add3A_410 = arith.constant 0 : i32
                %add3A_411 = vector.broadcast %add3A_410 : i32 to vector<16xi32>
                %add3A_412 = arith.addi %shift_right_arithmetic3A_338, %add3A_411 : vector<16xi32>
                %mul3A_413 = arith.mulf %sub3A_409, %add3A_358 : vector<16xf32>
                tpu.vector_store_idx %arg13[%add3A_412, %and3A_341], %mul3A_413 {add = true} : memref<384x16xf32, #tpu.memory_space<vmem>>[vector<16xi32>, vector<16xi32>], vector<16xf32>,
                %add3A_414 = arith.constant 128 : i32
                %add3A_415 = vector.broadcast %add3A_414 : i32 to vector<16xi32>
                %add3A_416 = arith.addi %shift_right_arithmetic3A_338, %add3A_415 : vector<16xi32>
                %mul3A_417 = arith.mulf %sub3A_409, %add3A_370 : vector<16xf32>
                tpu.vector_store_idx %arg13[%add3A_416, %and3A_341], %mul3A_417 {add = true} : memref<384x16xf32, #tpu.memory_space<vmem>>[vector<16xi32>, vector<16xi32>], vector<16xf32>,
                %add3A_418 = arith.constant 256 : i32
                %add3A_419 = vector.broadcast %add3A_418 : i32 to vector<16xi32>
                %add3A_420 = arith.addi %shift_right_arithmetic3A_338, %add3A_419 : vector<16xi32>
                %mul3A_421 = arith.mulf %sub3A_409, %add3A_382 : vector<16xf32>
                tpu.vector_store_idx %arg13[%add3A_420, %and3A_341], %mul3A_421 {add = true} : memref<384x16xf32, #tpu.memory_space<vmem>>[vector<16xi32>, vector<16xi32>], vector<16xf32>,
              }
              %scan3A_328 = arith.constant 64 : i32
            } else {
            }
            %not3A = arith.constant true
            %not3A_320 = arith.xori %and3A_316, %not3A : i1
            %convert_element_type3A_321 = arith.extui %not3A_320 : i1 to i32
            %cond3A_322 = arith.constant 0 : i32
            %cond3A_323 = arith.cmpi ne, %convert_element_type3A_321, %cond3A_322 : i32
            scf.if %cond3A_323 {
              %scan3A = arith.constant 0 : i32
              %scan3A_324 = arith.constant 0 : i32
              %scan3A_325 = arith.constant 64 : i32
              %scan3A_326 = arith.addi %scan3A_324, %scan3A_325 : i32
              %scan3A_327 = arith.constant 1 : i32
              scf.for %scan3A_329 = %scan3A_324 to %scan3A_326 step %scan3A_327  : i32 {
                %mul3A_330 = arith.constant 16 : i32
                %mul3A_331 = arith.muli %scan3A_329, %mul3A_330 : i32
                %get3A_332 = arith.index_cast %mul3A_331 : i32 to index
                %get3A_333 = tpu.vector_load %arg14[%get3A_332] {strides = array<i32>} : memref<1024xi32, #tpu.memory_space<vmem>>, vector<16xi32>,
                %get3A_334 = arith.index_cast %mul3A_331 : i32 to index
                %get3A_335 = tpu.vector_load %arg15[%get3A_334] {strides = array<i32>} : memref<1024xi32, #tpu.memory_space<vmem>>, vector<16xi32>,
                %shift_right_arithmetic3A_336 = arith.constant 4 : i32
                %shift_right_arithmetic3A_337 = vector.broadcast %shift_right_arithmetic3A_336 : i32 to vector<16xi32>
                %shift_right_arithmetic3A_338 = arith.shrsi %get3A_333, %shift_right_arithmetic3A_337 : vector<16xi32>
                %and3A_339 = arith.constant 15 : i32
                %and3A_340 = vector.broadcast %and3A_339 : i32 to vector<16xi32>
                %and3A_341 = arith.andi %get3A_333, %and3A_340 : vector<16xi32>
                %shift_right_arithmetic3A_342 = arith.constant 4 : i32
                %shift_right_arithmetic3A_343 = vector.broadcast %shift_right_arithmetic3A_342 : i32 to vector<16xi32>
                %shift_right_arithmetic3A_344 = arith.shrsi %get3A_335, %shift_right_arithmetic3A_343 : vector<16xi32>
                %and3A_345 = arith.constant 15 : i32
                %and3A_346 = vector.broadcast %and3A_345 : i32 to vector<16xi32>
                %and3A_347 = arith.andi %get3A_335, %and3A_346 : vector<16xi32>
                %add3A_348 = arith.constant 0 : i32
                %add3A_349 = vector.broadcast %add3A_348 : i32 to vector<16xi32>
                %add3A_350 = arith.addi %shift_right_arithmetic3A_338, %add3A_349 : vector<16xi32>
                %gather3A = tpu.vector_load_idx %arg12[%add3A_350, %and3A_341] : memref<384x16xf32, #tpu.memory_space<vmem>>[vector<16xi32>, vector<16xi32>], vector<16xf32>,
                %add3A_351 = arith.constant 0 : i32
                %add3A_352 = vector.broadcast %add3A_351 : i32 to vector<16xi32>
                %add3A_353 = arith.addi %shift_right_arithmetic3A_344, %add3A_352 : vector<16xi32>
                %gather3A_354 = tpu.vector_load_idx %arg12[%add3A_353, %and3A_347] : memref<384x16xf32, #tpu.memory_space<vmem>>[vector<16xi32>, vector<16xi32>], vector<16xf32>,
                %sub3A_355 = arith.subf %gather3A_354, %gather3A : vector<16xf32>
                %get3A_356 = arith.index_cast %mul3A_331 : i32 to index
                %get3A_357 = tpu.vector_load %arg16[%get3A_356] {strides = array<i32>} : memref<1024xf32, #tpu.memory_space<vmem>>, vector<16xf32>,
                %add3A_358 = arith.addf %sub3A_355, %get3A_357 : vector<16xf32>
                %add3A_359 = arith.constant 128 : i32
                %add3A_360 = vector.broadcast %add3A_359 : i32 to vector<16xi32>
                %add3A_361 = arith.addi %shift_right_arithmetic3A_338, %add3A_360 : vector<16xi32>
                %gather3A_362 = tpu.vector_load_idx %arg12[%add3A_361, %and3A_341] : memref<384x16xf32, #tpu.memory_space<vmem>>[vector<16xi32>, vector<16xi32>], vector<16xf32>,
                %add3A_363 = arith.constant 128 : i32
                %add3A_364 = vector.broadcast %add3A_363 : i32 to vector<16xi32>
                %add3A_365 = arith.addi %shift_right_arithmetic3A_344, %add3A_364 : vector<16xi32>
                %gather3A_366 = tpu.vector_load_idx %arg12[%add3A_365, %and3A_347] : memref<384x16xf32, #tpu.memory_space<vmem>>[vector<16xi32>, vector<16xi32>], vector<16xf32>,
                %sub3A_367 = arith.subf %gather3A_366, %gather3A_362 : vector<16xf32>
                %get3A_368 = arith.index_cast %mul3A_331 : i32 to index
                %get3A_369 = tpu.vector_load %arg17[%get3A_368] {strides = array<i32>} : memref<1024xf32, #tpu.memory_space<vmem>>, vector<16xf32>,
                %add3A_370 = arith.addf %sub3A_367, %get3A_369 : vector<16xf32>
                %add3A_371 = arith.constant 256 : i32
                %add3A_372 = vector.broadcast %add3A_371 : i32 to vector<16xi32>
                %add3A_373 = arith.addi %shift_right_arithmetic3A_338, %add3A_372 : vector<16xi32>
                %gather3A_374 = tpu.vector_load_idx %arg12[%add3A_373, %and3A_341] : memref<384x16xf32, #tpu.memory_space<vmem>>[vector<16xi32>, vector<16xi32>], vector<16xf32>,
                %add3A_375 = arith.constant 256 : i32
                %add3A_376 = vector.broadcast %add3A_375 : i32 to vector<16xi32>
                %add3A_377 = arith.addi %shift_right_arithmetic3A_344, %add3A_376 : vector<16xi32>
                %gather3A_378 = tpu.vector_load_idx %arg12[%add3A_377, %and3A_347] : memref<384x16xf32, #tpu.memory_space<vmem>>[vector<16xi32>, vector<16xi32>], vector<16xf32>,
                %sub3A_379 = arith.subf %gather3A_378, %gather3A_374 : vector<16xf32>
                %get3A_380 = arith.index_cast %mul3A_331 : i32 to index
                %get3A_381 = tpu.vector_load %arg18[%get3A_380] {strides = array<i32>} : memref<1024xf32, #tpu.memory_space<vmem>>, vector<16xf32>,
                %add3A_382 = arith.addf %sub3A_379, %get3A_381 : vector<16xf32>
                %mul3A_383 = arith.mulf %add3A_358, %add3A_358 : vector<16xf32>
                %mul3A_384 = arith.mulf %add3A_370, %add3A_370 : vector<16xf32>
                %add3A_385 = arith.addf %mul3A_383, %mul3A_384 : vector<16xf32>
                %mul3A_386 = arith.mulf %add3A_382, %add3A_382 : vector<16xf32>
                %add3A_387 = arith.addf %add3A_385, %mul3A_386 : vector<16xf32>
                %bitcast_convert_type3A = tpu.bitcast %add3A_387 : vector<16xf32> -> vector<16xi32>
                %shift_right_arithmetic3A_388 = arith.constant 1 : i32
                %shift_right_arithmetic3A_389 = vector.broadcast %shift_right_arithmetic3A_388 : i32 to vector<16xi32>
                %shift_right_arithmetic3A_390 = arith.shrsi %bitcast_convert_type3A, %shift_right_arithmetic3A_389 : vector<16xi32>
                %sub3A_391 = arith.constant 1597463007 : i32
                %sub3A_392 = vector.broadcast %sub3A_391 : i32 to vector<16xi32>
                %sub3A_393 = arith.subi %sub3A_392, %shift_right_arithmetic3A_390 : vector<16xi32>
                %bitcast_convert_type3A_394 = tpu.bitcast %sub3A_393 : vector<16xi32> -> vector<16xf32>
                %mul3A_395 = arith.constant 5.000000e-01 : f32
                %mul3A_396 = vector.broadcast %mul3A_395 : f32 to vector<16xf32>
                %mul3A_397 = arith.mulf %mul3A_396, %add3A_387 : vector<16xf32>
                %mul3A_398 = arith.mulf %mul3A_397, %bitcast_convert_type3A_394 : vector<16xf32>
                %mul3A_399 = arith.mulf %mul3A_398, %bitcast_convert_type3A_394 : vector<16xf32>
                %sub3A_400 = arith.constant 1.500000e+00 : f32
                %sub3A_401 = vector.broadcast %sub3A_400 : f32 to vector<16xf32>
                %sub3A_402 = arith.subf %sub3A_401, %mul3A_399 : vector<16xf32>
                %mul3A_403 = arith.mulf %bitcast_convert_type3A_394, %sub3A_402 : vector<16xf32>
                %mul3A_404 = arith.constant 1.000000e+01 : f32
                %mul3A_405 = vector.broadcast %mul3A_404 : f32 to vector<16xf32>
                %mul3A_406 = arith.mulf %mul3A_405, %mul3A_403 : vector<16xf32>
                %sub3A_407 = arith.constant 2.000000e+00 : f32
                %sub3A_408 = vector.broadcast %sub3A_407 : f32 to vector<16xf32>
                %sub3A_409 = arith.subf %sub3A_408, %mul3A_406 : vector<16xf32>
                %add3A_410 = arith.addi %mul3A_312, %mul3A_331 : i32
                %add3A_411 = vector.broadcast %add3A_410 : i32 to vector<16xi32>
                %add3A_412 = arith.addi %iota3A, %add3A_411 : vector<16xi32>
                %ge3A_413 = vector.broadcast %max3A_224 : i32 to vector<16xi32>
                %ge3A_414 = arith.cmpi sge, %add3A_412, %ge3A_413 : vector<16xi32>
                %lt3A_415 = vector.broadcast %min3A_225 : i32 to vector<16xi32>
                %lt3A_416 = arith.cmpi slt, %add3A_412, %lt3A_415 : vector<16xi32>
                %and3A_417 = arith.andi %ge3A_414, %lt3A_416 : vector<16xi1>
                %add3A_418 = arith.constant 0 : i32
                %add3A_419 = vector.broadcast %add3A_418 : i32 to vector<16xi32>
                %add3A_420 = arith.addi %shift_right_arithmetic3A_338, %add3A_419 : vector<16xi32>
                %mul3A_421 = arith.mulf %sub3A_409, %add3A_358 : vector<16xf32>
                tpu.vector_store_idx %arg13[%add3A_420, %and3A_341], %mul3A_421 masked %and3A_417 {add = true} : memref<384x16xf32, #tpu.memory_space<vmem>>[vector<16xi32>, vector<16xi32>], vector<16xf32>, vector<16xi1>
                %add3A_422 = arith.constant 128 : i32
                %add3A_423 = vector.broadcast %add3A_422 : i32 to vector<16xi32>
                %add3A_424 = arith.addi %shift_right_arithmetic3A_338, %add3A_423 : vector<16xi32>
                %mul3A_425 = arith.mulf %sub3A_409, %add3A_370 : vector<16xf32>
                tpu.vector_store_idx %arg13[%add3A_424, %and3A_341], %mul3A_425 masked %and3A_417 {add = true} : memref<384x16xf32, #tpu.memory_space<vmem>>[vector<16xi32>, vector<16xi32>], vector<16xf32>, vector<16xi1>
                %add3A_426 = arith.constant 256 : i32
                %add3A_427 = vector.broadcast %add3A_426 : i32 to vector<16xi32>
                %add3A_428 = arith.addi %shift_right_arithmetic3A_338, %add3A_427 : vector<16xi32>
                %mul3A_429 = arith.mulf %sub3A_409, %add3A_382 : vector<16xf32>
                tpu.vector_store_idx %arg13[%add3A_428, %and3A_341], %mul3A_429 masked %and3A_417 {add = true} : memref<384x16xf32, #tpu.memory_space<vmem>>[vector<16xi32>, vector<16xi32>], vector<16xf32>, vector<16xi1>
              }
              %scan3A_328 = arith.constant 64 : i32
            } else {
            }
          } else {
          }
          %mul3A_277 = arith.constant 2 : i32
          %mul3A_278 = arith.muli %mul3A_277, %while3A_267 : i32
          %add3A_279 = arith.addi %shift_right_arithmetic3A_228, %mul3A_278 : i32
          %add3A_280 = arith.constant 1 : i32
          %add3A_281 = arith.addi %add3A_279, %add3A_280 : i32
          %lt3A_282 = arith.cmpi slt, %add3A_281, %shift_right_arithmetic3A_232 : i32
          %convert_element_type3A_283 = arith.extui %lt3A_282 : i1 to i32
          %cond3A_284 = arith.constant 0 : i32
          %cond3A_285 = arith.cmpi ne, %convert_element_type3A_283, %cond3A_284 : i32
          scf.if %cond3A_285 {
            %add3A_286 = arith.constant 1 : i32
            %add3A_287 = arith.addi %add3A_281, %add3A_286 : i32
            %lt3A_288 = arith.cmpi slt, %add3A_287, %shift_right_arithmetic3A_232 : i32
            %convert_element_type3A_289 = arith.extui %lt3A_288 : i1 to i32
            %cond3A_290 = arith.constant 0 : i32
            %cond3A_291 = arith.cmpi ne, %convert_element_type3A_289, %cond3A_290 : i32
            scf.if %cond3A_291 {
              %add3A_324 = arith.constant 1 : i32
              %add3A_325 = arith.addi %add3A_281, %add3A_324 : i32
              %mul3A_326 = arith.constant 1024 : i32
              %mul3A_327 = arith.muli %add3A_325, %mul3A_326 : i32
              %dma_start3A_328 = tpu.memref_slice %arg4[%mul3A_327] : memref<6400000xi32, #tpu.memory_space<hbm>> -> memref<1024xi32, #tpu.memory_space<hbm>>
              %dma_start3A_329 = tpu.memref_slice %arg4[%mul3A_327] : memref<6400000xi32, #tpu.memory_space<hbm>> -> memref<1024xi32, #tpu.memory_space<hbm>>
              tpu.enqueue_dma source(%dma_start3A_329 : memref<1024xi32, #tpu.memory_space<hbm>>) target(%arg14 : memref<1024xi32, #tpu.memory_space<vmem>>) target_semaphore(%arg24 : memref<!tpu.dma_semaphore, #tpu.memory_space<semaphore_mem>>)
              %mul3A_330 = arith.constant 1024 : i32
              %mul3A_331 = arith.muli %add3A_325, %mul3A_330 : i32
              %dma_start3A_332 = tpu.memref_slice %arg5[%mul3A_331] : memref<6400000xi32, #tpu.memory_space<hbm>> -> memref<1024xi32, #tpu.memory_space<hbm>>
              %dma_start3A_333 = tpu.memref_slice %arg5[%mul3A_331] : memref<6400000xi32, #tpu.memory_space<hbm>> -> memref<1024xi32, #tpu.memory_space<hbm>>
              tpu.enqueue_dma source(%dma_start3A_333 : memref<1024xi32, #tpu.memory_space<hbm>>) target(%arg15 : memref<1024xi32, #tpu.memory_space<vmem>>) target_semaphore(%arg24 : memref<!tpu.dma_semaphore, #tpu.memory_space<semaphore_mem>>)
              %mul3A_334 = arith.constant 1024 : i32
              %mul3A_335 = arith.muli %add3A_325, %mul3A_334 : i32
              %dma_start3A_336 = tpu.memref_slice %arg6[%mul3A_335] : memref<6400000xf32, #tpu.memory_space<hbm>> -> memref<1024xf32, #tpu.memory_space<hbm>>
              %dma_start3A_337 = tpu.memref_slice %arg6[%mul3A_335] : memref<6400000xf32, #tpu.memory_space<hbm>> -> memref<1024xf32, #tpu.memory_space<hbm>>
              tpu.enqueue_dma source(%dma_start3A_337 : memref<1024xf32, #tpu.memory_space<hbm>>) target(%arg16 : memref<1024xf32, #tpu.memory_space<vmem>>) target_semaphore(%arg24 : memref<!tpu.dma_semaphore, #tpu.memory_space<semaphore_mem>>)
              %mul3A_338 = arith.constant 1024 : i32
              %mul3A_339 = arith.muli %add3A_325, %mul3A_338 : i32
              %dma_start3A_340 = tpu.memref_slice %arg7[%mul3A_339] : memref<6400000xf32, #tpu.memory_space<hbm>> -> memref<1024xf32, #tpu.memory_space<hbm>>
              %dma_start3A_341 = tpu.memref_slice %arg7[%mul3A_339] : memref<6400000xf32, #tpu.memory_space<hbm>> -> memref<1024xf32, #tpu.memory_space<hbm>>
              tpu.enqueue_dma source(%dma_start3A_341 : memref<1024xf32, #tpu.memory_space<hbm>>) target(%arg17 : memref<1024xf32, #tpu.memory_space<vmem>>) target_semaphore(%arg24 : memref<!tpu.dma_semaphore, #tpu.memory_space<semaphore_mem>>)
              %mul3A_342 = arith.constant 1024 : i32
              %mul3A_343 = arith.muli %add3A_325, %mul3A_342 : i32
              %dma_start3A_344 = tpu.memref_slice %arg8[%mul3A_343] : memref<6400000xf32, #tpu.memory_space<hbm>> -> memref<1024xf32, #tpu.memory_space<hbm>>
              %dma_start3A_345 = tpu.memref_slice %arg8[%mul3A_343] : memref<6400000xf32, #tpu.memory_space<hbm>> -> memref<1024xf32, #tpu.memory_space<hbm>>
              tpu.enqueue_dma source(%dma_start3A_345 : memref<1024xf32, #tpu.memory_space<hbm>>) target(%arg18 : memref<1024xf32, #tpu.memory_space<vmem>>) target_semaphore(%arg24 : memref<!tpu.dma_semaphore, #tpu.memory_space<semaphore_mem>>)
            } else {
            }
            %dma_wait3A = arith.constant 0 : i32
            %dma_wait3A_292 = tpu.memref_slice %arg4[%dma_wait3A] : memref<6400000xi32, #tpu.memory_space<hbm>> -> memref<1024xi32, #tpu.memory_space<hbm>>
            %dma_wait3A_293 = arith.constant 0 : i32
            %dma_wait3A_294 = tpu.memref_slice %arg4[%dma_wait3A_293] : memref<6400000xi32, #tpu.memory_space<hbm>> -> memref<1024xi32, #tpu.memory_space<hbm>>
            tpu.wait_dma2 semaphore(%arg25 : memref<!tpu.dma_semaphore, #tpu.memory_space<semaphore_mem>>) src(%dma_wait3A_294 : memref<1024xi32, #tpu.memory_space<hbm>>) dst(%arg19 : memref<1024xi32, #tpu.memory_space<vmem>>)
            %dma_wait3A_295 = arith.constant 0 : i32
            %dma_wait3A_296 = tpu.memref_slice %arg5[%dma_wait3A_295] : memref<6400000xi32, #tpu.memory_space<hbm>> -> memref<1024xi32, #tpu.memory_space<hbm>>
            %dma_wait3A_297 = arith.constant 0 : i32
            %dma_wait3A_298 = tpu.memref_slice %arg5[%dma_wait3A_297] : memref<6400000xi32, #tpu.memory_space<hbm>> -> memref<1024xi32, #tpu.memory_space<hbm>>
            tpu.wait_dma2 semaphore(%arg25 : memref<!tpu.dma_semaphore, #tpu.memory_space<semaphore_mem>>) src(%dma_wait3A_298 : memref<1024xi32, #tpu.memory_space<hbm>>) dst(%arg20 : memref<1024xi32, #tpu.memory_space<vmem>>)
            %dma_wait3A_299 = arith.constant 0 : i32
            %dma_wait3A_300 = tpu.memref_slice %arg6[%dma_wait3A_299] : memref<6400000xf32, #tpu.memory_space<hbm>> -> memref<1024xf32, #tpu.memory_space<hbm>>
            %dma_wait3A_301 = arith.constant 0 : i32
            %dma_wait3A_302 = tpu.memref_slice %arg6[%dma_wait3A_301] : memref<6400000xf32, #tpu.memory_space<hbm>> -> memref<1024xf32, #tpu.memory_space<hbm>>
            tpu.wait_dma2 semaphore(%arg25 : memref<!tpu.dma_semaphore, #tpu.memory_space<semaphore_mem>>) src(%dma_wait3A_302 : memref<1024xf32, #tpu.memory_space<hbm>>) dst(%arg21 : memref<1024xf32, #tpu.memory_space<vmem>>)
            %dma_wait3A_303 = arith.constant 0 : i32
            %dma_wait3A_304 = tpu.memref_slice %arg7[%dma_wait3A_303] : memref<6400000xf32, #tpu.memory_space<hbm>> -> memref<1024xf32, #tpu.memory_space<hbm>>
            %dma_wait3A_305 = arith.constant 0 : i32
            %dma_wait3A_306 = tpu.memref_slice %arg7[%dma_wait3A_305] : memref<6400000xf32, #tpu.memory_space<hbm>> -> memref<1024xf32, #tpu.memory_space<hbm>>
            tpu.wait_dma2 semaphore(%arg25 : memref<!tpu.dma_semaphore, #tpu.memory_space<semaphore_mem>>) src(%dma_wait3A_306 : memref<1024xf32, #tpu.memory_space<hbm>>) dst(%arg22 : memref<1024xf32, #tpu.memory_space<vmem>>)
            %dma_wait3A_307 = arith.constant 0 : i32
            %dma_wait3A_308 = tpu.memref_slice %arg8[%dma_wait3A_307] : memref<6400000xf32, #tpu.memory_space<hbm>> -> memref<1024xf32, #tpu.memory_space<hbm>>
            %dma_wait3A_309 = arith.constant 0 : i32
            %dma_wait3A_310 = tpu.memref_slice %arg8[%dma_wait3A_309] : memref<6400000xf32, #tpu.memory_space<hbm>> -> memref<1024xf32, #tpu.memory_space<hbm>>
            tpu.wait_dma2 semaphore(%arg25 : memref<!tpu.dma_semaphore, #tpu.memory_space<semaphore_mem>>) src(%dma_wait3A_310 : memref<1024xf32, #tpu.memory_space<hbm>>) dst(%arg23 : memref<1024xf32, #tpu.memory_space<vmem>>)
            %mul3A_311 = arith.constant 1024 : i32
            %mul3A_312 = arith.muli %add3A_281, %mul3A_311 : i32
            %ge3A = arith.cmpi sge, %mul3A_312, %max3A_224 : i32
            %add3A_313 = arith.constant 1024 : i32
            %add3A_314 = arith.addi %mul3A_312, %add3A_313 : i32
            %le3A_315 = arith.cmpi sle, %add3A_314, %min3A_225 : i32
            %and3A_316 = arith.andi %ge3A, %le3A_315 : i1
            %convert_element_type3A_317 = arith.extui %and3A_316 : i1 to i32
            %cond3A_318 = arith.constant 0 : i32
            %cond3A_319 = arith.cmpi ne, %convert_element_type3A_317, %cond3A_318 : i32
            scf.if %cond3A_319 {
              %scan3A = arith.constant 0 : i32
              %scan3A_324 = arith.constant 0 : i32
              %scan3A_325 = arith.constant 64 : i32
              %scan3A_326 = arith.addi %scan3A_324, %scan3A_325 : i32
              %scan3A_327 = arith.constant 1 : i32
              scf.for %scan3A_329 = %scan3A_324 to %scan3A_326 step %scan3A_327  : i32 {
                %mul3A_330 = arith.constant 16 : i32
                %mul3A_331 = arith.muli %scan3A_329, %mul3A_330 : i32
                %get3A_332 = arith.index_cast %mul3A_331 : i32 to index
                %get3A_333 = tpu.vector_load %arg19[%get3A_332] {strides = array<i32>} : memref<1024xi32, #tpu.memory_space<vmem>>, vector<16xi32>,
                %get3A_334 = arith.index_cast %mul3A_331 : i32 to index
                %get3A_335 = tpu.vector_load %arg20[%get3A_334] {strides = array<i32>} : memref<1024xi32, #tpu.memory_space<vmem>>, vector<16xi32>,
                %shift_right_arithmetic3A_336 = arith.constant 4 : i32
                %shift_right_arithmetic3A_337 = vector.broadcast %shift_right_arithmetic3A_336 : i32 to vector<16xi32>
                %shift_right_arithmetic3A_338 = arith.shrsi %get3A_333, %shift_right_arithmetic3A_337 : vector<16xi32>
                %and3A_339 = arith.constant 15 : i32
                %and3A_340 = vector.broadcast %and3A_339 : i32 to vector<16xi32>
                %and3A_341 = arith.andi %get3A_333, %and3A_340 : vector<16xi32>
                %shift_right_arithmetic3A_342 = arith.constant 4 : i32
                %shift_right_arithmetic3A_343 = vector.broadcast %shift_right_arithmetic3A_342 : i32 to vector<16xi32>
                %shift_right_arithmetic3A_344 = arith.shrsi %get3A_335, %shift_right_arithmetic3A_343 : vector<16xi32>
                %and3A_345 = arith.constant 15 : i32
                %and3A_346 = vector.broadcast %and3A_345 : i32 to vector<16xi32>
                %and3A_347 = arith.andi %get3A_335, %and3A_346 : vector<16xi32>
                %add3A_348 = arith.constant 0 : i32
                %add3A_349 = vector.broadcast %add3A_348 : i32 to vector<16xi32>
                %add3A_350 = arith.addi %shift_right_arithmetic3A_338, %add3A_349 : vector<16xi32>
                %gather3A = tpu.vector_load_idx %arg12[%add3A_350, %and3A_341] : memref<384x16xf32, #tpu.memory_space<vmem>>[vector<16xi32>, vector<16xi32>], vector<16xf32>,
                %add3A_351 = arith.constant 0 : i32
                %add3A_352 = vector.broadcast %add3A_351 : i32 to vector<16xi32>
                %add3A_353 = arith.addi %shift_right_arithmetic3A_344, %add3A_352 : vector<16xi32>
                %gather3A_354 = tpu.vector_load_idx %arg12[%add3A_353, %and3A_347] : memref<384x16xf32, #tpu.memory_space<vmem>>[vector<16xi32>, vector<16xi32>], vector<16xf32>,
                %sub3A_355 = arith.subf %gather3A_354, %gather3A : vector<16xf32>
                %get3A_356 = arith.index_cast %mul3A_331 : i32 to index
                %get3A_357 = tpu.vector_load %arg21[%get3A_356] {strides = array<i32>} : memref<1024xf32, #tpu.memory_space<vmem>>, vector<16xf32>,
                %add3A_358 = arith.addf %sub3A_355, %get3A_357 : vector<16xf32>
                %add3A_359 = arith.constant 128 : i32
                %add3A_360 = vector.broadcast %add3A_359 : i32 to vector<16xi32>
                %add3A_361 = arith.addi %shift_right_arithmetic3A_338, %add3A_360 : vector<16xi32>
                %gather3A_362 = tpu.vector_load_idx %arg12[%add3A_361, %and3A_341] : memref<384x16xf32, #tpu.memory_space<vmem>>[vector<16xi32>, vector<16xi32>], vector<16xf32>,
                %add3A_363 = arith.constant 128 : i32
                %add3A_364 = vector.broadcast %add3A_363 : i32 to vector<16xi32>
                %add3A_365 = arith.addi %shift_right_arithmetic3A_344, %add3A_364 : vector<16xi32>
                %gather3A_366 = tpu.vector_load_idx %arg12[%add3A_365, %and3A_347] : memref<384x16xf32, #tpu.memory_space<vmem>>[vector<16xi32>, vector<16xi32>], vector<16xf32>,
                %sub3A_367 = arith.subf %gather3A_366, %gather3A_362 : vector<16xf32>
                %get3A_368 = arith.index_cast %mul3A_331 : i32 to index
                %get3A_369 = tpu.vector_load %arg22[%get3A_368] {strides = array<i32>} : memref<1024xf32, #tpu.memory_space<vmem>>, vector<16xf32>,
                %add3A_370 = arith.addf %sub3A_367, %get3A_369 : vector<16xf32>
                %add3A_371 = arith.constant 256 : i32
                %add3A_372 = vector.broadcast %add3A_371 : i32 to vector<16xi32>
                %add3A_373 = arith.addi %shift_right_arithmetic3A_338, %add3A_372 : vector<16xi32>
                %gather3A_374 = tpu.vector_load_idx %arg12[%add3A_373, %and3A_341] : memref<384x16xf32, #tpu.memory_space<vmem>>[vector<16xi32>, vector<16xi32>], vector<16xf32>,
                %add3A_375 = arith.constant 256 : i32
                %add3A_376 = vector.broadcast %add3A_375 : i32 to vector<16xi32>
                %add3A_377 = arith.addi %shift_right_arithmetic3A_344, %add3A_376 : vector<16xi32>
                %gather3A_378 = tpu.vector_load_idx %arg12[%add3A_377, %and3A_347] : memref<384x16xf32, #tpu.memory_space<vmem>>[vector<16xi32>, vector<16xi32>], vector<16xf32>,
                %sub3A_379 = arith.subf %gather3A_378, %gather3A_374 : vector<16xf32>
                %get3A_380 = arith.index_cast %mul3A_331 : i32 to index
                %get3A_381 = tpu.vector_load %arg23[%get3A_380] {strides = array<i32>} : memref<1024xf32, #tpu.memory_space<vmem>>, vector<16xf32>,
                %add3A_382 = arith.addf %sub3A_379, %get3A_381 : vector<16xf32>
                %mul3A_383 = arith.mulf %add3A_358, %add3A_358 : vector<16xf32>
                %mul3A_384 = arith.mulf %add3A_370, %add3A_370 : vector<16xf32>
                %add3A_385 = arith.addf %mul3A_383, %mul3A_384 : vector<16xf32>
                %mul3A_386 = arith.mulf %add3A_382, %add3A_382 : vector<16xf32>
                %add3A_387 = arith.addf %add3A_385, %mul3A_386 : vector<16xf32>
                %bitcast_convert_type3A = tpu.bitcast %add3A_387 : vector<16xf32> -> vector<16xi32>
                %shift_right_arithmetic3A_388 = arith.constant 1 : i32
                %shift_right_arithmetic3A_389 = vector.broadcast %shift_right_arithmetic3A_388 : i32 to vector<16xi32>
                %shift_right_arithmetic3A_390 = arith.shrsi %bitcast_convert_type3A, %shift_right_arithmetic3A_389 : vector<16xi32>
                %sub3A_391 = arith.constant 1597463007 : i32
                %sub3A_392 = vector.broadcast %sub3A_391 : i32 to vector<16xi32>
                %sub3A_393 = arith.subi %sub3A_392, %shift_right_arithmetic3A_390 : vector<16xi32>
                %bitcast_convert_type3A_394 = tpu.bitcast %sub3A_393 : vector<16xi32> -> vector<16xf32>
                %mul3A_395 = arith.constant 5.000000e-01 : f32
                %mul3A_396 = vector.broadcast %mul3A_395 : f32 to vector<16xf32>
                %mul3A_397 = arith.mulf %mul3A_396, %add3A_387 : vector<16xf32>
                %mul3A_398 = arith.mulf %mul3A_397, %bitcast_convert_type3A_394 : vector<16xf32>
                %mul3A_399 = arith.mulf %mul3A_398, %bitcast_convert_type3A_394 : vector<16xf32>
                %sub3A_400 = arith.constant 1.500000e+00 : f32
                %sub3A_401 = vector.broadcast %sub3A_400 : f32 to vector<16xf32>
                %sub3A_402 = arith.subf %sub3A_401, %mul3A_399 : vector<16xf32>
                %mul3A_403 = arith.mulf %bitcast_convert_type3A_394, %sub3A_402 : vector<16xf32>
                %mul3A_404 = arith.constant 1.000000e+01 : f32
                %mul3A_405 = vector.broadcast %mul3A_404 : f32 to vector<16xf32>
                %mul3A_406 = arith.mulf %mul3A_405, %mul3A_403 : vector<16xf32>
                %sub3A_407 = arith.constant 2.000000e+00 : f32
                %sub3A_408 = vector.broadcast %sub3A_407 : f32 to vector<16xf32>
                %sub3A_409 = arith.subf %sub3A_408, %mul3A_406 : vector<16xf32>
                %add3A_410 = arith.constant 0 : i32
                %add3A_411 = vector.broadcast %add3A_410 : i32 to vector<16xi32>
                %add3A_412 = arith.addi %shift_right_arithmetic3A_338, %add3A_411 : vector<16xi32>
                %mul3A_413 = arith.mulf %sub3A_409, %add3A_358 : vector<16xf32>
                tpu.vector_store_idx %arg13[%add3A_412, %and3A_341], %mul3A_413 {add = true} : memref<384x16xf32, #tpu.memory_space<vmem>>[vector<16xi32>, vector<16xi32>], vector<16xf32>,
                %add3A_414 = arith.constant 128 : i32
                %add3A_415 = vector.broadcast %add3A_414 : i32 to vector<16xi32>
                %add3A_416 = arith.addi %shift_right_arithmetic3A_338, %add3A_415 : vector<16xi32>
                %mul3A_417 = arith.mulf %sub3A_409, %add3A_370 : vector<16xf32>
                tpu.vector_store_idx %arg13[%add3A_416, %and3A_341], %mul3A_417 {add = true} : memref<384x16xf32, #tpu.memory_space<vmem>>[vector<16xi32>, vector<16xi32>], vector<16xf32>,
                %add3A_418 = arith.constant 256 : i32
                %add3A_419 = vector.broadcast %add3A_418 : i32 to vector<16xi32>
                %add3A_420 = arith.addi %shift_right_arithmetic3A_338, %add3A_419 : vector<16xi32>
                %mul3A_421 = arith.mulf %sub3A_409, %add3A_382 : vector<16xf32>
                tpu.vector_store_idx %arg13[%add3A_420, %and3A_341], %mul3A_421 {add = true} : memref<384x16xf32, #tpu.memory_space<vmem>>[vector<16xi32>, vector<16xi32>], vector<16xf32>,
              }
              %scan3A_328 = arith.constant 64 : i32
            } else {
            }
            %not3A = arith.constant true
            %not3A_320 = arith.xori %and3A_316, %not3A : i1
            %convert_element_type3A_321 = arith.extui %not3A_320 : i1 to i32
            %cond3A_322 = arith.constant 0 : i32
            %cond3A_323 = arith.cmpi ne, %convert_element_type3A_321, %cond3A_322 : i32
            scf.if %cond3A_323 {
              %scan3A = arith.constant 0 : i32
              %scan3A_324 = arith.constant 0 : i32
              %scan3A_325 = arith.constant 64 : i32
              %scan3A_326 = arith.addi %scan3A_324, %scan3A_325 : i32
              %scan3A_327 = arith.constant 1 : i32
              scf.for %scan3A_329 = %scan3A_324 to %scan3A_326 step %scan3A_327  : i32 {
                %mul3A_330 = arith.constant 16 : i32
                %mul3A_331 = arith.muli %scan3A_329, %mul3A_330 : i32
                %get3A_332 = arith.index_cast %mul3A_331 : i32 to index
                %get3A_333 = tpu.vector_load %arg19[%get3A_332] {strides = array<i32>} : memref<1024xi32, #tpu.memory_space<vmem>>, vector<16xi32>,
                %get3A_334 = arith.index_cast %mul3A_331 : i32 to index
                %get3A_335 = tpu.vector_load %arg20[%get3A_334] {strides = array<i32>} : memref<1024xi32, #tpu.memory_space<vmem>>, vector<16xi32>,
                %shift_right_arithmetic3A_336 = arith.constant 4 : i32
                %shift_right_arithmetic3A_337 = vector.broadcast %shift_right_arithmetic3A_336 : i32 to vector<16xi32>
                %shift_right_arithmetic3A_338 = arith.shrsi %get3A_333, %shift_right_arithmetic3A_337 : vector<16xi32>
                %and3A_339 = arith.constant 15 : i32
                %and3A_340 = vector.broadcast %and3A_339 : i32 to vector<16xi32>
                %and3A_341 = arith.andi %get3A_333, %and3A_340 : vector<16xi32>
                %shift_right_arithmetic3A_342 = arith.constant 4 : i32
                %shift_right_arithmetic3A_343 = vector.broadcast %shift_right_arithmetic3A_342 : i32 to vector<16xi32>
                %shift_right_arithmetic3A_344 = arith.shrsi %get3A_335, %shift_right_arithmetic3A_343 : vector<16xi32>
                %and3A_345 = arith.constant 15 : i32
                %and3A_346 = vector.broadcast %and3A_345 : i32 to vector<16xi32>
                %and3A_347 = arith.andi %get3A_335, %and3A_346 : vector<16xi32>
                %add3A_348 = arith.constant 0 : i32
                %add3A_349 = vector.broadcast %add3A_348 : i32 to vector<16xi32>
                %add3A_350 = arith.addi %shift_right_arithmetic3A_338, %add3A_349 : vector<16xi32>
                %gather3A = tpu.vector_load_idx %arg12[%add3A_350, %and3A_341] : memref<384x16xf32, #tpu.memory_space<vmem>>[vector<16xi32>, vector<16xi32>], vector<16xf32>,
                %add3A_351 = arith.constant 0 : i32
                %add3A_352 = vector.broadcast %add3A_351 : i32 to vector<16xi32>
                %add3A_353 = arith.addi %shift_right_arithmetic3A_344, %add3A_352 : vector<16xi32>
                %gather3A_354 = tpu.vector_load_idx %arg12[%add3A_353, %and3A_347] : memref<384x16xf32, #tpu.memory_space<vmem>>[vector<16xi32>, vector<16xi32>], vector<16xf32>,
                %sub3A_355 = arith.subf %gather3A_354, %gather3A : vector<16xf32>
                %get3A_356 = arith.index_cast %mul3A_331 : i32 to index
                %get3A_357 = tpu.vector_load %arg21[%get3A_356] {strides = array<i32>} : memref<1024xf32, #tpu.memory_space<vmem>>, vector<16xf32>,
                %add3A_358 = arith.addf %sub3A_355, %get3A_357 : vector<16xf32>
                %add3A_359 = arith.constant 128 : i32
                %add3A_360 = vector.broadcast %add3A_359 : i32 to vector<16xi32>
                %add3A_361 = arith.addi %shift_right_arithmetic3A_338, %add3A_360 : vector<16xi32>
                %gather3A_362 = tpu.vector_load_idx %arg12[%add3A_361, %and3A_341] : memref<384x16xf32, #tpu.memory_space<vmem>>[vector<16xi32>, vector<16xi32>], vector<16xf32>,
                %add3A_363 = arith.constant 128 : i32
                %add3A_364 = vector.broadcast %add3A_363 : i32 to vector<16xi32>
                %add3A_365 = arith.addi %shift_right_arithmetic3A_344, %add3A_364 : vector<16xi32>
                %gather3A_366 = tpu.vector_load_idx %arg12[%add3A_365, %and3A_347] : memref<384x16xf32, #tpu.memory_space<vmem>>[vector<16xi32>, vector<16xi32>], vector<16xf32>,
                %sub3A_367 = arith.subf %gather3A_366, %gather3A_362 : vector<16xf32>
                %get3A_368 = arith.index_cast %mul3A_331 : i32 to index
                %get3A_369 = tpu.vector_load %arg22[%get3A_368] {strides = array<i32>} : memref<1024xf32, #tpu.memory_space<vmem>>, vector<16xf32>,
                %add3A_370 = arith.addf %sub3A_367, %get3A_369 : vector<16xf32>
                %add3A_371 = arith.constant 256 : i32
                %add3A_372 = vector.broadcast %add3A_371 : i32 to vector<16xi32>
                %add3A_373 = arith.addi %shift_right_arithmetic3A_338, %add3A_372 : vector<16xi32>
                %gather3A_374 = tpu.vector_load_idx %arg12[%add3A_373, %and3A_341] : memref<384x16xf32, #tpu.memory_space<vmem>>[vector<16xi32>, vector<16xi32>], vector<16xf32>,
                %add3A_375 = arith.constant 256 : i32
                %add3A_376 = vector.broadcast %add3A_375 : i32 to vector<16xi32>
                %add3A_377 = arith.addi %shift_right_arithmetic3A_344, %add3A_376 : vector<16xi32>
                %gather3A_378 = tpu.vector_load_idx %arg12[%add3A_377, %and3A_347] : memref<384x16xf32, #tpu.memory_space<vmem>>[vector<16xi32>, vector<16xi32>], vector<16xf32>,
                %sub3A_379 = arith.subf %gather3A_378, %gather3A_374 : vector<16xf32>
                %get3A_380 = arith.index_cast %mul3A_331 : i32 to index
                %get3A_381 = tpu.vector_load %arg23[%get3A_380] {strides = array<i32>} : memref<1024xf32, #tpu.memory_space<vmem>>, vector<16xf32>,
                %add3A_382 = arith.addf %sub3A_379, %get3A_381 : vector<16xf32>
                %mul3A_383 = arith.mulf %add3A_358, %add3A_358 : vector<16xf32>
                %mul3A_384 = arith.mulf %add3A_370, %add3A_370 : vector<16xf32>
                %add3A_385 = arith.addf %mul3A_383, %mul3A_384 : vector<16xf32>
                %mul3A_386 = arith.mulf %add3A_382, %add3A_382 : vector<16xf32>
                %add3A_387 = arith.addf %add3A_385, %mul3A_386 : vector<16xf32>
                %bitcast_convert_type3A = tpu.bitcast %add3A_387 : vector<16xf32> -> vector<16xi32>
                %shift_right_arithmetic3A_388 = arith.constant 1 : i32
                %shift_right_arithmetic3A_389 = vector.broadcast %shift_right_arithmetic3A_388 : i32 to vector<16xi32>
                %shift_right_arithmetic3A_390 = arith.shrsi %bitcast_convert_type3A, %shift_right_arithmetic3A_389 : vector<16xi32>
                %sub3A_391 = arith.constant 1597463007 : i32
                %sub3A_392 = vector.broadcast %sub3A_391 : i32 to vector<16xi32>
                %sub3A_393 = arith.subi %sub3A_392, %shift_right_arithmetic3A_390 : vector<16xi32>
                %bitcast_convert_type3A_394 = tpu.bitcast %sub3A_393 : vector<16xi32> -> vector<16xf32>
                %mul3A_395 = arith.constant 5.000000e-01 : f32
                %mul3A_396 = vector.broadcast %mul3A_395 : f32 to vector<16xf32>
                %mul3A_397 = arith.mulf %mul3A_396, %add3A_387 : vector<16xf32>
                %mul3A_398 = arith.mulf %mul3A_397, %bitcast_convert_type3A_394 : vector<16xf32>
                %mul3A_399 = arith.mulf %mul3A_398, %bitcast_convert_type3A_394 : vector<16xf32>
                %sub3A_400 = arith.constant 1.500000e+00 : f32
                %sub3A_401 = vector.broadcast %sub3A_400 : f32 to vector<16xf32>
                %sub3A_402 = arith.subf %sub3A_401, %mul3A_399 : vector<16xf32>
                %mul3A_403 = arith.mulf %bitcast_convert_type3A_394, %sub3A_402 : vector<16xf32>
                %mul3A_404 = arith.constant 1.000000e+01 : f32
                %mul3A_405 = vector.broadcast %mul3A_404 : f32 to vector<16xf32>
                %mul3A_406 = arith.mulf %mul3A_405, %mul3A_403 : vector<16xf32>
                %sub3A_407 = arith.constant 2.000000e+00 : f32
                %sub3A_408 = vector.broadcast %sub3A_407 : f32 to vector<16xf32>
                %sub3A_409 = arith.subf %sub3A_408, %mul3A_406 : vector<16xf32>
                %add3A_410 = arith.addi %mul3A_312, %mul3A_331 : i32
                %add3A_411 = vector.broadcast %add3A_410 : i32 to vector<16xi32>
                %add3A_412 = arith.addi %iota3A, %add3A_411 : vector<16xi32>
                %ge3A_413 = vector.broadcast %max3A_224 : i32 to vector<16xi32>
                %ge3A_414 = arith.cmpi sge, %add3A_412, %ge3A_413 : vector<16xi32>
                %lt3A_415 = vector.broadcast %min3A_225 : i32 to vector<16xi32>
                %lt3A_416 = arith.cmpi slt, %add3A_412, %lt3A_415 : vector<16xi32>
                %and3A_417 = arith.andi %ge3A_414, %lt3A_416 : vector<16xi1>
                %add3A_418 = arith.constant 0 : i32
                %add3A_419 = vector.broadcast %add3A_418 : i32 to vector<16xi32>
                %add3A_420 = arith.addi %shift_right_arithmetic3A_338, %add3A_419 : vector<16xi32>
                %mul3A_421 = arith.mulf %sub3A_409, %add3A_358 : vector<16xf32>
                tpu.vector_store_idx %arg13[%add3A_420, %and3A_341], %mul3A_421 masked %and3A_417 {add = true} : memref<384x16xf32, #tpu.memory_space<vmem>>[vector<16xi32>, vector<16xi32>], vector<16xf32>, vector<16xi1>
                %add3A_422 = arith.constant 128 : i32
                %add3A_423 = vector.broadcast %add3A_422 : i32 to vector<16xi32>
                %add3A_424 = arith.addi %shift_right_arithmetic3A_338, %add3A_423 : vector<16xi32>
                %mul3A_425 = arith.mulf %sub3A_409, %add3A_370 : vector<16xf32>
                tpu.vector_store_idx %arg13[%add3A_424, %and3A_341], %mul3A_425 masked %and3A_417 {add = true} : memref<384x16xf32, #tpu.memory_space<vmem>>[vector<16xi32>, vector<16xi32>], vector<16xf32>, vector<16xi1>
                %add3A_426 = arith.constant 256 : i32
                %add3A_427 = vector.broadcast %add3A_426 : i32 to vector<16xi32>
                %add3A_428 = arith.addi %shift_right_arithmetic3A_338, %add3A_427 : vector<16xi32>
                %mul3A_429 = arith.mulf %sub3A_409, %add3A_382 : vector<16xf32>
                tpu.vector_store_idx %arg13[%add3A_428, %and3A_341], %mul3A_429 masked %and3A_417 {add = true} : memref<384x16xf32, #tpu.memory_space<vmem>>[vector<16xi32>, vector<16xi32>], vector<16xf32>, vector<16xi1>
              }
              %scan3A_328 = arith.constant 64 : i32
            } else {
            }
          } else {
          }
        }
        %while3A_266 = arith.constant 1 : i32
        scf.for %while3A_267 = %while3A_264 to %while3A_260 step %while3A_266  : i32 {
          %mul3A_268 = arith.constant 2 : i32
          %mul3A_269 = arith.muli %mul3A_268, %while3A_267 : i32
          %add3A_270 = arith.addi %shift_right_arithmetic3A_228, %mul3A_269 : i32
          %add3A_271 = arith.constant 0 : i32
          %add3A_272 = arith.addi %add3A_270, %add3A_271 : i32
          %lt3A_273 = arith.cmpi slt, %add3A_272, %shift_right_arithmetic3A_232 : i32
          %convert_element_type3A_274 = arith.extui %lt3A_273 : i1 to i32
          %cond3A_275 = arith.constant 0 : i32
          %cond3A_276 = arith.cmpi ne, %convert_element_type3A_274, %cond3A_275 : i32
          scf.if %cond3A_276 {
            %add3A_286 = arith.constant 1 : i32
            %add3A_287 = arith.addi %add3A_272, %add3A_286 : i32
            %lt3A_288 = arith.cmpi slt, %add3A_287, %shift_right_arithmetic3A_232 : i32
            %convert_element_type3A_289 = arith.extui %lt3A_288 : i1 to i32
            %cond3A_290 = arith.constant 0 : i32
            %cond3A_291 = arith.cmpi ne, %convert_element_type3A_289, %cond3A_290 : i32
            scf.if %cond3A_291 {
              %add3A_324 = arith.constant 1 : i32
              %add3A_325 = arith.addi %add3A_272, %add3A_324 : i32
              %mul3A_326 = arith.constant 1024 : i32
              %mul3A_327 = arith.muli %add3A_325, %mul3A_326 : i32
              %dma_start3A_328 = tpu.memref_slice %arg4[%mul3A_327] : memref<6400000xi32, #tpu.memory_space<hbm>> -> memref<1024xi32, #tpu.memory_space<hbm>>
              %dma_start3A_329 = tpu.memref_slice %arg4[%mul3A_327] : memref<6400000xi32, #tpu.memory_space<hbm>> -> memref<1024xi32, #tpu.memory_space<hbm>>
              tpu.enqueue_dma source(%dma_start3A_329 : memref<1024xi32, #tpu.memory_space<hbm>>) target(%arg19 : memref<1024xi32, #tpu.memory_space<vmem>>) target_semaphore(%arg25 : memref<!tpu.dma_semaphore, #tpu.memory_space<semaphore_mem>>)
              %mul3A_330 = arith.constant 1024 : i32
              %mul3A_331 = arith.muli %add3A_325, %mul3A_330 : i32
              %dma_start3A_332 = tpu.memref_slice %arg5[%mul3A_331] : memref<6400000xi32, #tpu.memory_space<hbm>> -> memref<1024xi32, #tpu.memory_space<hbm>>
              %dma_start3A_333 = tpu.memref_slice %arg5[%mul3A_331] : memref<6400000xi32, #tpu.memory_space<hbm>> -> memref<1024xi32, #tpu.memory_space<hbm>>
              tpu.enqueue_dma source(%dma_start3A_333 : memref<1024xi32, #tpu.memory_space<hbm>>) target(%arg20 : memref<1024xi32, #tpu.memory_space<vmem>>) target_semaphore(%arg25 : memref<!tpu.dma_semaphore, #tpu.memory_space<semaphore_mem>>)
              %mul3A_334 = arith.constant 1024 : i32
              %mul3A_335 = arith.muli %add3A_325, %mul3A_334 : i32
              %dma_start3A_336 = tpu.memref_slice %arg6[%mul3A_335] : memref<6400000xf32, #tpu.memory_space<hbm>> -> memref<1024xf32, #tpu.memory_space<hbm>>
              %dma_start3A_337 = tpu.memref_slice %arg6[%mul3A_335] : memref<6400000xf32, #tpu.memory_space<hbm>> -> memref<1024xf32, #tpu.memory_space<hbm>>
              tpu.enqueue_dma source(%dma_start3A_337 : memref<1024xf32, #tpu.memory_space<hbm>>) target(%arg21 : memref<1024xf32, #tpu.memory_space<vmem>>) target_semaphore(%arg25 : memref<!tpu.dma_semaphore, #tpu.memory_space<semaphore_mem>>)
              %mul3A_338 = arith.constant 1024 : i32
              %mul3A_339 = arith.muli %add3A_325, %mul3A_338 : i32
              %dma_start3A_340 = tpu.memref_slice %arg7[%mul3A_339] : memref<6400000xf32, #tpu.memory_space<hbm>> -> memref<1024xf32, #tpu.memory_space<hbm>>
              %dma_start3A_341 = tpu.memref_slice %arg7[%mul3A_339] : memref<6400000xf32, #tpu.memory_space<hbm>> -> memref<1024xf32, #tpu.memory_space<hbm>>
              tpu.enqueue_dma source(%dma_start3A_341 : memref<1024xf32, #tpu.memory_space<hbm>>) target(%arg22 : memref<1024xf32, #tpu.memory_space<vmem>>) target_semaphore(%arg25 : memref<!tpu.dma_semaphore, #tpu.memory_space<semaphore_mem>>)
              %mul3A_342 = arith.constant 1024 : i32
              %mul3A_343 = arith.muli %add3A_325, %mul3A_342 : i32
              %dma_start3A_344 = tpu.memref_slice %arg8[%mul3A_343] : memref<6400000xf32, #tpu.memory_space<hbm>> -> memref<1024xf32, #tpu.memory_space<hbm>>
              %dma_start3A_345 = tpu.memref_slice %arg8[%mul3A_343] : memref<6400000xf32, #tpu.memory_space<hbm>> -> memref<1024xf32, #tpu.memory_space<hbm>>
              tpu.enqueue_dma source(%dma_start3A_345 : memref<1024xf32, #tpu.memory_space<hbm>>) target(%arg23 : memref<1024xf32, #tpu.memory_space<vmem>>) target_semaphore(%arg25 : memref<!tpu.dma_semaphore, #tpu.memory_space<semaphore_mem>>)
            } else {
            }
            %dma_wait3A = arith.constant 0 : i32
            %dma_wait3A_292 = tpu.memref_slice %arg4[%dma_wait3A] : memref<6400000xi32, #tpu.memory_space<hbm>> -> memref<1024xi32, #tpu.memory_space<hbm>>
            %dma_wait3A_293 = arith.constant 0 : i32
            %dma_wait3A_294 = tpu.memref_slice %arg4[%dma_wait3A_293] : memref<6400000xi32, #tpu.memory_space<hbm>> -> memref<1024xi32, #tpu.memory_space<hbm>>
            tpu.wait_dma2 semaphore(%arg24 : memref<!tpu.dma_semaphore, #tpu.memory_space<semaphore_mem>>) src(%dma_wait3A_294 : memref<1024xi32, #tpu.memory_space<hbm>>) dst(%arg14 : memref<1024xi32, #tpu.memory_space<vmem>>)
            %dma_wait3A_295 = arith.constant 0 : i32
            %dma_wait3A_296 = tpu.memref_slice %arg5[%dma_wait3A_295] : memref<6400000xi32, #tpu.memory_space<hbm>> -> memref<1024xi32, #tpu.memory_space<hbm>>
            %dma_wait3A_297 = arith.constant 0 : i32
            %dma_wait3A_298 = tpu.memref_slice %arg5[%dma_wait3A_297] : memref<6400000xi32, #tpu.memory_space<hbm>> -> memref<1024xi32, #tpu.memory_space<hbm>>
            tpu.wait_dma2 semaphore(%arg24 : memref<!tpu.dma_semaphore, #tpu.memory_space<semaphore_mem>>) src(%dma_wait3A_298 : memref<1024xi32, #tpu.memory_space<hbm>>) dst(%arg15 : memref<1024xi32, #tpu.memory_space<vmem>>)
            %dma_wait3A_299 = arith.constant 0 : i32
            %dma_wait3A_300 = tpu.memref_slice %arg6[%dma_wait3A_299] : memref<6400000xf32, #tpu.memory_space<hbm>> -> memref<1024xf32, #tpu.memory_space<hbm>>
            %dma_wait3A_301 = arith.constant 0 : i32
            %dma_wait3A_302 = tpu.memref_slice %arg6[%dma_wait3A_301] : memref<6400000xf32, #tpu.memory_space<hbm>> -> memref<1024xf32, #tpu.memory_space<hbm>>
            tpu.wait_dma2 semaphore(%arg24 : memref<!tpu.dma_semaphore, #tpu.memory_space<semaphore_mem>>) src(%dma_wait3A_302 : memref<1024xf32, #tpu.memory_space<hbm>>) dst(%arg16 : memref<1024xf32, #tpu.memory_space<vmem>>)
            %dma_wait3A_303 = arith.constant 0 : i32
            %dma_wait3A_304 = tpu.memref_slice %arg7[%dma_wait3A_303] : memref<6400000xf32, #tpu.memory_space<hbm>> -> memref<1024xf32, #tpu.memory_space<hbm>>
            %dma_wait3A_305 = arith.constant 0 : i32
            %dma_wait3A_306 = tpu.memref_slice %arg7[%dma_wait3A_305] : memref<6400000xf32, #tpu.memory_space<hbm>> -> memref<1024xf32, #tpu.memory_space<hbm>>
            tpu.wait_dma2 semaphore(%arg24 : memref<!tpu.dma_semaphore, #tpu.memory_space<semaphore_mem>>) src(%dma_wait3A_306 : memref<1024xf32, #tpu.memory_space<hbm>>) dst(%arg17 : memref<1024xf32, #tpu.memory_space<vmem>>)
            %dma_wait3A_307 = arith.constant 0 : i32
            %dma_wait3A_308 = tpu.memref_slice %arg8[%dma_wait3A_307] : memref<6400000xf32, #tpu.memory_space<hbm>> -> memref<1024xf32, #tpu.memory_space<hbm>>
            %dma_wait3A_309 = arith.constant 0 : i32
            %dma_wait3A_310 = tpu.memref_slice %arg8[%dma_wait3A_309] : memref<6400000xf32, #tpu.memory_space<hbm>> -> memref<1024xf32, #tpu.memory_space<hbm>>
            tpu.wait_dma2 semaphore(%arg24 : memref<!tpu.dma_semaphore, #tpu.memory_space<semaphore_mem>>) src(%dma_wait3A_310 : memref<1024xf32, #tpu.memory_space<hbm>>) dst(%arg18 : memref<1024xf32, #tpu.memory_space<vmem>>)
            %mul3A_311 = arith.constant 1024 : i32
            %mul3A_312 = arith.muli %add3A_272, %mul3A_311 : i32
            %ge3A = arith.cmpi sge, %mul3A_312, %max3A_224 : i32
            %add3A_313 = arith.constant 1024 : i32
            %add3A_314 = arith.addi %mul3A_312, %add3A_313 : i32
            %le3A_315 = arith.cmpi sle, %add3A_314, %min3A_225 : i32
            %and3A_316 = arith.andi %ge3A, %le3A_315 : i1
            %convert_element_type3A_317 = arith.extui %and3A_316 : i1 to i32
            %cond3A_318 = arith.constant 0 : i32
            %cond3A_319 = arith.cmpi ne, %convert_element_type3A_317, %cond3A_318 : i32
            scf.if %cond3A_319 {
              %scan3A = arith.constant 0 : i32
              %scan3A_324 = arith.constant 0 : i32
              %scan3A_325 = arith.constant 64 : i32
              %scan3A_326 = arith.addi %scan3A_324, %scan3A_325 : i32
              %scan3A_327 = arith.constant 1 : i32
              scf.for %scan3A_329 = %scan3A_324 to %scan3A_326 step %scan3A_327  : i32 {
                %mul3A_330 = arith.constant 16 : i32
                %mul3A_331 = arith.muli %scan3A_329, %mul3A_330 : i32
                %get3A_332 = arith.index_cast %mul3A_331 : i32 to index
                %get3A_333 = tpu.vector_load %arg14[%get3A_332] {strides = array<i32>} : memref<1024xi32, #tpu.memory_space<vmem>>, vector<16xi32>,
                %get3A_334 = arith.index_cast %mul3A_331 : i32 to index
                %get3A_335 = tpu.vector_load %arg15[%get3A_334] {strides = array<i32>} : memref<1024xi32, #tpu.memory_space<vmem>>, vector<16xi32>,
                %shift_right_arithmetic3A_336 = arith.constant 4 : i32
                %shift_right_arithmetic3A_337 = vector.broadcast %shift_right_arithmetic3A_336 : i32 to vector<16xi32>
                %shift_right_arithmetic3A_338 = arith.shrsi %get3A_333, %shift_right_arithmetic3A_337 : vector<16xi32>
                %and3A_339 = arith.constant 15 : i32
                %and3A_340 = vector.broadcast %and3A_339 : i32 to vector<16xi32>
                %and3A_341 = arith.andi %get3A_333, %and3A_340 : vector<16xi32>
                %shift_right_arithmetic3A_342 = arith.constant 4 : i32
                %shift_right_arithmetic3A_343 = vector.broadcast %shift_right_arithmetic3A_342 : i32 to vector<16xi32>
                %shift_right_arithmetic3A_344 = arith.shrsi %get3A_335, %shift_right_arithmetic3A_343 : vector<16xi32>
                %and3A_345 = arith.constant 15 : i32
                %and3A_346 = vector.broadcast %and3A_345 : i32 to vector<16xi32>
                %and3A_347 = arith.andi %get3A_335, %and3A_346 : vector<16xi32>
                %add3A_348 = arith.constant 0 : i32
                %add3A_349 = vector.broadcast %add3A_348 : i32 to vector<16xi32>
                %add3A_350 = arith.addi %shift_right_arithmetic3A_338, %add3A_349 : vector<16xi32>
                %gather3A = tpu.vector_load_idx %arg12[%add3A_350, %and3A_341] : memref<384x16xf32, #tpu.memory_space<vmem>>[vector<16xi32>, vector<16xi32>], vector<16xf32>,
                %add3A_351 = arith.constant 0 : i32
                %add3A_352 = vector.broadcast %add3A_351 : i32 to vector<16xi32>
                %add3A_353 = arith.addi %shift_right_arithmetic3A_344, %add3A_352 : vector<16xi32>
                %gather3A_354 = tpu.vector_load_idx %arg12[%add3A_353, %and3A_347] : memref<384x16xf32, #tpu.memory_space<vmem>>[vector<16xi32>, vector<16xi32>], vector<16xf32>,
                %sub3A_355 = arith.subf %gather3A_354, %gather3A : vector<16xf32>
                %get3A_356 = arith.index_cast %mul3A_331 : i32 to index
                %get3A_357 = tpu.vector_load %arg16[%get3A_356] {strides = array<i32>} : memref<1024xf32, #tpu.memory_space<vmem>>, vector<16xf32>,
                %add3A_358 = arith.addf %sub3A_355, %get3A_357 : vector<16xf32>
                %add3A_359 = arith.constant 128 : i32
                %add3A_360 = vector.broadcast %add3A_359 : i32 to vector<16xi32>
                %add3A_361 = arith.addi %shift_right_arithmetic3A_338, %add3A_360 : vector<16xi32>
                %gather3A_362 = tpu.vector_load_idx %arg12[%add3A_361, %and3A_341] : memref<384x16xf32, #tpu.memory_space<vmem>>[vector<16xi32>, vector<16xi32>], vector<16xf32>,
                %add3A_363 = arith.constant 128 : i32
                %add3A_364 = vector.broadcast %add3A_363 : i32 to vector<16xi32>
                %add3A_365 = arith.addi %shift_right_arithmetic3A_344, %add3A_364 : vector<16xi32>
                %gather3A_366 = tpu.vector_load_idx %arg12[%add3A_365, %and3A_347] : memref<384x16xf32, #tpu.memory_space<vmem>>[vector<16xi32>, vector<16xi32>], vector<16xf32>,
                %sub3A_367 = arith.subf %gather3A_366, %gather3A_362 : vector<16xf32>
                %get3A_368 = arith.index_cast %mul3A_331 : i32 to index
                %get3A_369 = tpu.vector_load %arg17[%get3A_368] {strides = array<i32>} : memref<1024xf32, #tpu.memory_space<vmem>>, vector<16xf32>,
                %add3A_370 = arith.addf %sub3A_367, %get3A_369 : vector<16xf32>
                %add3A_371 = arith.constant 256 : i32
                %add3A_372 = vector.broadcast %add3A_371 : i32 to vector<16xi32>
                %add3A_373 = arith.addi %shift_right_arithmetic3A_338, %add3A_372 : vector<16xi32>
                %gather3A_374 = tpu.vector_load_idx %arg12[%add3A_373, %and3A_341] : memref<384x16xf32, #tpu.memory_space<vmem>>[vector<16xi32>, vector<16xi32>], vector<16xf32>,
                %add3A_375 = arith.constant 256 : i32
                %add3A_376 = vector.broadcast %add3A_375 : i32 to vector<16xi32>
                %add3A_377 = arith.addi %shift_right_arithmetic3A_344, %add3A_376 : vector<16xi32>
                %gather3A_378 = tpu.vector_load_idx %arg12[%add3A_377, %and3A_347] : memref<384x16xf32, #tpu.memory_space<vmem>>[vector<16xi32>, vector<16xi32>], vector<16xf32>,
                %sub3A_379 = arith.subf %gather3A_378, %gather3A_374 : vector<16xf32>
                %get3A_380 = arith.index_cast %mul3A_331 : i32 to index
                %get3A_381 = tpu.vector_load %arg18[%get3A_380] {strides = array<i32>} : memref<1024xf32, #tpu.memory_space<vmem>>, vector<16xf32>,
                %add3A_382 = arith.addf %sub3A_379, %get3A_381 : vector<16xf32>
                %mul3A_383 = arith.mulf %add3A_358, %add3A_358 : vector<16xf32>
                %mul3A_384 = arith.mulf %add3A_370, %add3A_370 : vector<16xf32>
                %add3A_385 = arith.addf %mul3A_383, %mul3A_384 : vector<16xf32>
                %mul3A_386 = arith.mulf %add3A_382, %add3A_382 : vector<16xf32>
                %add3A_387 = arith.addf %add3A_385, %mul3A_386 : vector<16xf32>
                %bitcast_convert_type3A = tpu.bitcast %add3A_387 : vector<16xf32> -> vector<16xi32>
                %shift_right_arithmetic3A_388 = arith.constant 1 : i32
                %shift_right_arithmetic3A_389 = vector.broadcast %shift_right_arithmetic3A_388 : i32 to vector<16xi32>
                %shift_right_arithmetic3A_390 = arith.shrsi %bitcast_convert_type3A, %shift_right_arithmetic3A_389 : vector<16xi32>
                %sub3A_391 = arith.constant 1597463007 : i32
                %sub3A_392 = vector.broadcast %sub3A_391 : i32 to vector<16xi32>
                %sub3A_393 = arith.subi %sub3A_392, %shift_right_arithmetic3A_390 : vector<16xi32>
                %bitcast_convert_type3A_394 = tpu.bitcast %sub3A_393 : vector<16xi32> -> vector<16xf32>
                %mul3A_395 = arith.constant 5.000000e-01 : f32
                %mul3A_396 = vector.broadcast %mul3A_395 : f32 to vector<16xf32>
                %mul3A_397 = arith.mulf %mul3A_396, %add3A_387 : vector<16xf32>
                %mul3A_398 = arith.mulf %mul3A_397, %bitcast_convert_type3A_394 : vector<16xf32>
                %mul3A_399 = arith.mulf %mul3A_398, %bitcast_convert_type3A_394 : vector<16xf32>
                %sub3A_400 = arith.constant 1.500000e+00 : f32
                %sub3A_401 = vector.broadcast %sub3A_400 : f32 to vector<16xf32>
                %sub3A_402 = arith.subf %sub3A_401, %mul3A_399 : vector<16xf32>
                %mul3A_403 = arith.mulf %bitcast_convert_type3A_394, %sub3A_402 : vector<16xf32>
                %mul3A_404 = arith.constant 1.000000e+01 : f32
                %mul3A_405 = vector.broadcast %mul3A_404 : f32 to vector<16xf32>
                %mul3A_406 = arith.mulf %mul3A_405, %mul3A_403 : vector<16xf32>
                %sub3A_407 = arith.constant 2.000000e+00 : f32
                %sub3A_408 = vector.broadcast %sub3A_407 : f32 to vector<16xf32>
                %sub3A_409 = arith.subf %sub3A_408, %mul3A_406 : vector<16xf32>
                %add3A_410 = arith.constant 0 : i32
                %add3A_411 = vector.broadcast %add3A_410 : i32 to vector<16xi32>
                %add3A_412 = arith.addi %shift_right_arithmetic3A_338, %add3A_411 : vector<16xi32>
                %mul3A_413 = arith.mulf %sub3A_409, %add3A_358 : vector<16xf32>
                tpu.vector_store_idx %arg13[%add3A_412, %and3A_341], %mul3A_413 {add = true} : memref<384x16xf32, #tpu.memory_space<vmem>>[vector<16xi32>, vector<16xi32>], vector<16xf32>,
                %add3A_414 = arith.constant 128 : i32
                %add3A_415 = vector.broadcast %add3A_414 : i32 to vector<16xi32>
                %add3A_416 = arith.addi %shift_right_arithmetic3A_338, %add3A_415 : vector<16xi32>
                %mul3A_417 = arith.mulf %sub3A_409, %add3A_370 : vector<16xf32>
                tpu.vector_store_idx %arg13[%add3A_416, %and3A_341], %mul3A_417 {add = true} : memref<384x16xf32, #tpu.memory_space<vmem>>[vector<16xi32>, vector<16xi32>], vector<16xf32>,
                %add3A_418 = arith.constant 256 : i32
                %add3A_419 = vector.broadcast %add3A_418 : i32 to vector<16xi32>
                %add3A_420 = arith.addi %shift_right_arithmetic3A_338, %add3A_419 : vector<16xi32>
                %mul3A_421 = arith.mulf %sub3A_409, %add3A_382 : vector<16xf32>
                tpu.vector_store_idx %arg13[%add3A_420, %and3A_341], %mul3A_421 {add = true} : memref<384x16xf32, #tpu.memory_space<vmem>>[vector<16xi32>, vector<16xi32>], vector<16xf32>,
              }
              %scan3A_328 = arith.constant 64 : i32
            } else {
            }
            %not3A = arith.constant true
            %not3A_320 = arith.xori %and3A_316, %not3A : i1
            %convert_element_type3A_321 = arith.extui %not3A_320 : i1 to i32
            %cond3A_322 = arith.constant 0 : i32
            %cond3A_323 = arith.cmpi ne, %convert_element_type3A_321, %cond3A_322 : i32
            scf.if %cond3A_323 {
              %scan3A = arith.constant 0 : i32
              %scan3A_324 = arith.constant 0 : i32
              %scan3A_325 = arith.constant 64 : i32
              %scan3A_326 = arith.addi %scan3A_324, %scan3A_325 : i32
              %scan3A_327 = arith.constant 1 : i32
              scf.for %scan3A_329 = %scan3A_324 to %scan3A_326 step %scan3A_327  : i32 {
                %mul3A_330 = arith.constant 16 : i32
                %mul3A_331 = arith.muli %scan3A_329, %mul3A_330 : i32
                %get3A_332 = arith.index_cast %mul3A_331 : i32 to index
                %get3A_333 = tpu.vector_load %arg14[%get3A_332] {strides = array<i32>} : memref<1024xi32, #tpu.memory_space<vmem>>, vector<16xi32>,
                %get3A_334 = arith.index_cast %mul3A_331 : i32 to index
                %get3A_335 = tpu.vector_load %arg15[%get3A_334] {strides = array<i32>} : memref<1024xi32, #tpu.memory_space<vmem>>, vector<16xi32>,
                %shift_right_arithmetic3A_336 = arith.constant 4 : i32
                %shift_right_arithmetic3A_337 = vector.broadcast %shift_right_arithmetic3A_336 : i32 to vector<16xi32>
                %shift_right_arithmetic3A_338 = arith.shrsi %get3A_333, %shift_right_arithmetic3A_337 : vector<16xi32>
                %and3A_339 = arith.constant 15 : i32
                %and3A_340 = vector.broadcast %and3A_339 : i32 to vector<16xi32>
                %and3A_341 = arith.andi %get3A_333, %and3A_340 : vector<16xi32>
                %shift_right_arithmetic3A_342 = arith.constant 4 : i32
                %shift_right_arithmetic3A_343 = vector.broadcast %shift_right_arithmetic3A_342 : i32 to vector<16xi32>
                %shift_right_arithmetic3A_344 = arith.shrsi %get3A_335, %shift_right_arithmetic3A_343 : vector<16xi32>
                %and3A_345 = arith.constant 15 : i32
                %and3A_346 = vector.broadcast %and3A_345 : i32 to vector<16xi32>
                %and3A_347 = arith.andi %get3A_335, %and3A_346 : vector<16xi32>
                %add3A_348 = arith.constant 0 : i32
                %add3A_349 = vector.broadcast %add3A_348 : i32 to vector<16xi32>
                %add3A_350 = arith.addi %shift_right_arithmetic3A_338, %add3A_349 : vector<16xi32>
                %gather3A = tpu.vector_load_idx %arg12[%add3A_350, %and3A_341] : memref<384x16xf32, #tpu.memory_space<vmem>>[vector<16xi32>, vector<16xi32>], vector<16xf32>,
                %add3A_351 = arith.constant 0 : i32
                %add3A_352 = vector.broadcast %add3A_351 : i32 to vector<16xi32>
                %add3A_353 = arith.addi %shift_right_arithmetic3A_344, %add3A_352 : vector<16xi32>
                %gather3A_354 = tpu.vector_load_idx %arg12[%add3A_353, %and3A_347] : memref<384x16xf32, #tpu.memory_space<vmem>>[vector<16xi32>, vector<16xi32>], vector<16xf32>,
                %sub3A_355 = arith.subf %gather3A_354, %gather3A : vector<16xf32>
                %get3A_356 = arith.index_cast %mul3A_331 : i32 to index
                %get3A_357 = tpu.vector_load %arg16[%get3A_356] {strides = array<i32>} : memref<1024xf32, #tpu.memory_space<vmem>>, vector<16xf32>,
                %add3A_358 = arith.addf %sub3A_355, %get3A_357 : vector<16xf32>
                %add3A_359 = arith.constant 128 : i32
                %add3A_360 = vector.broadcast %add3A_359 : i32 to vector<16xi32>
                %add3A_361 = arith.addi %shift_right_arithmetic3A_338, %add3A_360 : vector<16xi32>
                %gather3A_362 = tpu.vector_load_idx %arg12[%add3A_361, %and3A_341] : memref<384x16xf32, #tpu.memory_space<vmem>>[vector<16xi32>, vector<16xi32>], vector<16xf32>,
                %add3A_363 = arith.constant 128 : i32
                %add3A_364 = vector.broadcast %add3A_363 : i32 to vector<16xi32>
                %add3A_365 = arith.addi %shift_right_arithmetic3A_344, %add3A_364 : vector<16xi32>
                %gather3A_366 = tpu.vector_load_idx %arg12[%add3A_365, %and3A_347] : memref<384x16xf32, #tpu.memory_space<vmem>>[vector<16xi32>, vector<16xi32>], vector<16xf32>,
                %sub3A_367 = arith.subf %gather3A_366, %gather3A_362 : vector<16xf32>
                %get3A_368 = arith.index_cast %mul3A_331 : i32 to index
                %get3A_369 = tpu.vector_load %arg17[%get3A_368] {strides = array<i32>} : memref<1024xf32, #tpu.memory_space<vmem>>, vector<16xf32>,
                %add3A_370 = arith.addf %sub3A_367, %get3A_369 : vector<16xf32>
                %add3A_371 = arith.constant 256 : i32
                %add3A_372 = vector.broadcast %add3A_371 : i32 to vector<16xi32>
                %add3A_373 = arith.addi %shift_right_arithmetic3A_338, %add3A_372 : vector<16xi32>
                %gather3A_374 = tpu.vector_load_idx %arg12[%add3A_373, %and3A_341] : memref<384x16xf32, #tpu.memory_space<vmem>>[vector<16xi32>, vector<16xi32>], vector<16xf32>,
                %add3A_375 = arith.constant 256 : i32
                %add3A_376 = vector.broadcast %add3A_375 : i32 to vector<16xi32>
                %add3A_377 = arith.addi %shift_right_arithmetic3A_344, %add3A_376 : vector<16xi32>
                %gather3A_378 = tpu.vector_load_idx %arg12[%add3A_377, %and3A_347] : memref<384x16xf32, #tpu.memory_space<vmem>>[vector<16xi32>, vector<16xi32>], vector<16xf32>,
                %sub3A_379 = arith.subf %gather3A_378, %gather3A_374 : vector<16xf32>
                %get3A_380 = arith.index_cast %mul3A_331 : i32 to index
                %get3A_381 = tpu.vector_load %arg18[%get3A_380] {strides = array<i32>} : memref<1024xf32, #tpu.memory_space<vmem>>, vector<16xf32>,
                %add3A_382 = arith.addf %sub3A_379, %get3A_381 : vector<16xf32>
                %mul3A_383 = arith.mulf %add3A_358, %add3A_358 : vector<16xf32>
                %mul3A_384 = arith.mulf %add3A_370, %add3A_370 : vector<16xf32>
                %add3A_385 = arith.addf %mul3A_383, %mul3A_384 : vector<16xf32>
                %mul3A_386 = arith.mulf %add3A_382, %add3A_382 : vector<16xf32>
                %add3A_387 = arith.addf %add3A_385, %mul3A_386 : vector<16xf32>
                %bitcast_convert_type3A = tpu.bitcast %add3A_387 : vector<16xf32> -> vector<16xi32>
                %shift_right_arithmetic3A_388 = arith.constant 1 : i32
                %shift_right_arithmetic3A_389 = vector.broadcast %shift_right_arithmetic3A_388 : i32 to vector<16xi32>
                %shift_right_arithmetic3A_390 = arith.shrsi %bitcast_convert_type3A, %shift_right_arithmetic3A_389 : vector<16xi32>
                %sub3A_391 = arith.constant 1597463007 : i32
                %sub3A_392 = vector.broadcast %sub3A_391 : i32 to vector<16xi32>
                %sub3A_393 = arith.subi %sub3A_392, %shift_right_arithmetic3A_390 : vector<16xi32>
                %bitcast_convert_type3A_394 = tpu.bitcast %sub3A_393 : vector<16xi32> -> vector<16xf32>
                %mul3A_395 = arith.constant 5.000000e-01 : f32
                %mul3A_396 = vector.broadcast %mul3A_395 : f32 to vector<16xf32>
                %mul3A_397 = arith.mulf %mul3A_396, %add3A_387 : vector<16xf32>
                %mul3A_398 = arith.mulf %mul3A_397, %bitcast_convert_type3A_394 : vector<16xf32>
                %mul3A_399 = arith.mulf %mul3A_398, %bitcast_convert_type3A_394 : vector<16xf32>
                %sub3A_400 = arith.constant 1.500000e+00 : f32
                %sub3A_401 = vector.broadcast %sub3A_400 : f32 to vector<16xf32>
                %sub3A_402 = arith.subf %sub3A_401, %mul3A_399 : vector<16xf32>
                %mul3A_403 = arith.mulf %bitcast_convert_type3A_394, %sub3A_402 : vector<16xf32>
                %mul3A_404 = arith.constant 1.000000e+01 : f32
                %mul3A_405 = vector.broadcast %mul3A_404 : f32 to vector<16xf32>
                %mul3A_406 = arith.mulf %mul3A_405, %mul3A_403 : vector<16xf32>
                %sub3A_407 = arith.constant 2.000000e+00 : f32
                %sub3A_408 = vector.broadcast %sub3A_407 : f32 to vector<16xf32>
                %sub3A_409 = arith.subf %sub3A_408, %mul3A_406 : vector<16xf32>
                %add3A_410 = arith.addi %mul3A_312, %mul3A_331 : i32
                %add3A_411 = vector.broadcast %add3A_410 : i32 to vector<16xi32>
                %add3A_412 = arith.addi %iota3A, %add3A_411 : vector<16xi32>
                %ge3A_413 = vector.broadcast %max3A_224 : i32 to vector<16xi32>
                %ge3A_414 = arith.cmpi sge, %add3A_412, %ge3A_413 : vector<16xi32>
                %lt3A_415 = vector.broadcast %min3A_225 : i32 to vector<16xi32>
                %lt3A_416 = arith.cmpi slt, %add3A_412, %lt3A_415 : vector<16xi32>
                %and3A_417 = arith.andi %ge3A_414, %lt3A_416 : vector<16xi1>
                %add3A_418 = arith.constant 0 : i32
                %add3A_419 = vector.broadcast %add3A_418 : i32 to vector<16xi32>
                %add3A_420 = arith.addi %shift_right_arithmetic3A_338, %add3A_419 : vector<16xi32>
                %mul3A_421 = arith.mulf %sub3A_409, %add3A_358 : vector<16xf32>
                tpu.vector_store_idx %arg13[%add3A_420, %and3A_341], %mul3A_421 masked %and3A_417 {add = true} : memref<384x16xf32, #tpu.memory_space<vmem>>[vector<16xi32>, vector<16xi32>], vector<16xf32>, vector<16xi1>
                %add3A_422 = arith.constant 128 : i32
                %add3A_423 = vector.broadcast %add3A_422 : i32 to vector<16xi32>
                %add3A_424 = arith.addi %shift_right_arithmetic3A_338, %add3A_423 : vector<16xi32>
                %mul3A_425 = arith.mulf %sub3A_409, %add3A_370 : vector<16xf32>
                tpu.vector_store_idx %arg13[%add3A_424, %and3A_341], %mul3A_425 masked %and3A_417 {add = true} : memref<384x16xf32, #tpu.memory_space<vmem>>[vector<16xi32>, vector<16xi32>], vector<16xf32>, vector<16xi1>
                %add3A_426 = arith.constant 256 : i32
                %add3A_427 = vector.broadcast %add3A_426 : i32 to vector<16xi32>
                %add3A_428 = arith.addi %shift_right_arithmetic3A_338, %add3A_427 : vector<16xi32>
                %mul3A_429 = arith.mulf %sub3A_409, %add3A_382 : vector<16xf32>
                tpu.vector_store_idx %arg13[%add3A_428, %and3A_341], %mul3A_429 masked %and3A_417 {add = true} : memref<384x16xf32, #tpu.memory_space<vmem>>[vector<16xi32>, vector<16xi32>], vector<16xf32>, vector<16xi1>
              }
              %scan3A_328 = arith.constant 64 : i32
            } else {
            }
          } else {
          }
          %mul3A_277 = arith.constant 2 : i32
          %mul3A_278 = arith.muli %mul3A_277, %while3A_267 : i32
          %add3A_279 = arith.addi %shift_right_arithmetic3A_228, %mul3A_278 : i32
          %add3A_280 = arith.constant 1 : i32
          %add3A_281 = arith.addi %add3A_279, %add3A_280 : i32
          %lt3A_282 = arith.cmpi slt, %add3A_281, %shift_right_arithmetic3A_232 : i32
          %convert_element_type3A_283 = arith.extui %lt3A_282 : i1 to i32
          %cond3A_284 = arith.constant 0 : i32
          %cond3A_285 = arith.cmpi ne, %convert_element_type3A_283, %cond3A_284 : i32
          scf.if %cond3A_285 {
            %add3A_286 = arith.constant 1 : i32
            %add3A_287 = arith.addi %add3A_281, %add3A_286 : i32
            %lt3A_288 = arith.cmpi slt, %add3A_287, %shift_right_arithmetic3A_232 : i32
            %convert_element_type3A_289 = arith.extui %lt3A_288 : i1 to i32
            %cond3A_290 = arith.constant 0 : i32
            %cond3A_291 = arith.cmpi ne, %convert_element_type3A_289, %cond3A_290 : i32
            scf.if %cond3A_291 {
              %add3A_324 = arith.constant 1 : i32
              %add3A_325 = arith.addi %add3A_281, %add3A_324 : i32
              %mul3A_326 = arith.constant 1024 : i32
              %mul3A_327 = arith.muli %add3A_325, %mul3A_326 : i32
              %dma_start3A_328 = tpu.memref_slice %arg4[%mul3A_327] : memref<6400000xi32, #tpu.memory_space<hbm>> -> memref<1024xi32, #tpu.memory_space<hbm>>
              %dma_start3A_329 = tpu.memref_slice %arg4[%mul3A_327] : memref<6400000xi32, #tpu.memory_space<hbm>> -> memref<1024xi32, #tpu.memory_space<hbm>>
              tpu.enqueue_dma source(%dma_start3A_329 : memref<1024xi32, #tpu.memory_space<hbm>>) target(%arg14 : memref<1024xi32, #tpu.memory_space<vmem>>) target_semaphore(%arg24 : memref<!tpu.dma_semaphore, #tpu.memory_space<semaphore_mem>>)
              %mul3A_330 = arith.constant 1024 : i32
              %mul3A_331 = arith.muli %add3A_325, %mul3A_330 : i32
              %dma_start3A_332 = tpu.memref_slice %arg5[%mul3A_331] : memref<6400000xi32, #tpu.memory_space<hbm>> -> memref<1024xi32, #tpu.memory_space<hbm>>
              %dma_start3A_333 = tpu.memref_slice %arg5[%mul3A_331] : memref<6400000xi32, #tpu.memory_space<hbm>> -> memref<1024xi32, #tpu.memory_space<hbm>>
              tpu.enqueue_dma source(%dma_start3A_333 : memref<1024xi32, #tpu.memory_space<hbm>>) target(%arg15 : memref<1024xi32, #tpu.memory_space<vmem>>) target_semaphore(%arg24 : memref<!tpu.dma_semaphore, #tpu.memory_space<semaphore_mem>>)
              %mul3A_334 = arith.constant 1024 : i32
              %mul3A_335 = arith.muli %add3A_325, %mul3A_334 : i32
              %dma_start3A_336 = tpu.memref_slice %arg6[%mul3A_335] : memref<6400000xf32, #tpu.memory_space<hbm>> -> memref<1024xf32, #tpu.memory_space<hbm>>
              %dma_start3A_337 = tpu.memref_slice %arg6[%mul3A_335] : memref<6400000xf32, #tpu.memory_space<hbm>> -> memref<1024xf32, #tpu.memory_space<hbm>>
              tpu.enqueue_dma source(%dma_start3A_337 : memref<1024xf32, #tpu.memory_space<hbm>>) target(%arg16 : memref<1024xf32, #tpu.memory_space<vmem>>) target_semaphore(%arg24 : memref<!tpu.dma_semaphore, #tpu.memory_space<semaphore_mem>>)
              %mul3A_338 = arith.constant 1024 : i32
              %mul3A_339 = arith.muli %add3A_325, %mul3A_338 : i32
              %dma_start3A_340 = tpu.memref_slice %arg7[%mul3A_339] : memref<6400000xf32, #tpu.memory_space<hbm>> -> memref<1024xf32, #tpu.memory_space<hbm>>
              %dma_start3A_341 = tpu.memref_slice %arg7[%mul3A_339] : memref<6400000xf32, #tpu.memory_space<hbm>> -> memref<1024xf32, #tpu.memory_space<hbm>>
              tpu.enqueue_dma source(%dma_start3A_341 : memref<1024xf32, #tpu.memory_space<hbm>>) target(%arg17 : memref<1024xf32, #tpu.memory_space<vmem>>) target_semaphore(%arg24 : memref<!tpu.dma_semaphore, #tpu.memory_space<semaphore_mem>>)
              %mul3A_342 = arith.constant 1024 : i32
              %mul3A_343 = arith.muli %add3A_325, %mul3A_342 : i32
              %dma_start3A_344 = tpu.memref_slice %arg8[%mul3A_343] : memref<6400000xf32, #tpu.memory_space<hbm>> -> memref<1024xf32, #tpu.memory_space<hbm>>
              %dma_start3A_345 = tpu.memref_slice %arg8[%mul3A_343] : memref<6400000xf32, #tpu.memory_space<hbm>> -> memref<1024xf32, #tpu.memory_space<hbm>>
              tpu.enqueue_dma source(%dma_start3A_345 : memref<1024xf32, #tpu.memory_space<hbm>>) target(%arg18 : memref<1024xf32, #tpu.memory_space<vmem>>) target_semaphore(%arg24 : memref<!tpu.dma_semaphore, #tpu.memory_space<semaphore_mem>>)
            } else {
            }
            %dma_wait3A = arith.constant 0 : i32
            %dma_wait3A_292 = tpu.memref_slice %arg4[%dma_wait3A] : memref<6400000xi32, #tpu.memory_space<hbm>> -> memref<1024xi32, #tpu.memory_space<hbm>>
            %dma_wait3A_293 = arith.constant 0 : i32
            %dma_wait3A_294 = tpu.memref_slice %arg4[%dma_wait3A_293] : memref<6400000xi32, #tpu.memory_space<hbm>> -> memref<1024xi32, #tpu.memory_space<hbm>>
            tpu.wait_dma2 semaphore(%arg25 : memref<!tpu.dma_semaphore, #tpu.memory_space<semaphore_mem>>) src(%dma_wait3A_294 : memref<1024xi32, #tpu.memory_space<hbm>>) dst(%arg19 : memref<1024xi32, #tpu.memory_space<vmem>>)
            %dma_wait3A_295 = arith.constant 0 : i32
            %dma_wait3A_296 = tpu.memref_slice %arg5[%dma_wait3A_295] : memref<6400000xi32, #tpu.memory_space<hbm>> -> memref<1024xi32, #tpu.memory_space<hbm>>
            %dma_wait3A_297 = arith.constant 0 : i32
            %dma_wait3A_298 = tpu.memref_slice %arg5[%dma_wait3A_297] : memref<6400000xi32, #tpu.memory_space<hbm>> -> memref<1024xi32, #tpu.memory_space<hbm>>
            tpu.wait_dma2 semaphore(%arg25 : memref<!tpu.dma_semaphore, #tpu.memory_space<semaphore_mem>>) src(%dma_wait3A_298 : memref<1024xi32, #tpu.memory_space<hbm>>) dst(%arg20 : memref<1024xi32, #tpu.memory_space<vmem>>)
            %dma_wait3A_299 = arith.constant 0 : i32
            %dma_wait3A_300 = tpu.memref_slice %arg6[%dma_wait3A_299] : memref<6400000xf32, #tpu.memory_space<hbm>> -> memref<1024xf32, #tpu.memory_space<hbm>>
            %dma_wait3A_301 = arith.constant 0 : i32
            %dma_wait3A_302 = tpu.memref_slice %arg6[%dma_wait3A_301] : memref<6400000xf32, #tpu.memory_space<hbm>> -> memref<1024xf32, #tpu.memory_space<hbm>>
            tpu.wait_dma2 semaphore(%arg25 : memref<!tpu.dma_semaphore, #tpu.memory_space<semaphore_mem>>) src(%dma_wait3A_302 : memref<1024xf32, #tpu.memory_space<hbm>>) dst(%arg21 : memref<1024xf32, #tpu.memory_space<vmem>>)
            %dma_wait3A_303 = arith.constant 0 : i32
            %dma_wait3A_304 = tpu.memref_slice %arg7[%dma_wait3A_303] : memref<6400000xf32, #tpu.memory_space<hbm>> -> memref<1024xf32, #tpu.memory_space<hbm>>
            %dma_wait3A_305 = arith.constant 0 : i32
            %dma_wait3A_306 = tpu.memref_slice %arg7[%dma_wait3A_305] : memref<6400000xf32, #tpu.memory_space<hbm>> -> memref<1024xf32, #tpu.memory_space<hbm>>
            tpu.wait_dma2 semaphore(%arg25 : memref<!tpu.dma_semaphore, #tpu.memory_space<semaphore_mem>>) src(%dma_wait3A_306 : memref<1024xf32, #tpu.memory_space<hbm>>) dst(%arg22 : memref<1024xf32, #tpu.memory_space<vmem>>)
            %dma_wait3A_307 = arith.constant 0 : i32
            %dma_wait3A_308 = tpu.memref_slice %arg8[%dma_wait3A_307] : memref<6400000xf32, #tpu.memory_space<hbm>> -> memref<1024xf32, #tpu.memory_space<hbm>>
            %dma_wait3A_309 = arith.constant 0 : i32
            %dma_wait3A_310 = tpu.memref_slice %arg8[%dma_wait3A_309] : memref<6400000xf32, #tpu.memory_space<hbm>> -> memref<1024xf32, #tpu.memory_space<hbm>>
            tpu.wait_dma2 semaphore(%arg25 : memref<!tpu.dma_semaphore, #tpu.memory_space<semaphore_mem>>) src(%dma_wait3A_310 : memref<1024xf32, #tpu.memory_space<hbm>>) dst(%arg23 : memref<1024xf32, #tpu.memory_space<vmem>>)
            %mul3A_311 = arith.constant 1024 : i32
            %mul3A_312 = arith.muli %add3A_281, %mul3A_311 : i32
            %ge3A = arith.cmpi sge, %mul3A_312, %max3A_224 : i32
            %add3A_313 = arith.constant 1024 : i32
            %add3A_314 = arith.addi %mul3A_312, %add3A_313 : i32
            %le3A_315 = arith.cmpi sle, %add3A_314, %min3A_225 : i32
            %and3A_316 = arith.andi %ge3A, %le3A_315 : i1
            %convert_element_type3A_317 = arith.extui %and3A_316 : i1 to i32
            %cond3A_318 = arith.constant 0 : i32
            %cond3A_319 = arith.cmpi ne, %convert_element_type3A_317, %cond3A_318 : i32
            scf.if %cond3A_319 {
              %scan3A = arith.constant 0 : i32
              %scan3A_324 = arith.constant 0 : i32
              %scan3A_325 = arith.constant 64 : i32
              %scan3A_326 = arith.addi %scan3A_324, %scan3A_325 : i32
              %scan3A_327 = arith.constant 1 : i32
              scf.for %scan3A_329 = %scan3A_324 to %scan3A_326 step %scan3A_327  : i32 {
                %mul3A_330 = arith.constant 16 : i32
                %mul3A_331 = arith.muli %scan3A_329, %mul3A_330 : i32
                %get3A_332 = arith.index_cast %mul3A_331 : i32 to index
                %get3A_333 = tpu.vector_load %arg19[%get3A_332] {strides = array<i32>} : memref<1024xi32, #tpu.memory_space<vmem>>, vector<16xi32>,
                %get3A_334 = arith.index_cast %mul3A_331 : i32 to index
                %get3A_335 = tpu.vector_load %arg20[%get3A_334] {strides = array<i32>} : memref<1024xi32, #tpu.memory_space<vmem>>, vector<16xi32>,
                %shift_right_arithmetic3A_336 = arith.constant 4 : i32
                %shift_right_arithmetic3A_337 = vector.broadcast %shift_right_arithmetic3A_336 : i32 to vector<16xi32>
                %shift_right_arithmetic3A_338 = arith.shrsi %get3A_333, %shift_right_arithmetic3A_337 : vector<16xi32>
                %and3A_339 = arith.constant 15 : i32
                %and3A_340 = vector.broadcast %and3A_339 : i32 to vector<16xi32>
                %and3A_341 = arith.andi %get3A_333, %and3A_340 : vector<16xi32>
                %shift_right_arithmetic3A_342 = arith.constant 4 : i32
                %shift_right_arithmetic3A_343 = vector.broadcast %shift_right_arithmetic3A_342 : i32 to vector<16xi32>
                %shift_right_arithmetic3A_344 = arith.shrsi %get3A_335, %shift_right_arithmetic3A_343 : vector<16xi32>
                %and3A_345 = arith.constant 15 : i32
                %and3A_346 = vector.broadcast %and3A_345 : i32 to vector<16xi32>
                %and3A_347 = arith.andi %get3A_335, %and3A_346 : vector<16xi32>
                %add3A_348 = arith.constant 0 : i32
                %add3A_349 = vector.broadcast %add3A_348 : i32 to vector<16xi32>
                %add3A_350 = arith.addi %shift_right_arithmetic3A_338, %add3A_349 : vector<16xi32>
                %gather3A = tpu.vector_load_idx %arg12[%add3A_350, %and3A_341] : memref<384x16xf32, #tpu.memory_space<vmem>>[vector<16xi32>, vector<16xi32>], vector<16xf32>,
                %add3A_351 = arith.constant 0 : i32
                %add3A_352 = vector.broadcast %add3A_351 : i32 to vector<16xi32>
                %add3A_353 = arith.addi %shift_right_arithmetic3A_344, %add3A_352 : vector<16xi32>
                %gather3A_354 = tpu.vector_load_idx %arg12[%add3A_353, %and3A_347] : memref<384x16xf32, #tpu.memory_space<vmem>>[vector<16xi32>, vector<16xi32>], vector<16xf32>,
                %sub3A_355 = arith.subf %gather3A_354, %gather3A : vector<16xf32>
                %get3A_356 = arith.index_cast %mul3A_331 : i32 to index
                %get3A_357 = tpu.vector_load %arg21[%get3A_356] {strides = array<i32>} : memref<1024xf32, #tpu.memory_space<vmem>>, vector<16xf32>,
                %add3A_358 = arith.addf %sub3A_355, %get3A_357 : vector<16xf32>
                %add3A_359 = arith.constant 128 : i32
                %add3A_360 = vector.broadcast %add3A_359 : i32 to vector<16xi32>
                %add3A_361 = arith.addi %shift_right_arithmetic3A_338, %add3A_360 : vector<16xi32>
                %gather3A_362 = tpu.vector_load_idx %arg12[%add3A_361, %and3A_341] : memref<384x16xf32, #tpu.memory_space<vmem>>[vector<16xi32>, vector<16xi32>], vector<16xf32>,
                %add3A_363 = arith.constant 128 : i32
                %add3A_364 = vector.broadcast %add3A_363 : i32 to vector<16xi32>
                %add3A_365 = arith.addi %shift_right_arithmetic3A_344, %add3A_364 : vector<16xi32>
                %gather3A_366 = tpu.vector_load_idx %arg12[%add3A_365, %and3A_347] : memref<384x16xf32, #tpu.memory_space<vmem>>[vector<16xi32>, vector<16xi32>], vector<16xf32>,
                %sub3A_367 = arith.subf %gather3A_366, %gather3A_362 : vector<16xf32>
                %get3A_368 = arith.index_cast %mul3A_331 : i32 to index
                %get3A_369 = tpu.vector_load %arg22[%get3A_368] {strides = array<i32>} : memref<1024xf32, #tpu.memory_space<vmem>>, vector<16xf32>,
                %add3A_370 = arith.addf %sub3A_367, %get3A_369 : vector<16xf32>
                %add3A_371 = arith.constant 256 : i32
                %add3A_372 = vector.broadcast %add3A_371 : i32 to vector<16xi32>
                %add3A_373 = arith.addi %shift_right_arithmetic3A_338, %add3A_372 : vector<16xi32>
                %gather3A_374 = tpu.vector_load_idx %arg12[%add3A_373, %and3A_341] : memref<384x16xf32, #tpu.memory_space<vmem>>[vector<16xi32>, vector<16xi32>], vector<16xf32>,
                %add3A_375 = arith.constant 256 : i32
                %add3A_376 = vector.broadcast %add3A_375 : i32 to vector<16xi32>
                %add3A_377 = arith.addi %shift_right_arithmetic3A_344, %add3A_376 : vector<16xi32>
                %gather3A_378 = tpu.vector_load_idx %arg12[%add3A_377, %and3A_347] : memref<384x16xf32, #tpu.memory_space<vmem>>[vector<16xi32>, vector<16xi32>], vector<16xf32>,
                %sub3A_379 = arith.subf %gather3A_378, %gather3A_374 : vector<16xf32>
                %get3A_380 = arith.index_cast %mul3A_331 : i32 to index
                %get3A_381 = tpu.vector_load %arg23[%get3A_380] {strides = array<i32>} : memref<1024xf32, #tpu.memory_space<vmem>>, vector<16xf32>,
                %add3A_382 = arith.addf %sub3A_379, %get3A_381 : vector<16xf32>
                %mul3A_383 = arith.mulf %add3A_358, %add3A_358 : vector<16xf32>
                %mul3A_384 = arith.mulf %add3A_370, %add3A_370 : vector<16xf32>
                %add3A_385 = arith.addf %mul3A_383, %mul3A_384 : vector<16xf32>
                %mul3A_386 = arith.mulf %add3A_382, %add3A_382 : vector<16xf32>
                %add3A_387 = arith.addf %add3A_385, %mul3A_386 : vector<16xf32>
                %bitcast_convert_type3A = tpu.bitcast %add3A_387 : vector<16xf32> -> vector<16xi32>
                %shift_right_arithmetic3A_388 = arith.constant 1 : i32
                %shift_right_arithmetic3A_389 = vector.broadcast %shift_right_arithmetic3A_388 : i32 to vector<16xi32>
                %shift_right_arithmetic3A_390 = arith.shrsi %bitcast_convert_type3A, %shift_right_arithmetic3A_389 : vector<16xi32>
                %sub3A_391 = arith.constant 1597463007 : i32
                %sub3A_392 = vector.broadcast %sub3A_391 : i32 to vector<16xi32>
                %sub3A_393 = arith.subi %sub3A_392, %shift_right_arithmetic3A_390 : vector<16xi32>
                %bitcast_convert_type3A_394 = tpu.bitcast %sub3A_393 : vector<16xi32> -> vector<16xf32>
                %mul3A_395 = arith.constant 5.000000e-01 : f32
                %mul3A_396 = vector.broadcast %mul3A_395 : f32 to vector<16xf32>
                %mul3A_397 = arith.mulf %mul3A_396, %add3A_387 : vector<16xf32>
                %mul3A_398 = arith.mulf %mul3A_397, %bitcast_convert_type3A_394 : vector<16xf32>
                %mul3A_399 = arith.mulf %mul3A_398, %bitcast_convert_type3A_394 : vector<16xf32>
                %sub3A_400 = arith.constant 1.500000e+00 : f32
                %sub3A_401 = vector.broadcast %sub3A_400 : f32 to vector<16xf32>
                %sub3A_402 = arith.subf %sub3A_401, %mul3A_399 : vector<16xf32>
                %mul3A_403 = arith.mulf %bitcast_convert_type3A_394, %sub3A_402 : vector<16xf32>
                %mul3A_404 = arith.constant 1.000000e+01 : f32
                %mul3A_405 = vector.broadcast %mul3A_404 : f32 to vector<16xf32>
                %mul3A_406 = arith.mulf %mul3A_405, %mul3A_403 : vector<16xf32>
                %sub3A_407 = arith.constant 2.000000e+00 : f32
                %sub3A_408 = vector.broadcast %sub3A_407 : f32 to vector<16xf32>
                %sub3A_409 = arith.subf %sub3A_408, %mul3A_406 : vector<16xf32>
                %add3A_410 = arith.constant 0 : i32
                %add3A_411 = vector.broadcast %add3A_410 : i32 to vector<16xi32>
                %add3A_412 = arith.addi %shift_right_arithmetic3A_338, %add3A_411 : vector<16xi32>
                %mul3A_413 = arith.mulf %sub3A_409, %add3A_358 : vector<16xf32>
                tpu.vector_store_idx %arg13[%add3A_412, %and3A_341], %mul3A_413 {add = true} : memref<384x16xf32, #tpu.memory_space<vmem>>[vector<16xi32>, vector<16xi32>], vector<16xf32>,
                %add3A_414 = arith.constant 128 : i32
                %add3A_415 = vector.broadcast %add3A_414 : i32 to vector<16xi32>
                %add3A_416 = arith.addi %shift_right_arithmetic3A_338, %add3A_415 : vector<16xi32>
                %mul3A_417 = arith.mulf %sub3A_409, %add3A_370 : vector<16xf32>
                tpu.vector_store_idx %arg13[%add3A_416, %and3A_341], %mul3A_417 {add = true} : memref<384x16xf32, #tpu.memory_space<vmem>>[vector<16xi32>, vector<16xi32>], vector<16xf32>,
                %add3A_418 = arith.constant 256 : i32
                %add3A_419 = vector.broadcast %add3A_418 : i32 to vector<16xi32>
                %add3A_420 = arith.addi %shift_right_arithmetic3A_338, %add3A_419 : vector<16xi32>
                %mul3A_421 = arith.mulf %sub3A_409, %add3A_382 : vector<16xf32>
                tpu.vector_store_idx %arg13[%add3A_420, %and3A_341], %mul3A_421 {add = true} : memref<384x16xf32, #tpu.memory_space<vmem>>[vector<16xi32>, vector<16xi32>], vector<16xf32>,
              }
              %scan3A_328 = arith.constant 64 : i32
            } else {
            }
            %not3A = arith.constant true
            %not3A_320 = arith.xori %and3A_316, %not3A : i1
            %convert_element_type3A_321 = arith.extui %not3A_320 : i1 to i32
            %cond3A_322 = arith.constant 0 : i32
            %cond3A_323 = arith.cmpi ne, %convert_element_type3A_321, %cond3A_322 : i32
            scf.if %cond3A_323 {
              %scan3A = arith.constant 0 : i32
              %scan3A_324 = arith.constant 0 : i32
              %scan3A_325 = arith.constant 64 : i32
              %scan3A_326 = arith.addi %scan3A_324, %scan3A_325 : i32
              %scan3A_327 = arith.constant 1 : i32
              scf.for %scan3A_329 = %scan3A_324 to %scan3A_326 step %scan3A_327  : i32 {
                %mul3A_330 = arith.constant 16 : i32
                %mul3A_331 = arith.muli %scan3A_329, %mul3A_330 : i32
                %get3A_332 = arith.index_cast %mul3A_331 : i32 to index
                %get3A_333 = tpu.vector_load %arg19[%get3A_332] {strides = array<i32>} : memref<1024xi32, #tpu.memory_space<vmem>>, vector<16xi32>,
                %get3A_334 = arith.index_cast %mul3A_331 : i32 to index
                %get3A_335 = tpu.vector_load %arg20[%get3A_334] {strides = array<i32>} : memref<1024xi32, #tpu.memory_space<vmem>>, vector<16xi32>,
                %shift_right_arithmetic3A_336 = arith.constant 4 : i32
                %shift_right_arithmetic3A_337 = vector.broadcast %shift_right_arithmetic3A_336 : i32 to vector<16xi32>
                %shift_right_arithmetic3A_338 = arith.shrsi %get3A_333, %shift_right_arithmetic3A_337 : vector<16xi32>
                %and3A_339 = arith.constant 15 : i32
                %and3A_340 = vector.broadcast %and3A_339 : i32 to vector<16xi32>
                %and3A_341 = arith.andi %get3A_333, %and3A_340 : vector<16xi32>
                %shift_right_arithmetic3A_342 = arith.constant 4 : i32
                %shift_right_arithmetic3A_343 = vector.broadcast %shift_right_arithmetic3A_342 : i32 to vector<16xi32>
                %shift_right_arithmetic3A_344 = arith.shrsi %get3A_335, %shift_right_arithmetic3A_343 : vector<16xi32>
                %and3A_345 = arith.constant 15 : i32
                %and3A_346 = vector.broadcast %and3A_345 : i32 to vector<16xi32>
                %and3A_347 = arith.andi %get3A_335, %and3A_346 : vector<16xi32>
                %add3A_348 = arith.constant 0 : i32
                %add3A_349 = vector.broadcast %add3A_348 : i32 to vector<16xi32>
                %add3A_350 = arith.addi %shift_right_arithmetic3A_338, %add3A_349 : vector<16xi32>
                %gather3A = tpu.vector_load_idx %arg12[%add3A_350, %and3A_341] : memref<384x16xf32, #tpu.memory_space<vmem>>[vector<16xi32>, vector<16xi32>], vector<16xf32>,
                %add3A_351 = arith.constant 0 : i32
                %add3A_352 = vector.broadcast %add3A_351 : i32 to vector<16xi32>
                %add3A_353 = arith.addi %shift_right_arithmetic3A_344, %add3A_352 : vector<16xi32>
                %gather3A_354 = tpu.vector_load_idx %arg12[%add3A_353, %and3A_347] : memref<384x16xf32, #tpu.memory_space<vmem>>[vector<16xi32>, vector<16xi32>], vector<16xf32>,
                %sub3A_355 = arith.subf %gather3A_354, %gather3A : vector<16xf32>
                %get3A_356 = arith.index_cast %mul3A_331 : i32 to index
                %get3A_357 = tpu.vector_load %arg21[%get3A_356] {strides = array<i32>} : memref<1024xf32, #tpu.memory_space<vmem>>, vector<16xf32>,
                %add3A_358 = arith.addf %sub3A_355, %get3A_357 : vector<16xf32>
                %add3A_359 = arith.constant 128 : i32
                %add3A_360 = vector.broadcast %add3A_359 : i32 to vector<16xi32>
                %add3A_361 = arith.addi %shift_right_arithmetic3A_338, %add3A_360 : vector<16xi32>
                %gather3A_362 = tpu.vector_load_idx %arg12[%add3A_361, %and3A_341] : memref<384x16xf32, #tpu.memory_space<vmem>>[vector<16xi32>, vector<16xi32>], vector<16xf32>,
                %add3A_363 = arith.constant 128 : i32
                %add3A_364 = vector.broadcast %add3A_363 : i32 to vector<16xi32>
                %add3A_365 = arith.addi %shift_right_arithmetic3A_344, %add3A_364 : vector<16xi32>
                %gather3A_366 = tpu.vector_load_idx %arg12[%add3A_365, %and3A_347] : memref<384x16xf32, #tpu.memory_space<vmem>>[vector<16xi32>, vector<16xi32>], vector<16xf32>,
                %sub3A_367 = arith.subf %gather3A_366, %gather3A_362 : vector<16xf32>
                %get3A_368 = arith.index_cast %mul3A_331 : i32 to index
                %get3A_369 = tpu.vector_load %arg22[%get3A_368] {strides = array<i32>} : memref<1024xf32, #tpu.memory_space<vmem>>, vector<16xf32>,
                %add3A_370 = arith.addf %sub3A_367, %get3A_369 : vector<16xf32>
                %add3A_371 = arith.constant 256 : i32
                %add3A_372 = vector.broadcast %add3A_371 : i32 to vector<16xi32>
                %add3A_373 = arith.addi %shift_right_arithmetic3A_338, %add3A_372 : vector<16xi32>
                %gather3A_374 = tpu.vector_load_idx %arg12[%add3A_373, %and3A_341] : memref<384x16xf32, #tpu.memory_space<vmem>>[vector<16xi32>, vector<16xi32>], vector<16xf32>,
                %add3A_375 = arith.constant 256 : i32
                %add3A_376 = vector.broadcast %add3A_375 : i32 to vector<16xi32>
                %add3A_377 = arith.addi %shift_right_arithmetic3A_344, %add3A_376 : vector<16xi32>
                %gather3A_378 = tpu.vector_load_idx %arg12[%add3A_377, %and3A_347] : memref<384x16xf32, #tpu.memory_space<vmem>>[vector<16xi32>, vector<16xi32>], vector<16xf32>,
                %sub3A_379 = arith.subf %gather3A_378, %gather3A_374 : vector<16xf32>
                %get3A_380 = arith.index_cast %mul3A_331 : i32 to index
                %get3A_381 = tpu.vector_load %arg23[%get3A_380] {strides = array<i32>} : memref<1024xf32, #tpu.memory_space<vmem>>, vector<16xf32>,
                %add3A_382 = arith.addf %sub3A_379, %get3A_381 : vector<16xf32>
                %mul3A_383 = arith.mulf %add3A_358, %add3A_358 : vector<16xf32>
                %mul3A_384 = arith.mulf %add3A_370, %add3A_370 : vector<16xf32>
                %add3A_385 = arith.addf %mul3A_383, %mul3A_384 : vector<16xf32>
                %mul3A_386 = arith.mulf %add3A_382, %add3A_382 : vector<16xf32>
                %add3A_387 = arith.addf %add3A_385, %mul3A_386 : vector<16xf32>
                %bitcast_convert_type3A = tpu.bitcast %add3A_387 : vector<16xf32> -> vector<16xi32>
                %shift_right_arithmetic3A_388 = arith.constant 1 : i32
                %shift_right_arithmetic3A_389 = vector.broadcast %shift_right_arithmetic3A_388 : i32 to vector<16xi32>
                %shift_right_arithmetic3A_390 = arith.shrsi %bitcast_convert_type3A, %shift_right_arithmetic3A_389 : vector<16xi32>
                %sub3A_391 = arith.constant 1597463007 : i32
                %sub3A_392 = vector.broadcast %sub3A_391 : i32 to vector<16xi32>
                %sub3A_393 = arith.subi %sub3A_392, %shift_right_arithmetic3A_390 : vector<16xi32>
                %bitcast_convert_type3A_394 = tpu.bitcast %sub3A_393 : vector<16xi32> -> vector<16xf32>
                %mul3A_395 = arith.constant 5.000000e-01 : f32
                %mul3A_396 = vector.broadcast %mul3A_395 : f32 to vector<16xf32>
                %mul3A_397 = arith.mulf %mul3A_396, %add3A_387 : vector<16xf32>
                %mul3A_398 = arith.mulf %mul3A_397, %bitcast_convert_type3A_394 : vector<16xf32>
                %mul3A_399 = arith.mulf %mul3A_398, %bitcast_convert_type3A_394 : vector<16xf32>
                %sub3A_400 = arith.constant 1.500000e+00 : f32
                %sub3A_401 = vector.broadcast %sub3A_400 : f32 to vector<16xf32>
                %sub3A_402 = arith.subf %sub3A_401, %mul3A_399 : vector<16xf32>
                %mul3A_403 = arith.mulf %bitcast_convert_type3A_394, %sub3A_402 : vector<16xf32>
                %mul3A_404 = arith.constant 1.000000e+01 : f32
                %mul3A_405 = vector.broadcast %mul3A_404 : f32 to vector<16xf32>
                %mul3A_406 = arith.mulf %mul3A_405, %mul3A_403 : vector<16xf32>
                %sub3A_407 = arith.constant 2.000000e+00 : f32
                %sub3A_408 = vector.broadcast %sub3A_407 : f32 to vector<16xf32>
                %sub3A_409 = arith.subf %sub3A_408, %mul3A_406 : vector<16xf32>
                %add3A_410 = arith.addi %mul3A_312, %mul3A_331 : i32
                %add3A_411 = vector.broadcast %add3A_410 : i32 to vector<16xi32>
                %add3A_412 = arith.addi %iota3A, %add3A_411 : vector<16xi32>
                %ge3A_413 = vector.broadcast %max3A_224 : i32 to vector<16xi32>
                %ge3A_414 = arith.cmpi sge, %add3A_412, %ge3A_413 : vector<16xi32>
                %lt3A_415 = vector.broadcast %min3A_225 : i32 to vector<16xi32>
                %lt3A_416 = arith.cmpi slt, %add3A_412, %lt3A_415 : vector<16xi32>
                %and3A_417 = arith.andi %ge3A_414, %lt3A_416 : vector<16xi1>
                %add3A_418 = arith.constant 0 : i32
                %add3A_419 = vector.broadcast %add3A_418 : i32 to vector<16xi32>
                %add3A_420 = arith.addi %shift_right_arithmetic3A_338, %add3A_419 : vector<16xi32>
                %mul3A_421 = arith.mulf %sub3A_409, %add3A_358 : vector<16xf32>
                tpu.vector_store_idx %arg13[%add3A_420, %and3A_341], %mul3A_421 masked %and3A_417 {add = true} : memref<384x16xf32, #tpu.memory_space<vmem>>[vector<16xi32>, vector<16xi32>], vector<16xf32>, vector<16xi1>
                %add3A_422 = arith.constant 128 : i32
                %add3A_423 = vector.broadcast %add3A_422 : i32 to vector<16xi32>
                %add3A_424 = arith.addi %shift_right_arithmetic3A_338, %add3A_423 : vector<16xi32>
                %mul3A_425 = arith.mulf %sub3A_409, %add3A_370 : vector<16xf32>
                tpu.vector_store_idx %arg13[%add3A_424, %and3A_341], %mul3A_425 masked %and3A_417 {add = true} : memref<384x16xf32, #tpu.memory_space<vmem>>[vector<16xi32>, vector<16xi32>], vector<16xf32>, vector<16xi1>
                %add3A_426 = arith.constant 256 : i32
                %add3A_427 = vector.broadcast %add3A_426 : i32 to vector<16xi32>
                %add3A_428 = arith.addi %shift_right_arithmetic3A_338, %add3A_427 : vector<16xi32>
                %mul3A_429 = arith.mulf %sub3A_409, %add3A_382 : vector<16xf32>
                tpu.vector_store_idx %arg13[%add3A_428, %and3A_341], %mul3A_429 masked %and3A_417 {add = true} : memref<384x16xf32, #tpu.memory_space<vmem>>[vector<16xi32>, vector<16xi32>], vector<16xf32>, vector<16xi1>
              }
              %scan3A_328 = arith.constant 64 : i32
            } else {
            }
          } else {
          }
        }
        "tpu.region"() ({
          %run_scoped3A = tpu.sem_alloc : memref<!tpu.dma_semaphore, #tpu.memory_space<semaphore_mem>>
          %dma_start3A_267 = arith.constant 0 : i32
          %dma_start3A_268 = arith.constant 0 : i32
          %dma_start3A_269 = tpu.memref_slice %arg10[%add3A, %add3A_180, %dma_start3A_267, %dma_start3A_268] : memref<32x50x384x16xf32, #tpu.memory_space<hbm>> -> memref<1x1x384x16xf32, #tpu.memory_space<hbm>>
          %dma_start3A_270 = tpu.memref_squeeze %dma_start3A_269 : memref<1x1x384x16xf32, #tpu.memory_space<hbm>> -> memref<384x16xf32, #tpu.memory_space<hbm>>
          %dma_start3A_271 = arith.constant 0 : i32
          %dma_start3A_272 = arith.constant 0 : i32
          %dma_start3A_273 = tpu.memref_slice %arg10[%add3A, %add3A_180, %dma_start3A_271, %dma_start3A_272] : memref<32x50x384x16xf32, #tpu.memory_space<hbm>> -> memref<1x1x384x16xf32, #tpu.memory_space<hbm>>
          %dma_start3A_274 = tpu.memref_squeeze %dma_start3A_273 : memref<1x1x384x16xf32, #tpu.memory_space<hbm>> -> memref<384x16xf32, #tpu.memory_space<hbm>>
          tpu.enqueue_dma source(%arg13 : memref<384x16xf32, #tpu.memory_space<vmem>>) target(%dma_start3A_274 : memref<384x16xf32, #tpu.memory_space<hbm>>) target_semaphore(%run_scoped3A : memref<!tpu.dma_semaphore, #tpu.memory_space<semaphore_mem>>)
          %dma_wait3A = arith.constant 0 : i32
          %dma_wait3A_275 = arith.constant 0 : i32
          %dma_wait3A_276 = tpu.memref_slice %arg10[%add3A, %add3A_180, %dma_wait3A, %dma_wait3A_275] : memref<32x50x384x16xf32, #tpu.memory_space<hbm>> -> memref<1x1x384x16xf32, #tpu.memory_space<hbm>>
          %dma_wait3A_277 = tpu.memref_squeeze %dma_wait3A_276 : memref<1x1x384x16xf32, #tpu.memory_space<hbm>> -> memref<384x16xf32, #tpu.memory_space<hbm>>
          %dma_wait3A_278 = arith.constant 0 : i32
          %dma_wait3A_279 = arith.constant 0 : i32
          %dma_wait3A_280 = tpu.memref_slice %arg10[%add3A, %add3A_180, %dma_wait3A_278, %dma_wait3A_279] : memref<32x50x384x16xf32, #tpu.memory_space<hbm>> -> memref<1x1x384x16xf32, #tpu.memory_space<hbm>>
          %dma_wait3A_281 = tpu.memref_squeeze %dma_wait3A_280 : memref<1x1x384x16xf32, #tpu.memory_space<hbm>> -> memref<384x16xf32, #tpu.memory_space<hbm>>
          tpu.wait_dma2 semaphore(%run_scoped3A : memref<!tpu.dma_semaphore, #tpu.memory_space<semaphore_mem>>) src(%arg13 : memref<384x16xf32, #tpu.memory_space<vmem>>) dst(%dma_wait3A_281 : memref<384x16xf32, #tpu.memory_space<hbm>>)
          tpu.yield
        }) : () -> ()
      } else {
      }
    }
    %while3A_178 = arith.constant 1 : i32
    scf.for %while3A_179 = %while3A_176 to %while3A_172 step %while3A_178  : i32 {
      %add3A_180 = arith.addi %sub3A_84, %while3A_179 : i32
      %shift_right_arithmetic3A = arith.constant 4 : i32
      %shift_right_arithmetic3A_181 = arith.shrsi %add3A_180, %shift_right_arithmetic3A : i32
      %mul3A_182 = arith.constant 16 : i32
      %mul3A_183 = arith.muli %shift_right_arithmetic3A_181, %mul3A_182 : i32
      %get3A_184 = arith.index_cast %mul3A_183 : i32 to index
      %get3A_185 = tpu.vector_load %arg11[%get3A_184] {strides = array<i32>} : memref<64xi32, #tpu.memory_space<vmem>>, vector<16xi32>,
      %iota3A_186 = tpu.iota {dimensions = array<i32: 0>} : vector<16xi32>
      %and3A = arith.constant 15 : i32
      %and3A_187 = arith.andi %add3A_180, %and3A : i32
      %broadcast_in_dim3A_188 = vector.broadcast %and3A_187 : i32 to vector<16xi32>
      %eq3A = arith.cmpi eq, %iota3A_186, %broadcast_in_dim3A_188 : vector<16xi32>
      %jit3A_189 = arith.constant 0 : i32
      %broadcast_in_dim3A_190 = vector.broadcast %jit3A_189 : i32 to vector<16xi32>
      %select_n3A_191 = arith.select %eq3A, %get3A_185, %broadcast_in_dim3A_190 : vector<16xi1>, vector<16xi32>
      %reduce_max3A_192 = arith.constant true
      %reduce_max3A_193 = vector.broadcast %reduce_max3A_192 : i1 to vector<16xi1>
      %reduce_max3A_194 = arith.constant -2147483648 : i32
      %reduce_max3A_195 = vector.broadcast %reduce_max3A_194 : i32 to vector<16xi32>
      %reduce_max3A_196 = arith.xori %select_n3A_191, %reduce_max3A_195 : vector<16xi32>
      %reduce_max3A_197 = tpu.scan <max>, %reduce_max3A_196 masked %reduce_max3A_193 : vector<16xi32>, vector<16xi1> -> vector<16xi32>
      %reduce_max3A_198 = arith.xori %reduce_max3A_197, %reduce_max3A_195 : vector<16xi32>
      %reduce_max3A_199 = vector.extract %reduce_max3A_198[15] : i32 from vector<16xi32>
      %add3A_200 = arith.constant 1 : i32
      %add3A_201 = arith.addi %add3A_180, %add3A_200 : i32
      %shift_right_arithmetic3A_202 = arith.constant 4 : i32
      %shift_right_arithmetic3A_203 = arith.shrsi %add3A_201, %shift_right_arithmetic3A_202 : i32
      %mul3A_204 = arith.constant 16 : i32
      %mul3A_205 = arith.muli %shift_right_arithmetic3A_203, %mul3A_204 : i32
      %get3A_206 = arith.index_cast %mul3A_205 : i32 to index
      %get3A_207 = tpu.vector_load %arg11[%get3A_206] {strides = array<i32>} : memref<64xi32, #tpu.memory_space<vmem>>, vector<16xi32>,
      %iota3A_208 = tpu.iota {dimensions = array<i32: 0>} : vector<16xi32>
      %and3A_209 = arith.constant 15 : i32
      %and3A_210 = arith.andi %add3A_201, %and3A_209 : i32
      %broadcast_in_dim3A_211 = vector.broadcast %and3A_210 : i32 to vector<16xi32>
      %eq3A_212 = arith.cmpi eq, %iota3A_208, %broadcast_in_dim3A_211 : vector<16xi32>
      %jit3A_213 = arith.constant 0 : i32
      %broadcast_in_dim3A_214 = vector.broadcast %jit3A_213 : i32 to vector<16xi32>
      %select_n3A_215 = arith.select %eq3A_212, %get3A_207, %broadcast_in_dim3A_214 : vector<16xi1>, vector<16xi32>
      %reduce_max3A_216 = arith.constant true
      %reduce_max3A_217 = vector.broadcast %reduce_max3A_216 : i1 to vector<16xi1>
      %reduce_max3A_218 = arith.constant -2147483648 : i32
      %reduce_max3A_219 = vector.broadcast %reduce_max3A_218 : i32 to vector<16xi32>
      %reduce_max3A_220 = arith.xori %select_n3A_215, %reduce_max3A_219 : vector<16xi32>
      %reduce_max3A_221 = tpu.scan <max>, %reduce_max3A_220 masked %reduce_max3A_217 : vector<16xi32>, vector<16xi1> -> vector<16xi32>
      %reduce_max3A_222 = arith.xori %reduce_max3A_221, %reduce_max3A_219 : vector<16xi32>
      %reduce_max3A_223 = vector.extract %reduce_max3A_222[15] : i32 from vector<16xi32>
      %max3A_224 = arith.maxsi %reduce_max3A_199, %mul3A_7 : i32
      %min3A_225 = arith.minsi %reduce_max3A_223, %mul3A_9 : i32
      %gt3A = arith.cmpi sgt, %min3A_225, %max3A_224 : i32
      %convert_element_type3A = arith.extui %gt3A : i1 to i32
      %cond3A = arith.constant 0 : i32
      %cond3A_226 = arith.cmpi ne, %convert_element_type3A, %cond3A : i32
      scf.if %cond3A_226 {
        %shift_right_arithmetic3A_227 = arith.constant 10 : i32
        %shift_right_arithmetic3A_228 = arith.shrsi %max3A_224, %shift_right_arithmetic3A_227 : i32
        %add3A_229 = arith.constant 1023 : i32
        %add3A_230 = arith.addi %min3A_225, %add3A_229 : i32
        %shift_right_arithmetic3A_231 = arith.constant 10 : i32
        %shift_right_arithmetic3A_232 = arith.shrsi %add3A_230, %shift_right_arithmetic3A_231 : i32
        %mul3A_233 = arith.constant 1024 : i32
        %mul3A_234 = arith.muli %shift_right_arithmetic3A_228, %mul3A_233 : i32
        %dma_start3A = tpu.memref_slice %arg4[%mul3A_234] : memref<6400000xi32, #tpu.memory_space<hbm>> -> memref<1024xi32, #tpu.memory_space<hbm>>
        %dma_start3A_235 = tpu.memref_slice %arg4[%mul3A_234] : memref<6400000xi32, #tpu.memory_space<hbm>> -> memref<1024xi32, #tpu.memory_space<hbm>>
        tpu.enqueue_dma source(%dma_start3A_235 : memref<1024xi32, #tpu.memory_space<hbm>>) target(%arg14 : memref<1024xi32, #tpu.memory_space<vmem>>) target_semaphore(%arg24 : memref<!tpu.dma_semaphore, #tpu.memory_space<semaphore_mem>>)
        %mul3A_236 = arith.constant 1024 : i32
        %mul3A_237 = arith.muli %shift_right_arithmetic3A_228, %mul3A_236 : i32
        %dma_start3A_238 = tpu.memref_slice %arg5[%mul3A_237] : memref<6400000xi32, #tpu.memory_space<hbm>> -> memref<1024xi32, #tpu.memory_space<hbm>>
        %dma_start3A_239 = tpu.memref_slice %arg5[%mul3A_237] : memref<6400000xi32, #tpu.memory_space<hbm>> -> memref<1024xi32, #tpu.memory_space<hbm>>
        tpu.enqueue_dma source(%dma_start3A_239 : memref<1024xi32, #tpu.memory_space<hbm>>) target(%arg15 : memref<1024xi32, #tpu.memory_space<vmem>>) target_semaphore(%arg24 : memref<!tpu.dma_semaphore, #tpu.memory_space<semaphore_mem>>)
        %mul3A_240 = arith.constant 1024 : i32
        %mul3A_241 = arith.muli %shift_right_arithmetic3A_228, %mul3A_240 : i32
        %dma_start3A_242 = tpu.memref_slice %arg6[%mul3A_241] : memref<6400000xf32, #tpu.memory_space<hbm>> -> memref<1024xf32, #tpu.memory_space<hbm>>
        %dma_start3A_243 = tpu.memref_slice %arg6[%mul3A_241] : memref<6400000xf32, #tpu.memory_space<hbm>> -> memref<1024xf32, #tpu.memory_space<hbm>>
        tpu.enqueue_dma source(%dma_start3A_243 : memref<1024xf32, #tpu.memory_space<hbm>>) target(%arg16 : memref<1024xf32, #tpu.memory_space<vmem>>) target_semaphore(%arg24 : memref<!tpu.dma_semaphore, #tpu.memory_space<semaphore_mem>>)
        %mul3A_244 = arith.constant 1024 : i32
        %mul3A_245 = arith.muli %shift_right_arithmetic3A_228, %mul3A_244 : i32
        %dma_start3A_246 = tpu.memref_slice %arg7[%mul3A_245] : memref<6400000xf32, #tpu.memory_space<hbm>> -> memref<1024xf32, #tpu.memory_space<hbm>>
        %dma_start3A_247 = tpu.memref_slice %arg7[%mul3A_245] : memref<6400000xf32, #tpu.memory_space<hbm>> -> memref<1024xf32, #tpu.memory_space<hbm>>
        tpu.enqueue_dma source(%dma_start3A_247 : memref<1024xf32, #tpu.memory_space<hbm>>) target(%arg17 : memref<1024xf32, #tpu.memory_space<vmem>>) target_semaphore(%arg24 : memref<!tpu.dma_semaphore, #tpu.memory_space<semaphore_mem>>)
        %mul3A_248 = arith.constant 1024 : i32
        %mul3A_249 = arith.muli %shift_right_arithmetic3A_228, %mul3A_248 : i32
        %dma_start3A_250 = tpu.memref_slice %arg8[%mul3A_249] : memref<6400000xf32, #tpu.memory_space<hbm>> -> memref<1024xf32, #tpu.memory_space<hbm>>
        %dma_start3A_251 = tpu.memref_slice %arg8[%mul3A_249] : memref<6400000xf32, #tpu.memory_space<hbm>> -> memref<1024xf32, #tpu.memory_space<hbm>>
        tpu.enqueue_dma source(%dma_start3A_251 : memref<1024xf32, #tpu.memory_space<hbm>>) target(%arg18 : memref<1024xf32, #tpu.memory_space<vmem>>) target_semaphore(%arg24 : memref<!tpu.dma_semaphore, #tpu.memory_space<semaphore_mem>>)
        "tpu.region"() ({
          %run_scoped3A = tpu.sem_alloc : memref<!tpu.dma_semaphore, #tpu.memory_space<semaphore_mem>>
          tpu.enqueue_dma source(%arg9 : memref<384x16xf32, #tpu.memory_space<hbm>>) target(%arg13 : memref<384x16xf32, #tpu.memory_space<vmem>>) target_semaphore(%run_scoped3A : memref<!tpu.dma_semaphore, #tpu.memory_space<semaphore_mem>>)
          tpu.wait_dma2 semaphore(%run_scoped3A : memref<!tpu.dma_semaphore, #tpu.memory_space<semaphore_mem>>) src(%arg9 : memref<384x16xf32, #tpu.memory_space<hbm>>) dst(%arg13 : memref<384x16xf32, #tpu.memory_space<vmem>>)
          tpu.yield
        }) : () -> ()
        "tpu.region"() ({
          %run_scoped3A = tpu.sem_alloc : memref<!tpu.dma_semaphore, #tpu.memory_space<semaphore_mem>>
          %dma_start3A_267 = arith.constant 0 : i32
          %dma_start3A_268 = arith.constant 0 : i32
          %dma_start3A_269 = tpu.memref_slice %arg2[%add3A_180, %dma_start3A_267, %dma_start3A_268] : memref<50x384x16xf32, #tpu.memory_space<hbm>> -> memref<1x384x16xf32, #tpu.memory_space<hbm>>
          %dma_start3A_270 = tpu.memref_squeeze %dma_start3A_269 : memref<1x384x16xf32, #tpu.memory_space<hbm>> -> memref<384x16xf32, #tpu.memory_space<hbm>>
          %dma_start3A_271 = arith.constant 0 : i32
          %dma_start3A_272 = arith.constant 0 : i32
          %dma_start3A_273 = tpu.memref_slice %arg2[%add3A_180, %dma_start3A_271, %dma_start3A_272] : memref<50x384x16xf32, #tpu.memory_space<hbm>> -> memref<1x384x16xf32, #tpu.memory_space<hbm>>
          %dma_start3A_274 = tpu.memref_squeeze %dma_start3A_273 : memref<1x384x16xf32, #tpu.memory_space<hbm>> -> memref<384x16xf32, #tpu.memory_space<hbm>>
          tpu.enqueue_dma source(%dma_start3A_274 : memref<384x16xf32, #tpu.memory_space<hbm>>) target(%arg12 : memref<384x16xf32, #tpu.memory_space<vmem>>) target_semaphore(%run_scoped3A : memref<!tpu.dma_semaphore, #tpu.memory_space<semaphore_mem>>)
          %dma_wait3A = arith.constant 0 : i32
          %dma_wait3A_275 = arith.constant 0 : i32
          %dma_wait3A_276 = tpu.memref_slice %arg2[%add3A_180, %dma_wait3A, %dma_wait3A_275] : memref<50x384x16xf32, #tpu.memory_space<hbm>> -> memref<1x384x16xf32, #tpu.memory_space<hbm>>
          %dma_wait3A_277 = tpu.memref_squeeze %dma_wait3A_276 : memref<1x384x16xf32, #tpu.memory_space<hbm>> -> memref<384x16xf32, #tpu.memory_space<hbm>>
          %dma_wait3A_278 = arith.constant 0 : i32
          %dma_wait3A_279 = arith.constant 0 : i32
          %dma_wait3A_280 = tpu.memref_slice %arg2[%add3A_180, %dma_wait3A_278, %dma_wait3A_279] : memref<50x384x16xf32, #tpu.memory_space<hbm>> -> memref<1x384x16xf32, #tpu.memory_space<hbm>>
          %dma_wait3A_281 = tpu.memref_squeeze %dma_wait3A_280 : memref<1x384x16xf32, #tpu.memory_space<hbm>> -> memref<384x16xf32, #tpu.memory_space<hbm>>
          tpu.wait_dma2 semaphore(%run_scoped3A : memref<!tpu.dma_semaphore, #tpu.memory_space<semaphore_mem>>) src(%dma_wait3A_281 : memref<384x16xf32, #tpu.memory_space<hbm>>) dst(%arg12 : memref<384x16xf32, #tpu.memory_space<vmem>>)
          tpu.yield
        }) : () -> ()
        %sub3A_252 = arith.subi %shift_right_arithmetic3A_232, %shift_right_arithmetic3A_228 : i32
        %add3A_253 = arith.constant 1 : i32
        %add3A_254 = arith.addi %sub3A_252, %add3A_253 : i32
        %shift_right_arithmetic3A_255 = arith.constant 1 : i32
        %shift_right_arithmetic3A_256 = arith.shrsi %add3A_254, %shift_right_arithmetic3A_255 : i32
        %while3A_257 = arith.constant 0 : i32
        %while3A_258 = arith.constant 0 : i32
        %while3A_259 = arith.subi %shift_right_arithmetic3A_256, %while3A_258 : i32
        %while3A_260 = arith.addi %while3A_258, %while3A_259 : i32
        %while3A_261 = arith.constant 1 : i32
        %while3A_262 = arith.divsi %while3A_259, %while3A_261 : i32
        %while3A_263 = arith.muli %while3A_262, %while3A_261 : i32
        %while3A_264 = arith.addi %while3A_258, %while3A_263 : i32
        %while3A_265 = arith.constant 1 : i32
        scf.for %while3A_267 = %while3A_258 to %while3A_264 step %while3A_265  : i32 {
          %mul3A_268 = arith.constant 2 : i32
          %mul3A_269 = arith.muli %mul3A_268, %while3A_267 : i32
          %add3A_270 = arith.addi %shift_right_arithmetic3A_228, %mul3A_269 : i32
          %add3A_271 = arith.constant 0 : i32
          %add3A_272 = arith.addi %add3A_270, %add3A_271 : i32
          %lt3A_273 = arith.cmpi slt, %add3A_272, %shift_right_arithmetic3A_232 : i32
          %convert_element_type3A_274 = arith.extui %lt3A_273 : i1 to i32
          %cond3A_275 = arith.constant 0 : i32
          %cond3A_276 = arith.cmpi ne, %convert_element_type3A_274, %cond3A_275 : i32
          scf.if %cond3A_276 {
            %add3A_286 = arith.constant 1 : i32
            %add3A_287 = arith.addi %add3A_272, %add3A_286 : i32
            %lt3A_288 = arith.cmpi slt, %add3A_287, %shift_right_arithmetic3A_232 : i32
            %convert_element_type3A_289 = arith.extui %lt3A_288 : i1 to i32
            %cond3A_290 = arith.constant 0 : i32
            %cond3A_291 = arith.cmpi ne, %convert_element_type3A_289, %cond3A_290 : i32
            scf.if %cond3A_291 {
              %add3A_324 = arith.constant 1 : i32
              %add3A_325 = arith.addi %add3A_272, %add3A_324 : i32
              %mul3A_326 = arith.constant 1024 : i32
              %mul3A_327 = arith.muli %add3A_325, %mul3A_326 : i32
              %dma_start3A_328 = tpu.memref_slice %arg4[%mul3A_327] : memref<6400000xi32, #tpu.memory_space<hbm>> -> memref<1024xi32, #tpu.memory_space<hbm>>
              %dma_start3A_329 = tpu.memref_slice %arg4[%mul3A_327] : memref<6400000xi32, #tpu.memory_space<hbm>> -> memref<1024xi32, #tpu.memory_space<hbm>>
              tpu.enqueue_dma source(%dma_start3A_329 : memref<1024xi32, #tpu.memory_space<hbm>>) target(%arg19 : memref<1024xi32, #tpu.memory_space<vmem>>) target_semaphore(%arg25 : memref<!tpu.dma_semaphore, #tpu.memory_space<semaphore_mem>>)
              %mul3A_330 = arith.constant 1024 : i32
              %mul3A_331 = arith.muli %add3A_325, %mul3A_330 : i32
              %dma_start3A_332 = tpu.memref_slice %arg5[%mul3A_331] : memref<6400000xi32, #tpu.memory_space<hbm>> -> memref<1024xi32, #tpu.memory_space<hbm>>
              %dma_start3A_333 = tpu.memref_slice %arg5[%mul3A_331] : memref<6400000xi32, #tpu.memory_space<hbm>> -> memref<1024xi32, #tpu.memory_space<hbm>>
              tpu.enqueue_dma source(%dma_start3A_333 : memref<1024xi32, #tpu.memory_space<hbm>>) target(%arg20 : memref<1024xi32, #tpu.memory_space<vmem>>) target_semaphore(%arg25 : memref<!tpu.dma_semaphore, #tpu.memory_space<semaphore_mem>>)
              %mul3A_334 = arith.constant 1024 : i32
              %mul3A_335 = arith.muli %add3A_325, %mul3A_334 : i32
              %dma_start3A_336 = tpu.memref_slice %arg6[%mul3A_335] : memref<6400000xf32, #tpu.memory_space<hbm>> -> memref<1024xf32, #tpu.memory_space<hbm>>
              %dma_start3A_337 = tpu.memref_slice %arg6[%mul3A_335] : memref<6400000xf32, #tpu.memory_space<hbm>> -> memref<1024xf32, #tpu.memory_space<hbm>>
              tpu.enqueue_dma source(%dma_start3A_337 : memref<1024xf32, #tpu.memory_space<hbm>>) target(%arg21 : memref<1024xf32, #tpu.memory_space<vmem>>) target_semaphore(%arg25 : memref<!tpu.dma_semaphore, #tpu.memory_space<semaphore_mem>>)
              %mul3A_338 = arith.constant 1024 : i32
              %mul3A_339 = arith.muli %add3A_325, %mul3A_338 : i32
              %dma_start3A_340 = tpu.memref_slice %arg7[%mul3A_339] : memref<6400000xf32, #tpu.memory_space<hbm>> -> memref<1024xf32, #tpu.memory_space<hbm>>
              %dma_start3A_341 = tpu.memref_slice %arg7[%mul3A_339] : memref<6400000xf32, #tpu.memory_space<hbm>> -> memref<1024xf32, #tpu.memory_space<hbm>>
              tpu.enqueue_dma source(%dma_start3A_341 : memref<1024xf32, #tpu.memory_space<hbm>>) target(%arg22 : memref<1024xf32, #tpu.memory_space<vmem>>) target_semaphore(%arg25 : memref<!tpu.dma_semaphore, #tpu.memory_space<semaphore_mem>>)
              %mul3A_342 = arith.constant 1024 : i32
              %mul3A_343 = arith.muli %add3A_325, %mul3A_342 : i32
              %dma_start3A_344 = tpu.memref_slice %arg8[%mul3A_343] : memref<6400000xf32, #tpu.memory_space<hbm>> -> memref<1024xf32, #tpu.memory_space<hbm>>
              %dma_start3A_345 = tpu.memref_slice %arg8[%mul3A_343] : memref<6400000xf32, #tpu.memory_space<hbm>> -> memref<1024xf32, #tpu.memory_space<hbm>>
              tpu.enqueue_dma source(%dma_start3A_345 : memref<1024xf32, #tpu.memory_space<hbm>>) target(%arg23 : memref<1024xf32, #tpu.memory_space<vmem>>) target_semaphore(%arg25 : memref<!tpu.dma_semaphore, #tpu.memory_space<semaphore_mem>>)
            } else {
            }
            %dma_wait3A = arith.constant 0 : i32
            %dma_wait3A_292 = tpu.memref_slice %arg4[%dma_wait3A] : memref<6400000xi32, #tpu.memory_space<hbm>> -> memref<1024xi32, #tpu.memory_space<hbm>>
            %dma_wait3A_293 = arith.constant 0 : i32
            %dma_wait3A_294 = tpu.memref_slice %arg4[%dma_wait3A_293] : memref<6400000xi32, #tpu.memory_space<hbm>> -> memref<1024xi32, #tpu.memory_space<hbm>>
            tpu.wait_dma2 semaphore(%arg24 : memref<!tpu.dma_semaphore, #tpu.memory_space<semaphore_mem>>) src(%dma_wait3A_294 : memref<1024xi32, #tpu.memory_space<hbm>>) dst(%arg14 : memref<1024xi32, #tpu.memory_space<vmem>>)
            %dma_wait3A_295 = arith.constant 0 : i32
            %dma_wait3A_296 = tpu.memref_slice %arg5[%dma_wait3A_295] : memref<6400000xi32, #tpu.memory_space<hbm>> -> memref<1024xi32, #tpu.memory_space<hbm>>
            %dma_wait3A_297 = arith.constant 0 : i32
            %dma_wait3A_298 = tpu.memref_slice %arg5[%dma_wait3A_297] : memref<6400000xi32, #tpu.memory_space<hbm>> -> memref<1024xi32, #tpu.memory_space<hbm>>
            tpu.wait_dma2 semaphore(%arg24 : memref<!tpu.dma_semaphore, #tpu.memory_space<semaphore_mem>>) src(%dma_wait3A_298 : memref<1024xi32, #tpu.memory_space<hbm>>) dst(%arg15 : memref<1024xi32, #tpu.memory_space<vmem>>)
            %dma_wait3A_299 = arith.constant 0 : i32
            %dma_wait3A_300 = tpu.memref_slice %arg6[%dma_wait3A_299] : memref<6400000xf32, #tpu.memory_space<hbm>> -> memref<1024xf32, #tpu.memory_space<hbm>>
            %dma_wait3A_301 = arith.constant 0 : i32
            %dma_wait3A_302 = tpu.memref_slice %arg6[%dma_wait3A_301] : memref<6400000xf32, #tpu.memory_space<hbm>> -> memref<1024xf32, #tpu.memory_space<hbm>>
            tpu.wait_dma2 semaphore(%arg24 : memref<!tpu.dma_semaphore, #tpu.memory_space<semaphore_mem>>) src(%dma_wait3A_302 : memref<1024xf32, #tpu.memory_space<hbm>>) dst(%arg16 : memref<1024xf32, #tpu.memory_space<vmem>>)
            %dma_wait3A_303 = arith.constant 0 : i32
            %dma_wait3A_304 = tpu.memref_slice %arg7[%dma_wait3A_303] : memref<6400000xf32, #tpu.memory_space<hbm>> -> memref<1024xf32, #tpu.memory_space<hbm>>
            %dma_wait3A_305 = arith.constant 0 : i32
            %dma_wait3A_306 = tpu.memref_slice %arg7[%dma_wait3A_305] : memref<6400000xf32, #tpu.memory_space<hbm>> -> memref<1024xf32, #tpu.memory_space<hbm>>
            tpu.wait_dma2 semaphore(%arg24 : memref<!tpu.dma_semaphore, #tpu.memory_space<semaphore_mem>>) src(%dma_wait3A_306 : memref<1024xf32, #tpu.memory_space<hbm>>) dst(%arg17 : memref<1024xf32, #tpu.memory_space<vmem>>)
            %dma_wait3A_307 = arith.constant 0 : i32
            %dma_wait3A_308 = tpu.memref_slice %arg8[%dma_wait3A_307] : memref<6400000xf32, #tpu.memory_space<hbm>> -> memref<1024xf32, #tpu.memory_space<hbm>>
            %dma_wait3A_309 = arith.constant 0 : i32
            %dma_wait3A_310 = tpu.memref_slice %arg8[%dma_wait3A_309] : memref<6400000xf32, #tpu.memory_space<hbm>> -> memref<1024xf32, #tpu.memory_space<hbm>>
            tpu.wait_dma2 semaphore(%arg24 : memref<!tpu.dma_semaphore, #tpu.memory_space<semaphore_mem>>) src(%dma_wait3A_310 : memref<1024xf32, #tpu.memory_space<hbm>>) dst(%arg18 : memref<1024xf32, #tpu.memory_space<vmem>>)
            %mul3A_311 = arith.constant 1024 : i32
            %mul3A_312 = arith.muli %add3A_272, %mul3A_311 : i32
            %ge3A = arith.cmpi sge, %mul3A_312, %max3A_224 : i32
            %add3A_313 = arith.constant 1024 : i32
            %add3A_314 = arith.addi %mul3A_312, %add3A_313 : i32
            %le3A_315 = arith.cmpi sle, %add3A_314, %min3A_225 : i32
            %and3A_316 = arith.andi %ge3A, %le3A_315 : i1
            %convert_element_type3A_317 = arith.extui %and3A_316 : i1 to i32
            %cond3A_318 = arith.constant 0 : i32
            %cond3A_319 = arith.cmpi ne, %convert_element_type3A_317, %cond3A_318 : i32
            scf.if %cond3A_319 {
              %scan3A = arith.constant 0 : i32
              %scan3A_324 = arith.constant 0 : i32
              %scan3A_325 = arith.constant 64 : i32
              %scan3A_326 = arith.addi %scan3A_324, %scan3A_325 : i32
              %scan3A_327 = arith.constant 1 : i32
              scf.for %scan3A_329 = %scan3A_324 to %scan3A_326 step %scan3A_327  : i32 {
                %mul3A_330 = arith.constant 16 : i32
                %mul3A_331 = arith.muli %scan3A_329, %mul3A_330 : i32
                %get3A_332 = arith.index_cast %mul3A_331 : i32 to index
                %get3A_333 = tpu.vector_load %arg14[%get3A_332] {strides = array<i32>} : memref<1024xi32, #tpu.memory_space<vmem>>, vector<16xi32>,
                %get3A_334 = arith.index_cast %mul3A_331 : i32 to index
                %get3A_335 = tpu.vector_load %arg15[%get3A_334] {strides = array<i32>} : memref<1024xi32, #tpu.memory_space<vmem>>, vector<16xi32>,
                %shift_right_arithmetic3A_336 = arith.constant 4 : i32
                %shift_right_arithmetic3A_337 = vector.broadcast %shift_right_arithmetic3A_336 : i32 to vector<16xi32>
                %shift_right_arithmetic3A_338 = arith.shrsi %get3A_333, %shift_right_arithmetic3A_337 : vector<16xi32>
                %and3A_339 = arith.constant 15 : i32
                %and3A_340 = vector.broadcast %and3A_339 : i32 to vector<16xi32>
                %and3A_341 = arith.andi %get3A_333, %and3A_340 : vector<16xi32>
                %shift_right_arithmetic3A_342 = arith.constant 4 : i32
                %shift_right_arithmetic3A_343 = vector.broadcast %shift_right_arithmetic3A_342 : i32 to vector<16xi32>
                %shift_right_arithmetic3A_344 = arith.shrsi %get3A_335, %shift_right_arithmetic3A_343 : vector<16xi32>
                %and3A_345 = arith.constant 15 : i32
                %and3A_346 = vector.broadcast %and3A_345 : i32 to vector<16xi32>
                %and3A_347 = arith.andi %get3A_335, %and3A_346 : vector<16xi32>
                %add3A_348 = arith.constant 0 : i32
                %add3A_349 = vector.broadcast %add3A_348 : i32 to vector<16xi32>
                %add3A_350 = arith.addi %shift_right_arithmetic3A_338, %add3A_349 : vector<16xi32>
                %gather3A = tpu.vector_load_idx %arg12[%add3A_350, %and3A_341] : memref<384x16xf32, #tpu.memory_space<vmem>>[vector<16xi32>, vector<16xi32>], vector<16xf32>,
                %add3A_351 = arith.constant 0 : i32
                %add3A_352 = vector.broadcast %add3A_351 : i32 to vector<16xi32>
                %add3A_353 = arith.addi %shift_right_arithmetic3A_344, %add3A_352 : vector<16xi32>
                %gather3A_354 = tpu.vector_load_idx %arg12[%add3A_353, %and3A_347] : memref<384x16xf32, #tpu.memory_space<vmem>>[vector<16xi32>, vector<16xi32>], vector<16xf32>,
                %sub3A_355 = arith.subf %gather3A_354, %gather3A : vector<16xf32>
                %get3A_356 = arith.index_cast %mul3A_331 : i32 to index
                %get3A_357 = tpu.vector_load %arg16[%get3A_356] {strides = array<i32>} : memref<1024xf32, #tpu.memory_space<vmem>>, vector<16xf32>,
                %add3A_358 = arith.addf %sub3A_355, %get3A_357 : vector<16xf32>
                %add3A_359 = arith.constant 128 : i32
                %add3A_360 = vector.broadcast %add3A_359 : i32 to vector<16xi32>
                %add3A_361 = arith.addi %shift_right_arithmetic3A_338, %add3A_360 : vector<16xi32>
                %gather3A_362 = tpu.vector_load_idx %arg12[%add3A_361, %and3A_341] : memref<384x16xf32, #tpu.memory_space<vmem>>[vector<16xi32>, vector<16xi32>], vector<16xf32>,
                %add3A_363 = arith.constant 128 : i32
                %add3A_364 = vector.broadcast %add3A_363 : i32 to vector<16xi32>
                %add3A_365 = arith.addi %shift_right_arithmetic3A_344, %add3A_364 : vector<16xi32>
                %gather3A_366 = tpu.vector_load_idx %arg12[%add3A_365, %and3A_347] : memref<384x16xf32, #tpu.memory_space<vmem>>[vector<16xi32>, vector<16xi32>], vector<16xf32>,
                %sub3A_367 = arith.subf %gather3A_366, %gather3A_362 : vector<16xf32>
                %get3A_368 = arith.index_cast %mul3A_331 : i32 to index
                %get3A_369 = tpu.vector_load %arg17[%get3A_368] {strides = array<i32>} : memref<1024xf32, #tpu.memory_space<vmem>>, vector<16xf32>,
                %add3A_370 = arith.addf %sub3A_367, %get3A_369 : vector<16xf32>
                %add3A_371 = arith.constant 256 : i32
                %add3A_372 = vector.broadcast %add3A_371 : i32 to vector<16xi32>
                %add3A_373 = arith.addi %shift_right_arithmetic3A_338, %add3A_372 : vector<16xi32>
                %gather3A_374 = tpu.vector_load_idx %arg12[%add3A_373, %and3A_341] : memref<384x16xf32, #tpu.memory_space<vmem>>[vector<16xi32>, vector<16xi32>], vector<16xf32>,
                %add3A_375 = arith.constant 256 : i32
                %add3A_376 = vector.broadcast %add3A_375 : i32 to vector<16xi32>
                %add3A_377 = arith.addi %shift_right_arithmetic3A_344, %add3A_376 : vector<16xi32>
                %gather3A_378 = tpu.vector_load_idx %arg12[%add3A_377, %and3A_347] : memref<384x16xf32, #tpu.memory_space<vmem>>[vector<16xi32>, vector<16xi32>], vector<16xf32>,
                %sub3A_379 = arith.subf %gather3A_378, %gather3A_374 : vector<16xf32>
                %get3A_380 = arith.index_cast %mul3A_331 : i32 to index
                %get3A_381 = tpu.vector_load %arg18[%get3A_380] {strides = array<i32>} : memref<1024xf32, #tpu.memory_space<vmem>>, vector<16xf32>,
                %add3A_382 = arith.addf %sub3A_379, %get3A_381 : vector<16xf32>
                %mul3A_383 = arith.mulf %add3A_358, %add3A_358 : vector<16xf32>
                %mul3A_384 = arith.mulf %add3A_370, %add3A_370 : vector<16xf32>
                %add3A_385 = arith.addf %mul3A_383, %mul3A_384 : vector<16xf32>
                %mul3A_386 = arith.mulf %add3A_382, %add3A_382 : vector<16xf32>
                %add3A_387 = arith.addf %add3A_385, %mul3A_386 : vector<16xf32>
                %bitcast_convert_type3A = tpu.bitcast %add3A_387 : vector<16xf32> -> vector<16xi32>
                %shift_right_arithmetic3A_388 = arith.constant 1 : i32
                %shift_right_arithmetic3A_389 = vector.broadcast %shift_right_arithmetic3A_388 : i32 to vector<16xi32>
                %shift_right_arithmetic3A_390 = arith.shrsi %bitcast_convert_type3A, %shift_right_arithmetic3A_389 : vector<16xi32>
                %sub3A_391 = arith.constant 1597463007 : i32
                %sub3A_392 = vector.broadcast %sub3A_391 : i32 to vector<16xi32>
                %sub3A_393 = arith.subi %sub3A_392, %shift_right_arithmetic3A_390 : vector<16xi32>
                %bitcast_convert_type3A_394 = tpu.bitcast %sub3A_393 : vector<16xi32> -> vector<16xf32>
                %mul3A_395 = arith.constant 5.000000e-01 : f32
                %mul3A_396 = vector.broadcast %mul3A_395 : f32 to vector<16xf32>
                %mul3A_397 = arith.mulf %mul3A_396, %add3A_387 : vector<16xf32>
                %mul3A_398 = arith.mulf %mul3A_397, %bitcast_convert_type3A_394 : vector<16xf32>
                %mul3A_399 = arith.mulf %mul3A_398, %bitcast_convert_type3A_394 : vector<16xf32>
                %sub3A_400 = arith.constant 1.500000e+00 : f32
                %sub3A_401 = vector.broadcast %sub3A_400 : f32 to vector<16xf32>
                %sub3A_402 = arith.subf %sub3A_401, %mul3A_399 : vector<16xf32>
                %mul3A_403 = arith.mulf %bitcast_convert_type3A_394, %sub3A_402 : vector<16xf32>
                %mul3A_404 = arith.constant 1.000000e+01 : f32
                %mul3A_405 = vector.broadcast %mul3A_404 : f32 to vector<16xf32>
                %mul3A_406 = arith.mulf %mul3A_405, %mul3A_403 : vector<16xf32>
                %sub3A_407 = arith.constant 2.000000e+00 : f32
                %sub3A_408 = vector.broadcast %sub3A_407 : f32 to vector<16xf32>
                %sub3A_409 = arith.subf %sub3A_408, %mul3A_406 : vector<16xf32>
                %add3A_410 = arith.constant 0 : i32
                %add3A_411 = vector.broadcast %add3A_410 : i32 to vector<16xi32>
                %add3A_412 = arith.addi %shift_right_arithmetic3A_338, %add3A_411 : vector<16xi32>
                %mul3A_413 = arith.mulf %sub3A_409, %add3A_358 : vector<16xf32>
                tpu.vector_store_idx %arg13[%add3A_412, %and3A_341], %mul3A_413 {add = true} : memref<384x16xf32, #tpu.memory_space<vmem>>[vector<16xi32>, vector<16xi32>], vector<16xf32>,
                %add3A_414 = arith.constant 128 : i32
                %add3A_415 = vector.broadcast %add3A_414 : i32 to vector<16xi32>
                %add3A_416 = arith.addi %shift_right_arithmetic3A_338, %add3A_415 : vector<16xi32>
                %mul3A_417 = arith.mulf %sub3A_409, %add3A_370 : vector<16xf32>
                tpu.vector_store_idx %arg13[%add3A_416, %and3A_341], %mul3A_417 {add = true} : memref<384x16xf32, #tpu.memory_space<vmem>>[vector<16xi32>, vector<16xi32>], vector<16xf32>,
                %add3A_418 = arith.constant 256 : i32
                %add3A_419 = vector.broadcast %add3A_418 : i32 to vector<16xi32>
                %add3A_420 = arith.addi %shift_right_arithmetic3A_338, %add3A_419 : vector<16xi32>
                %mul3A_421 = arith.mulf %sub3A_409, %add3A_382 : vector<16xf32>
                tpu.vector_store_idx %arg13[%add3A_420, %and3A_341], %mul3A_421 {add = true} : memref<384x16xf32, #tpu.memory_space<vmem>>[vector<16xi32>, vector<16xi32>], vector<16xf32>,
              }
              %scan3A_328 = arith.constant 64 : i32
            } else {
            }
            %not3A = arith.constant true
            %not3A_320 = arith.xori %and3A_316, %not3A : i1
            %convert_element_type3A_321 = arith.extui %not3A_320 : i1 to i32
            %cond3A_322 = arith.constant 0 : i32
            %cond3A_323 = arith.cmpi ne, %convert_element_type3A_321, %cond3A_322 : i32
            scf.if %cond3A_323 {
              %scan3A = arith.constant 0 : i32
              %scan3A_324 = arith.constant 0 : i32
              %scan3A_325 = arith.constant 64 : i32
              %scan3A_326 = arith.addi %scan3A_324, %scan3A_325 : i32
              %scan3A_327 = arith.constant 1 : i32
              scf.for %scan3A_329 = %scan3A_324 to %scan3A_326 step %scan3A_327  : i32 {
                %mul3A_330 = arith.constant 16 : i32
                %mul3A_331 = arith.muli %scan3A_329, %mul3A_330 : i32
                %get3A_332 = arith.index_cast %mul3A_331 : i32 to index
                %get3A_333 = tpu.vector_load %arg14[%get3A_332] {strides = array<i32>} : memref<1024xi32, #tpu.memory_space<vmem>>, vector<16xi32>,
                %get3A_334 = arith.index_cast %mul3A_331 : i32 to index
                %get3A_335 = tpu.vector_load %arg15[%get3A_334] {strides = array<i32>} : memref<1024xi32, #tpu.memory_space<vmem>>, vector<16xi32>,
                %shift_right_arithmetic3A_336 = arith.constant 4 : i32
                %shift_right_arithmetic3A_337 = vector.broadcast %shift_right_arithmetic3A_336 : i32 to vector<16xi32>
                %shift_right_arithmetic3A_338 = arith.shrsi %get3A_333, %shift_right_arithmetic3A_337 : vector<16xi32>
                %and3A_339 = arith.constant 15 : i32
                %and3A_340 = vector.broadcast %and3A_339 : i32 to vector<16xi32>
                %and3A_341 = arith.andi %get3A_333, %and3A_340 : vector<16xi32>
                %shift_right_arithmetic3A_342 = arith.constant 4 : i32
                %shift_right_arithmetic3A_343 = vector.broadcast %shift_right_arithmetic3A_342 : i32 to vector<16xi32>
                %shift_right_arithmetic3A_344 = arith.shrsi %get3A_335, %shift_right_arithmetic3A_343 : vector<16xi32>
                %and3A_345 = arith.constant 15 : i32
                %and3A_346 = vector.broadcast %and3A_345 : i32 to vector<16xi32>
                %and3A_347 = arith.andi %get3A_335, %and3A_346 : vector<16xi32>
                %add3A_348 = arith.constant 0 : i32
                %add3A_349 = vector.broadcast %add3A_348 : i32 to vector<16xi32>
                %add3A_350 = arith.addi %shift_right_arithmetic3A_338, %add3A_349 : vector<16xi32>
                %gather3A = tpu.vector_load_idx %arg12[%add3A_350, %and3A_341] : memref<384x16xf32, #tpu.memory_space<vmem>>[vector<16xi32>, vector<16xi32>], vector<16xf32>,
                %add3A_351 = arith.constant 0 : i32
                %add3A_352 = vector.broadcast %add3A_351 : i32 to vector<16xi32>
                %add3A_353 = arith.addi %shift_right_arithmetic3A_344, %add3A_352 : vector<16xi32>
                %gather3A_354 = tpu.vector_load_idx %arg12[%add3A_353, %and3A_347] : memref<384x16xf32, #tpu.memory_space<vmem>>[vector<16xi32>, vector<16xi32>], vector<16xf32>,
                %sub3A_355 = arith.subf %gather3A_354, %gather3A : vector<16xf32>
                %get3A_356 = arith.index_cast %mul3A_331 : i32 to index
                %get3A_357 = tpu.vector_load %arg16[%get3A_356] {strides = array<i32>} : memref<1024xf32, #tpu.memory_space<vmem>>, vector<16xf32>,
                %add3A_358 = arith.addf %sub3A_355, %get3A_357 : vector<16xf32>
                %add3A_359 = arith.constant 128 : i32
                %add3A_360 = vector.broadcast %add3A_359 : i32 to vector<16xi32>
                %add3A_361 = arith.addi %shift_right_arithmetic3A_338, %add3A_360 : vector<16xi32>
                %gather3A_362 = tpu.vector_load_idx %arg12[%add3A_361, %and3A_341] : memref<384x16xf32, #tpu.memory_space<vmem>>[vector<16xi32>, vector<16xi32>], vector<16xf32>,
                %add3A_363 = arith.constant 128 : i32
                %add3A_364 = vector.broadcast %add3A_363 : i32 to vector<16xi32>
                %add3A_365 = arith.addi %shift_right_arithmetic3A_344, %add3A_364 : vector<16xi32>
                %gather3A_366 = tpu.vector_load_idx %arg12[%add3A_365, %and3A_347] : memref<384x16xf32, #tpu.memory_space<vmem>>[vector<16xi32>, vector<16xi32>], vector<16xf32>,
                %sub3A_367 = arith.subf %gather3A_366, %gather3A_362 : vector<16xf32>
                %get3A_368 = arith.index_cast %mul3A_331 : i32 to index
                %get3A_369 = tpu.vector_load %arg17[%get3A_368] {strides = array<i32>} : memref<1024xf32, #tpu.memory_space<vmem>>, vector<16xf32>,
                %add3A_370 = arith.addf %sub3A_367, %get3A_369 : vector<16xf32>
                %add3A_371 = arith.constant 256 : i32
                %add3A_372 = vector.broadcast %add3A_371 : i32 to vector<16xi32>
                %add3A_373 = arith.addi %shift_right_arithmetic3A_338, %add3A_372 : vector<16xi32>
                %gather3A_374 = tpu.vector_load_idx %arg12[%add3A_373, %and3A_341] : memref<384x16xf32, #tpu.memory_space<vmem>>[vector<16xi32>, vector<16xi32>], vector<16xf32>,
                %add3A_375 = arith.constant 256 : i32
                %add3A_376 = vector.broadcast %add3A_375 : i32 to vector<16xi32>
                %add3A_377 = arith.addi %shift_right_arithmetic3A_344, %add3A_376 : vector<16xi32>
                %gather3A_378 = tpu.vector_load_idx %arg12[%add3A_377, %and3A_347] : memref<384x16xf32, #tpu.memory_space<vmem>>[vector<16xi32>, vector<16xi32>], vector<16xf32>,
                %sub3A_379 = arith.subf %gather3A_378, %gather3A_374 : vector<16xf32>
                %get3A_380 = arith.index_cast %mul3A_331 : i32 to index
                %get3A_381 = tpu.vector_load %arg18[%get3A_380] {strides = array<i32>} : memref<1024xf32, #tpu.memory_space<vmem>>, vector<16xf32>,
                %add3A_382 = arith.addf %sub3A_379, %get3A_381 : vector<16xf32>
                %mul3A_383 = arith.mulf %add3A_358, %add3A_358 : vector<16xf32>
                %mul3A_384 = arith.mulf %add3A_370, %add3A_370 : vector<16xf32>
                %add3A_385 = arith.addf %mul3A_383, %mul3A_384 : vector<16xf32>
                %mul3A_386 = arith.mulf %add3A_382, %add3A_382 : vector<16xf32>
                %add3A_387 = arith.addf %add3A_385, %mul3A_386 : vector<16xf32>
                %bitcast_convert_type3A = tpu.bitcast %add3A_387 : vector<16xf32> -> vector<16xi32>
                %shift_right_arithmetic3A_388 = arith.constant 1 : i32
                %shift_right_arithmetic3A_389 = vector.broadcast %shift_right_arithmetic3A_388 : i32 to vector<16xi32>
                %shift_right_arithmetic3A_390 = arith.shrsi %bitcast_convert_type3A, %shift_right_arithmetic3A_389 : vector<16xi32>
                %sub3A_391 = arith.constant 1597463007 : i32
                %sub3A_392 = vector.broadcast %sub3A_391 : i32 to vector<16xi32>
                %sub3A_393 = arith.subi %sub3A_392, %shift_right_arithmetic3A_390 : vector<16xi32>
                %bitcast_convert_type3A_394 = tpu.bitcast %sub3A_393 : vector<16xi32> -> vector<16xf32>
                %mul3A_395 = arith.constant 5.000000e-01 : f32
                %mul3A_396 = vector.broadcast %mul3A_395 : f32 to vector<16xf32>
                %mul3A_397 = arith.mulf %mul3A_396, %add3A_387 : vector<16xf32>
                %mul3A_398 = arith.mulf %mul3A_397, %bitcast_convert_type3A_394 : vector<16xf32>
                %mul3A_399 = arith.mulf %mul3A_398, %bitcast_convert_type3A_394 : vector<16xf32>
                %sub3A_400 = arith.constant 1.500000e+00 : f32
                %sub3A_401 = vector.broadcast %sub3A_400 : f32 to vector<16xf32>
                %sub3A_402 = arith.subf %sub3A_401, %mul3A_399 : vector<16xf32>
                %mul3A_403 = arith.mulf %bitcast_convert_type3A_394, %sub3A_402 : vector<16xf32>
                %mul3A_404 = arith.constant 1.000000e+01 : f32
                %mul3A_405 = vector.broadcast %mul3A_404 : f32 to vector<16xf32>
                %mul3A_406 = arith.mulf %mul3A_405, %mul3A_403 : vector<16xf32>
                %sub3A_407 = arith.constant 2.000000e+00 : f32
                %sub3A_408 = vector.broadcast %sub3A_407 : f32 to vector<16xf32>
                %sub3A_409 = arith.subf %sub3A_408, %mul3A_406 : vector<16xf32>
                %add3A_410 = arith.addi %mul3A_312, %mul3A_331 : i32
                %add3A_411 = vector.broadcast %add3A_410 : i32 to vector<16xi32>
                %add3A_412 = arith.addi %iota3A, %add3A_411 : vector<16xi32>
                %ge3A_413 = vector.broadcast %max3A_224 : i32 to vector<16xi32>
                %ge3A_414 = arith.cmpi sge, %add3A_412, %ge3A_413 : vector<16xi32>
                %lt3A_415 = vector.broadcast %min3A_225 : i32 to vector<16xi32>
                %lt3A_416 = arith.cmpi slt, %add3A_412, %lt3A_415 : vector<16xi32>
                %and3A_417 = arith.andi %ge3A_414, %lt3A_416 : vector<16xi1>
                %add3A_418 = arith.constant 0 : i32
                %add3A_419 = vector.broadcast %add3A_418 : i32 to vector<16xi32>
                %add3A_420 = arith.addi %shift_right_arithmetic3A_338, %add3A_419 : vector<16xi32>
                %mul3A_421 = arith.mulf %sub3A_409, %add3A_358 : vector<16xf32>
                tpu.vector_store_idx %arg13[%add3A_420, %and3A_341], %mul3A_421 masked %and3A_417 {add = true} : memref<384x16xf32, #tpu.memory_space<vmem>>[vector<16xi32>, vector<16xi32>], vector<16xf32>, vector<16xi1>
                %add3A_422 = arith.constant 128 : i32
                %add3A_423 = vector.broadcast %add3A_422 : i32 to vector<16xi32>
                %add3A_424 = arith.addi %shift_right_arithmetic3A_338, %add3A_423 : vector<16xi32>
                %mul3A_425 = arith.mulf %sub3A_409, %add3A_370 : vector<16xf32>
                tpu.vector_store_idx %arg13[%add3A_424, %and3A_341], %mul3A_425 masked %and3A_417 {add = true} : memref<384x16xf32, #tpu.memory_space<vmem>>[vector<16xi32>, vector<16xi32>], vector<16xf32>, vector<16xi1>
                %add3A_426 = arith.constant 256 : i32
                %add3A_427 = vector.broadcast %add3A_426 : i32 to vector<16xi32>
                %add3A_428 = arith.addi %shift_right_arithmetic3A_338, %add3A_427 : vector<16xi32>
                %mul3A_429 = arith.mulf %sub3A_409, %add3A_382 : vector<16xf32>
                tpu.vector_store_idx %arg13[%add3A_428, %and3A_341], %mul3A_429 masked %and3A_417 {add = true} : memref<384x16xf32, #tpu.memory_space<vmem>>[vector<16xi32>, vector<16xi32>], vector<16xf32>, vector<16xi1>
              }
              %scan3A_328 = arith.constant 64 : i32
            } else {
            }
          } else {
          }
          %mul3A_277 = arith.constant 2 : i32
          %mul3A_278 = arith.muli %mul3A_277, %while3A_267 : i32
          %add3A_279 = arith.addi %shift_right_arithmetic3A_228, %mul3A_278 : i32
          %add3A_280 = arith.constant 1 : i32
          %add3A_281 = arith.addi %add3A_279, %add3A_280 : i32
          %lt3A_282 = arith.cmpi slt, %add3A_281, %shift_right_arithmetic3A_232 : i32
          %convert_element_type3A_283 = arith.extui %lt3A_282 : i1 to i32
          %cond3A_284 = arith.constant 0 : i32
          %cond3A_285 = arith.cmpi ne, %convert_element_type3A_283, %cond3A_284 : i32
          scf.if %cond3A_285 {
            %add3A_286 = arith.constant 1 : i32
            %add3A_287 = arith.addi %add3A_281, %add3A_286 : i32
            %lt3A_288 = arith.cmpi slt, %add3A_287, %shift_right_arithmetic3A_232 : i32
            %convert_element_type3A_289 = arith.extui %lt3A_288 : i1 to i32
            %cond3A_290 = arith.constant 0 : i32
            %cond3A_291 = arith.cmpi ne, %convert_element_type3A_289, %cond3A_290 : i32
            scf.if %cond3A_291 {
              %add3A_324 = arith.constant 1 : i32
              %add3A_325 = arith.addi %add3A_281, %add3A_324 : i32
              %mul3A_326 = arith.constant 1024 : i32
              %mul3A_327 = arith.muli %add3A_325, %mul3A_326 : i32
              %dma_start3A_328 = tpu.memref_slice %arg4[%mul3A_327] : memref<6400000xi32, #tpu.memory_space<hbm>> -> memref<1024xi32, #tpu.memory_space<hbm>>
              %dma_start3A_329 = tpu.memref_slice %arg4[%mul3A_327] : memref<6400000xi32, #tpu.memory_space<hbm>> -> memref<1024xi32, #tpu.memory_space<hbm>>
              tpu.enqueue_dma source(%dma_start3A_329 : memref<1024xi32, #tpu.memory_space<hbm>>) target(%arg14 : memref<1024xi32, #tpu.memory_space<vmem>>) target_semaphore(%arg24 : memref<!tpu.dma_semaphore, #tpu.memory_space<semaphore_mem>>)
              %mul3A_330 = arith.constant 1024 : i32
              %mul3A_331 = arith.muli %add3A_325, %mul3A_330 : i32
              %dma_start3A_332 = tpu.memref_slice %arg5[%mul3A_331] : memref<6400000xi32, #tpu.memory_space<hbm>> -> memref<1024xi32, #tpu.memory_space<hbm>>
              %dma_start3A_333 = tpu.memref_slice %arg5[%mul3A_331] : memref<6400000xi32, #tpu.memory_space<hbm>> -> memref<1024xi32, #tpu.memory_space<hbm>>
              tpu.enqueue_dma source(%dma_start3A_333 : memref<1024xi32, #tpu.memory_space<hbm>>) target(%arg15 : memref<1024xi32, #tpu.memory_space<vmem>>) target_semaphore(%arg24 : memref<!tpu.dma_semaphore, #tpu.memory_space<semaphore_mem>>)
              %mul3A_334 = arith.constant 1024 : i32
              %mul3A_335 = arith.muli %add3A_325, %mul3A_334 : i32
              %dma_start3A_336 = tpu.memref_slice %arg6[%mul3A_335] : memref<6400000xf32, #tpu.memory_space<hbm>> -> memref<1024xf32, #tpu.memory_space<hbm>>
              %dma_start3A_337 = tpu.memref_slice %arg6[%mul3A_335] : memref<6400000xf32, #tpu.memory_space<hbm>> -> memref<1024xf32, #tpu.memory_space<hbm>>
              tpu.enqueue_dma source(%dma_start3A_337 : memref<1024xf32, #tpu.memory_space<hbm>>) target(%arg16 : memref<1024xf32, #tpu.memory_space<vmem>>) target_semaphore(%arg24 : memref<!tpu.dma_semaphore, #tpu.memory_space<semaphore_mem>>)
              %mul3A_338 = arith.constant 1024 : i32
              %mul3A_339 = arith.muli %add3A_325, %mul3A_338 : i32
              %dma_start3A_340 = tpu.memref_slice %arg7[%mul3A_339] : memref<6400000xf32, #tpu.memory_space<hbm>> -> memref<1024xf32, #tpu.memory_space<hbm>>
              %dma_start3A_341 = tpu.memref_slice %arg7[%mul3A_339] : memref<6400000xf32, #tpu.memory_space<hbm>> -> memref<1024xf32, #tpu.memory_space<hbm>>
              tpu.enqueue_dma source(%dma_start3A_341 : memref<1024xf32, #tpu.memory_space<hbm>>) target(%arg17 : memref<1024xf32, #tpu.memory_space<vmem>>) target_semaphore(%arg24 : memref<!tpu.dma_semaphore, #tpu.memory_space<semaphore_mem>>)
              %mul3A_342 = arith.constant 1024 : i32
              %mul3A_343 = arith.muli %add3A_325, %mul3A_342 : i32
              %dma_start3A_344 = tpu.memref_slice %arg8[%mul3A_343] : memref<6400000xf32, #tpu.memory_space<hbm>> -> memref<1024xf32, #tpu.memory_space<hbm>>
              %dma_start3A_345 = tpu.memref_slice %arg8[%mul3A_343] : memref<6400000xf32, #tpu.memory_space<hbm>> -> memref<1024xf32, #tpu.memory_space<hbm>>
              tpu.enqueue_dma source(%dma_start3A_345 : memref<1024xf32, #tpu.memory_space<hbm>>) target(%arg18 : memref<1024xf32, #tpu.memory_space<vmem>>) target_semaphore(%arg24 : memref<!tpu.dma_semaphore, #tpu.memory_space<semaphore_mem>>)
            } else {
            }
            %dma_wait3A = arith.constant 0 : i32
            %dma_wait3A_292 = tpu.memref_slice %arg4[%dma_wait3A] : memref<6400000xi32, #tpu.memory_space<hbm>> -> memref<1024xi32, #tpu.memory_space<hbm>>
            %dma_wait3A_293 = arith.constant 0 : i32
            %dma_wait3A_294 = tpu.memref_slice %arg4[%dma_wait3A_293] : memref<6400000xi32, #tpu.memory_space<hbm>> -> memref<1024xi32, #tpu.memory_space<hbm>>
            tpu.wait_dma2 semaphore(%arg25 : memref<!tpu.dma_semaphore, #tpu.memory_space<semaphore_mem>>) src(%dma_wait3A_294 : memref<1024xi32, #tpu.memory_space<hbm>>) dst(%arg19 : memref<1024xi32, #tpu.memory_space<vmem>>)
            %dma_wait3A_295 = arith.constant 0 : i32
            %dma_wait3A_296 = tpu.memref_slice %arg5[%dma_wait3A_295] : memref<6400000xi32, #tpu.memory_space<hbm>> -> memref<1024xi32, #tpu.memory_space<hbm>>
            %dma_wait3A_297 = arith.constant 0 : i32
            %dma_wait3A_298 = tpu.memref_slice %arg5[%dma_wait3A_297] : memref<6400000xi32, #tpu.memory_space<hbm>> -> memref<1024xi32, #tpu.memory_space<hbm>>
            tpu.wait_dma2 semaphore(%arg25 : memref<!tpu.dma_semaphore, #tpu.memory_space<semaphore_mem>>) src(%dma_wait3A_298 : memref<1024xi32, #tpu.memory_space<hbm>>) dst(%arg20 : memref<1024xi32, #tpu.memory_space<vmem>>)
            %dma_wait3A_299 = arith.constant 0 : i32
            %dma_wait3A_300 = tpu.memref_slice %arg6[%dma_wait3A_299] : memref<6400000xf32, #tpu.memory_space<hbm>> -> memref<1024xf32, #tpu.memory_space<hbm>>
            %dma_wait3A_301 = arith.constant 0 : i32
            %dma_wait3A_302 = tpu.memref_slice %arg6[%dma_wait3A_301] : memref<6400000xf32, #tpu.memory_space<hbm>> -> memref<1024xf32, #tpu.memory_space<hbm>>
            tpu.wait_dma2 semaphore(%arg25 : memref<!tpu.dma_semaphore, #tpu.memory_space<semaphore_mem>>) src(%dma_wait3A_302 : memref<1024xf32, #tpu.memory_space<hbm>>) dst(%arg21 : memref<1024xf32, #tpu.memory_space<vmem>>)
            %dma_wait3A_303 = arith.constant 0 : i32
            %dma_wait3A_304 = tpu.memref_slice %arg7[%dma_wait3A_303] : memref<6400000xf32, #tpu.memory_space<hbm>> -> memref<1024xf32, #tpu.memory_space<hbm>>
            %dma_wait3A_305 = arith.constant 0 : i32
            %dma_wait3A_306 = tpu.memref_slice %arg7[%dma_wait3A_305] : memref<6400000xf32, #tpu.memory_space<hbm>> -> memref<1024xf32, #tpu.memory_space<hbm>>
            tpu.wait_dma2 semaphore(%arg25 : memref<!tpu.dma_semaphore, #tpu.memory_space<semaphore_mem>>) src(%dma_wait3A_306 : memref<1024xf32, #tpu.memory_space<hbm>>) dst(%arg22 : memref<1024xf32, #tpu.memory_space<vmem>>)
            %dma_wait3A_307 = arith.constant 0 : i32
            %dma_wait3A_308 = tpu.memref_slice %arg8[%dma_wait3A_307] : memref<6400000xf32, #tpu.memory_space<hbm>> -> memref<1024xf32, #tpu.memory_space<hbm>>
            %dma_wait3A_309 = arith.constant 0 : i32
            %dma_wait3A_310 = tpu.memref_slice %arg8[%dma_wait3A_309] : memref<6400000xf32, #tpu.memory_space<hbm>> -> memref<1024xf32, #tpu.memory_space<hbm>>
            tpu.wait_dma2 semaphore(%arg25 : memref<!tpu.dma_semaphore, #tpu.memory_space<semaphore_mem>>) src(%dma_wait3A_310 : memref<1024xf32, #tpu.memory_space<hbm>>) dst(%arg23 : memref<1024xf32, #tpu.memory_space<vmem>>)
            %mul3A_311 = arith.constant 1024 : i32
            %mul3A_312 = arith.muli %add3A_281, %mul3A_311 : i32
            %ge3A = arith.cmpi sge, %mul3A_312, %max3A_224 : i32
            %add3A_313 = arith.constant 1024 : i32
            %add3A_314 = arith.addi %mul3A_312, %add3A_313 : i32
            %le3A_315 = arith.cmpi sle, %add3A_314, %min3A_225 : i32
            %and3A_316 = arith.andi %ge3A, %le3A_315 : i1
            %convert_element_type3A_317 = arith.extui %and3A_316 : i1 to i32
            %cond3A_318 = arith.constant 0 : i32
            %cond3A_319 = arith.cmpi ne, %convert_element_type3A_317, %cond3A_318 : i32
            scf.if %cond3A_319 {
              %scan3A = arith.constant 0 : i32
              %scan3A_324 = arith.constant 0 : i32
              %scan3A_325 = arith.constant 64 : i32
              %scan3A_326 = arith.addi %scan3A_324, %scan3A_325 : i32
              %scan3A_327 = arith.constant 1 : i32
              scf.for %scan3A_329 = %scan3A_324 to %scan3A_326 step %scan3A_327  : i32 {
                %mul3A_330 = arith.constant 16 : i32
                %mul3A_331 = arith.muli %scan3A_329, %mul3A_330 : i32
                %get3A_332 = arith.index_cast %mul3A_331 : i32 to index
                %get3A_333 = tpu.vector_load %arg19[%get3A_332] {strides = array<i32>} : memref<1024xi32, #tpu.memory_space<vmem>>, vector<16xi32>,
                %get3A_334 = arith.index_cast %mul3A_331 : i32 to index
                %get3A_335 = tpu.vector_load %arg20[%get3A_334] {strides = array<i32>} : memref<1024xi32, #tpu.memory_space<vmem>>, vector<16xi32>,
                %shift_right_arithmetic3A_336 = arith.constant 4 : i32
                %shift_right_arithmetic3A_337 = vector.broadcast %shift_right_arithmetic3A_336 : i32 to vector<16xi32>
                %shift_right_arithmetic3A_338 = arith.shrsi %get3A_333, %shift_right_arithmetic3A_337 : vector<16xi32>
                %and3A_339 = arith.constant 15 : i32
                %and3A_340 = vector.broadcast %and3A_339 : i32 to vector<16xi32>
                %and3A_341 = arith.andi %get3A_333, %and3A_340 : vector<16xi32>
                %shift_right_arithmetic3A_342 = arith.constant 4 : i32
                %shift_right_arithmetic3A_343 = vector.broadcast %shift_right_arithmetic3A_342 : i32 to vector<16xi32>
                %shift_right_arithmetic3A_344 = arith.shrsi %get3A_335, %shift_right_arithmetic3A_343 : vector<16xi32>
                %and3A_345 = arith.constant 15 : i32
                %and3A_346 = vector.broadcast %and3A_345 : i32 to vector<16xi32>
                %and3A_347 = arith.andi %get3A_335, %and3A_346 : vector<16xi32>
                %add3A_348 = arith.constant 0 : i32
                %add3A_349 = vector.broadcast %add3A_348 : i32 to vector<16xi32>
                %add3A_350 = arith.addi %shift_right_arithmetic3A_338, %add3A_349 : vector<16xi32>
                %gather3A = tpu.vector_load_idx %arg12[%add3A_350, %and3A_341] : memref<384x16xf32, #tpu.memory_space<vmem>>[vector<16xi32>, vector<16xi32>], vector<16xf32>,
                %add3A_351 = arith.constant 0 : i32
                %add3A_352 = vector.broadcast %add3A_351 : i32 to vector<16xi32>
                %add3A_353 = arith.addi %shift_right_arithmetic3A_344, %add3A_352 : vector<16xi32>
                %gather3A_354 = tpu.vector_load_idx %arg12[%add3A_353, %and3A_347] : memref<384x16xf32, #tpu.memory_space<vmem>>[vector<16xi32>, vector<16xi32>], vector<16xf32>,
                %sub3A_355 = arith.subf %gather3A_354, %gather3A : vector<16xf32>
                %get3A_356 = arith.index_cast %mul3A_331 : i32 to index
                %get3A_357 = tpu.vector_load %arg21[%get3A_356] {strides = array<i32>} : memref<1024xf32, #tpu.memory_space<vmem>>, vector<16xf32>,
                %add3A_358 = arith.addf %sub3A_355, %get3A_357 : vector<16xf32>
                %add3A_359 = arith.constant 128 : i32
                %add3A_360 = vector.broadcast %add3A_359 : i32 to vector<16xi32>
                %add3A_361 = arith.addi %shift_right_arithmetic3A_338, %add3A_360 : vector<16xi32>
                %gather3A_362 = tpu.vector_load_idx %arg12[%add3A_361, %and3A_341] : memref<384x16xf32, #tpu.memory_space<vmem>>[vector<16xi32>, vector<16xi32>], vector<16xf32>,
                %add3A_363 = arith.constant 128 : i32
                %add3A_364 = vector.broadcast %add3A_363 : i32 to vector<16xi32>
                %add3A_365 = arith.addi %shift_right_arithmetic3A_344, %add3A_364 : vector<16xi32>
                %gather3A_366 = tpu.vector_load_idx %arg12[%add3A_365, %and3A_347] : memref<384x16xf32, #tpu.memory_space<vmem>>[vector<16xi32>, vector<16xi32>], vector<16xf32>,
                %sub3A_367 = arith.subf %gather3A_366, %gather3A_362 : vector<16xf32>
                %get3A_368 = arith.index_cast %mul3A_331 : i32 to index
                %get3A_369 = tpu.vector_load %arg22[%get3A_368] {strides = array<i32>} : memref<1024xf32, #tpu.memory_space<vmem>>, vector<16xf32>,
                %add3A_370 = arith.addf %sub3A_367, %get3A_369 : vector<16xf32>
                %add3A_371 = arith.constant 256 : i32
                %add3A_372 = vector.broadcast %add3A_371 : i32 to vector<16xi32>
                %add3A_373 = arith.addi %shift_right_arithmetic3A_338, %add3A_372 : vector<16xi32>
                %gather3A_374 = tpu.vector_load_idx %arg12[%add3A_373, %and3A_341] : memref<384x16xf32, #tpu.memory_space<vmem>>[vector<16xi32>, vector<16xi32>], vector<16xf32>,
                %add3A_375 = arith.constant 256 : i32
                %add3A_376 = vector.broadcast %add3A_375 : i32 to vector<16xi32>
                %add3A_377 = arith.addi %shift_right_arithmetic3A_344, %add3A_376 : vector<16xi32>
                %gather3A_378 = tpu.vector_load_idx %arg12[%add3A_377, %and3A_347] : memref<384x16xf32, #tpu.memory_space<vmem>>[vector<16xi32>, vector<16xi32>], vector<16xf32>,
                %sub3A_379 = arith.subf %gather3A_378, %gather3A_374 : vector<16xf32>
                %get3A_380 = arith.index_cast %mul3A_331 : i32 to index
                %get3A_381 = tpu.vector_load %arg23[%get3A_380] {strides = array<i32>} : memref<1024xf32, #tpu.memory_space<vmem>>, vector<16xf32>,
                %add3A_382 = arith.addf %sub3A_379, %get3A_381 : vector<16xf32>
                %mul3A_383 = arith.mulf %add3A_358, %add3A_358 : vector<16xf32>
                %mul3A_384 = arith.mulf %add3A_370, %add3A_370 : vector<16xf32>
                %add3A_385 = arith.addf %mul3A_383, %mul3A_384 : vector<16xf32>
                %mul3A_386 = arith.mulf %add3A_382, %add3A_382 : vector<16xf32>
                %add3A_387 = arith.addf %add3A_385, %mul3A_386 : vector<16xf32>
                %bitcast_convert_type3A = tpu.bitcast %add3A_387 : vector<16xf32> -> vector<16xi32>
                %shift_right_arithmetic3A_388 = arith.constant 1 : i32
                %shift_right_arithmetic3A_389 = vector.broadcast %shift_right_arithmetic3A_388 : i32 to vector<16xi32>
                %shift_right_arithmetic3A_390 = arith.shrsi %bitcast_convert_type3A, %shift_right_arithmetic3A_389 : vector<16xi32>
                %sub3A_391 = arith.constant 1597463007 : i32
                %sub3A_392 = vector.broadcast %sub3A_391 : i32 to vector<16xi32>
                %sub3A_393 = arith.subi %sub3A_392, %shift_right_arithmetic3A_390 : vector<16xi32>
                %bitcast_convert_type3A_394 = tpu.bitcast %sub3A_393 : vector<16xi32> -> vector<16xf32>
                %mul3A_395 = arith.constant 5.000000e-01 : f32
                %mul3A_396 = vector.broadcast %mul3A_395 : f32 to vector<16xf32>
                %mul3A_397 = arith.mulf %mul3A_396, %add3A_387 : vector<16xf32>
                %mul3A_398 = arith.mulf %mul3A_397, %bitcast_convert_type3A_394 : vector<16xf32>
                %mul3A_399 = arith.mulf %mul3A_398, %bitcast_convert_type3A_394 : vector<16xf32>
                %sub3A_400 = arith.constant 1.500000e+00 : f32
                %sub3A_401 = vector.broadcast %sub3A_400 : f32 to vector<16xf32>
                %sub3A_402 = arith.subf %sub3A_401, %mul3A_399 : vector<16xf32>
                %mul3A_403 = arith.mulf %bitcast_convert_type3A_394, %sub3A_402 : vector<16xf32>
                %mul3A_404 = arith.constant 1.000000e+01 : f32
                %mul3A_405 = vector.broadcast %mul3A_404 : f32 to vector<16xf32>
                %mul3A_406 = arith.mulf %mul3A_405, %mul3A_403 : vector<16xf32>
                %sub3A_407 = arith.constant 2.000000e+00 : f32
                %sub3A_408 = vector.broadcast %sub3A_407 : f32 to vector<16xf32>
                %sub3A_409 = arith.subf %sub3A_408, %mul3A_406 : vector<16xf32>
                %add3A_410 = arith.constant 0 : i32
                %add3A_411 = vector.broadcast %add3A_410 : i32 to vector<16xi32>
                %add3A_412 = arith.addi %shift_right_arithmetic3A_338, %add3A_411 : vector<16xi32>
                %mul3A_413 = arith.mulf %sub3A_409, %add3A_358 : vector<16xf32>
                tpu.vector_store_idx %arg13[%add3A_412, %and3A_341], %mul3A_413 {add = true} : memref<384x16xf32, #tpu.memory_space<vmem>>[vector<16xi32>, vector<16xi32>], vector<16xf32>,
                %add3A_414 = arith.constant 128 : i32
                %add3A_415 = vector.broadcast %add3A_414 : i32 to vector<16xi32>
                %add3A_416 = arith.addi %shift_right_arithmetic3A_338, %add3A_415 : vector<16xi32>
                %mul3A_417 = arith.mulf %sub3A_409, %add3A_370 : vector<16xf32>
                tpu.vector_store_idx %arg13[%add3A_416, %and3A_341], %mul3A_417 {add = true} : memref<384x16xf32, #tpu.memory_space<vmem>>[vector<16xi32>, vector<16xi32>], vector<16xf32>,
                %add3A_418 = arith.constant 256 : i32
                %add3A_419 = vector.broadcast %add3A_418 : i32 to vector<16xi32>
                %add3A_420 = arith.addi %shift_right_arithmetic3A_338, %add3A_419 : vector<16xi32>
                %mul3A_421 = arith.mulf %sub3A_409, %add3A_382 : vector<16xf32>
                tpu.vector_store_idx %arg13[%add3A_420, %and3A_341], %mul3A_421 {add = true} : memref<384x16xf32, #tpu.memory_space<vmem>>[vector<16xi32>, vector<16xi32>], vector<16xf32>,
              }
              %scan3A_328 = arith.constant 64 : i32
            } else {
            }
            %not3A = arith.constant true
            %not3A_320 = arith.xori %and3A_316, %not3A : i1
            %convert_element_type3A_321 = arith.extui %not3A_320 : i1 to i32
            %cond3A_322 = arith.constant 0 : i32
            %cond3A_323 = arith.cmpi ne, %convert_element_type3A_321, %cond3A_322 : i32
            scf.if %cond3A_323 {
              %scan3A = arith.constant 0 : i32
              %scan3A_324 = arith.constant 0 : i32
              %scan3A_325 = arith.constant 64 : i32
              %scan3A_326 = arith.addi %scan3A_324, %scan3A_325 : i32
              %scan3A_327 = arith.constant 1 : i32
              scf.for %scan3A_329 = %scan3A_324 to %scan3A_326 step %scan3A_327  : i32 {
                %mul3A_330 = arith.constant 16 : i32
                %mul3A_331 = arith.muli %scan3A_329, %mul3A_330 : i32
                %get3A_332 = arith.index_cast %mul3A_331 : i32 to index
                %get3A_333 = tpu.vector_load %arg19[%get3A_332] {strides = array<i32>} : memref<1024xi32, #tpu.memory_space<vmem>>, vector<16xi32>,
                %get3A_334 = arith.index_cast %mul3A_331 : i32 to index
                %get3A_335 = tpu.vector_load %arg20[%get3A_334] {strides = array<i32>} : memref<1024xi32, #tpu.memory_space<vmem>>, vector<16xi32>,
                %shift_right_arithmetic3A_336 = arith.constant 4 : i32
                %shift_right_arithmetic3A_337 = vector.broadcast %shift_right_arithmetic3A_336 : i32 to vector<16xi32>
                %shift_right_arithmetic3A_338 = arith.shrsi %get3A_333, %shift_right_arithmetic3A_337 : vector<16xi32>
                %and3A_339 = arith.constant 15 : i32
                %and3A_340 = vector.broadcast %and3A_339 : i32 to vector<16xi32>
                %and3A_341 = arith.andi %get3A_333, %and3A_340 : vector<16xi32>
                %shift_right_arithmetic3A_342 = arith.constant 4 : i32
                %shift_right_arithmetic3A_343 = vector.broadcast %shift_right_arithmetic3A_342 : i32 to vector<16xi32>
                %shift_right_arithmetic3A_344 = arith.shrsi %get3A_335, %shift_right_arithmetic3A_343 : vector<16xi32>
                %and3A_345 = arith.constant 15 : i32
                %and3A_346 = vector.broadcast %and3A_345 : i32 to vector<16xi32>
                %and3A_347 = arith.andi %get3A_335, %and3A_346 : vector<16xi32>
                %add3A_348 = arith.constant 0 : i32
                %add3A_349 = vector.broadcast %add3A_348 : i32 to vector<16xi32>
                %add3A_350 = arith.addi %shift_right_arithmetic3A_338, %add3A_349 : vector<16xi32>
                %gather3A = tpu.vector_load_idx %arg12[%add3A_350, %and3A_341] : memref<384x16xf32, #tpu.memory_space<vmem>>[vector<16xi32>, vector<16xi32>], vector<16xf32>,
                %add3A_351 = arith.constant 0 : i32
                %add3A_352 = vector.broadcast %add3A_351 : i32 to vector<16xi32>
                %add3A_353 = arith.addi %shift_right_arithmetic3A_344, %add3A_352 : vector<16xi32>
                %gather3A_354 = tpu.vector_load_idx %arg12[%add3A_353, %and3A_347] : memref<384x16xf32, #tpu.memory_space<vmem>>[vector<16xi32>, vector<16xi32>], vector<16xf32>,
                %sub3A_355 = arith.subf %gather3A_354, %gather3A : vector<16xf32>
                %get3A_356 = arith.index_cast %mul3A_331 : i32 to index
                %get3A_357 = tpu.vector_load %arg21[%get3A_356] {strides = array<i32>} : memref<1024xf32, #tpu.memory_space<vmem>>, vector<16xf32>,
                %add3A_358 = arith.addf %sub3A_355, %get3A_357 : vector<16xf32>
                %add3A_359 = arith.constant 128 : i32
                %add3A_360 = vector.broadcast %add3A_359 : i32 to vector<16xi32>
                %add3A_361 = arith.addi %shift_right_arithmetic3A_338, %add3A_360 : vector<16xi32>
                %gather3A_362 = tpu.vector_load_idx %arg12[%add3A_361, %and3A_341] : memref<384x16xf32, #tpu.memory_space<vmem>>[vector<16xi32>, vector<16xi32>], vector<16xf32>,
                %add3A_363 = arith.constant 128 : i32
                %add3A_364 = vector.broadcast %add3A_363 : i32 to vector<16xi32>
                %add3A_365 = arith.addi %shift_right_arithmetic3A_344, %add3A_364 : vector<16xi32>
                %gather3A_366 = tpu.vector_load_idx %arg12[%add3A_365, %and3A_347] : memref<384x16xf32, #tpu.memory_space<vmem>>[vector<16xi32>, vector<16xi32>], vector<16xf32>,
                %sub3A_367 = arith.subf %gather3A_366, %gather3A_362 : vector<16xf32>
                %get3A_368 = arith.index_cast %mul3A_331 : i32 to index
                %get3A_369 = tpu.vector_load %arg22[%get3A_368] {strides = array<i32>} : memref<1024xf32, #tpu.memory_space<vmem>>, vector<16xf32>,
                %add3A_370 = arith.addf %sub3A_367, %get3A_369 : vector<16xf32>
                %add3A_371 = arith.constant 256 : i32
                %add3A_372 = vector.broadcast %add3A_371 : i32 to vector<16xi32>
                %add3A_373 = arith.addi %shift_right_arithmetic3A_338, %add3A_372 : vector<16xi32>
                %gather3A_374 = tpu.vector_load_idx %arg12[%add3A_373, %and3A_341] : memref<384x16xf32, #tpu.memory_space<vmem>>[vector<16xi32>, vector<16xi32>], vector<16xf32>,
                %add3A_375 = arith.constant 256 : i32
                %add3A_376 = vector.broadcast %add3A_375 : i32 to vector<16xi32>
                %add3A_377 = arith.addi %shift_right_arithmetic3A_344, %add3A_376 : vector<16xi32>
                %gather3A_378 = tpu.vector_load_idx %arg12[%add3A_377, %and3A_347] : memref<384x16xf32, #tpu.memory_space<vmem>>[vector<16xi32>, vector<16xi32>], vector<16xf32>,
                %sub3A_379 = arith.subf %gather3A_378, %gather3A_374 : vector<16xf32>
                %get3A_380 = arith.index_cast %mul3A_331 : i32 to index
                %get3A_381 = tpu.vector_load %arg23[%get3A_380] {strides = array<i32>} : memref<1024xf32, #tpu.memory_space<vmem>>, vector<16xf32>,
                %add3A_382 = arith.addf %sub3A_379, %get3A_381 : vector<16xf32>
                %mul3A_383 = arith.mulf %add3A_358, %add3A_358 : vector<16xf32>
                %mul3A_384 = arith.mulf %add3A_370, %add3A_370 : vector<16xf32>
                %add3A_385 = arith.addf %mul3A_383, %mul3A_384 : vector<16xf32>
                %mul3A_386 = arith.mulf %add3A_382, %add3A_382 : vector<16xf32>
                %add3A_387 = arith.addf %add3A_385, %mul3A_386 : vector<16xf32>
                %bitcast_convert_type3A = tpu.bitcast %add3A_387 : vector<16xf32> -> vector<16xi32>
                %shift_right_arithmetic3A_388 = arith.constant 1 : i32
                %shift_right_arithmetic3A_389 = vector.broadcast %shift_right_arithmetic3A_388 : i32 to vector<16xi32>
                %shift_right_arithmetic3A_390 = arith.shrsi %bitcast_convert_type3A, %shift_right_arithmetic3A_389 : vector<16xi32>
                %sub3A_391 = arith.constant 1597463007 : i32
                %sub3A_392 = vector.broadcast %sub3A_391 : i32 to vector<16xi32>
                %sub3A_393 = arith.subi %sub3A_392, %shift_right_arithmetic3A_390 : vector<16xi32>
                %bitcast_convert_type3A_394 = tpu.bitcast %sub3A_393 : vector<16xi32> -> vector<16xf32>
                %mul3A_395 = arith.constant 5.000000e-01 : f32
                %mul3A_396 = vector.broadcast %mul3A_395 : f32 to vector<16xf32>
                %mul3A_397 = arith.mulf %mul3A_396, %add3A_387 : vector<16xf32>
                %mul3A_398 = arith.mulf %mul3A_397, %bitcast_convert_type3A_394 : vector<16xf32>
                %mul3A_399 = arith.mulf %mul3A_398, %bitcast_convert_type3A_394 : vector<16xf32>
                %sub3A_400 = arith.constant 1.500000e+00 : f32
                %sub3A_401 = vector.broadcast %sub3A_400 : f32 to vector<16xf32>
                %sub3A_402 = arith.subf %sub3A_401, %mul3A_399 : vector<16xf32>
                %mul3A_403 = arith.mulf %bitcast_convert_type3A_394, %sub3A_402 : vector<16xf32>
                %mul3A_404 = arith.constant 1.000000e+01 : f32
                %mul3A_405 = vector.broadcast %mul3A_404 : f32 to vector<16xf32>
                %mul3A_406 = arith.mulf %mul3A_405, %mul3A_403 : vector<16xf32>
                %sub3A_407 = arith.constant 2.000000e+00 : f32
                %sub3A_408 = vector.broadcast %sub3A_407 : f32 to vector<16xf32>
                %sub3A_409 = arith.subf %sub3A_408, %mul3A_406 : vector<16xf32>
                %add3A_410 = arith.addi %mul3A_312, %mul3A_331 : i32
                %add3A_411 = vector.broadcast %add3A_410 : i32 to vector<16xi32>
                %add3A_412 = arith.addi %iota3A, %add3A_411 : vector<16xi32>
                %ge3A_413 = vector.broadcast %max3A_224 : i32 to vector<16xi32>
                %ge3A_414 = arith.cmpi sge, %add3A_412, %ge3A_413 : vector<16xi32>
                %lt3A_415 = vector.broadcast %min3A_225 : i32 to vector<16xi32>
                %lt3A_416 = arith.cmpi slt, %add3A_412, %lt3A_415 : vector<16xi32>
                %and3A_417 = arith.andi %ge3A_414, %lt3A_416 : vector<16xi1>
                %add3A_418 = arith.constant 0 : i32
                %add3A_419 = vector.broadcast %add3A_418 : i32 to vector<16xi32>
                %add3A_420 = arith.addi %shift_right_arithmetic3A_338, %add3A_419 : vector<16xi32>
                %mul3A_421 = arith.mulf %sub3A_409, %add3A_358 : vector<16xf32>
                tpu.vector_store_idx %arg13[%add3A_420, %and3A_341], %mul3A_421 masked %and3A_417 {add = true} : memref<384x16xf32, #tpu.memory_space<vmem>>[vector<16xi32>, vector<16xi32>], vector<16xf32>, vector<16xi1>
                %add3A_422 = arith.constant 128 : i32
                %add3A_423 = vector.broadcast %add3A_422 : i32 to vector<16xi32>
                %add3A_424 = arith.addi %shift_right_arithmetic3A_338, %add3A_423 : vector<16xi32>
                %mul3A_425 = arith.mulf %sub3A_409, %add3A_370 : vector<16xf32>
                tpu.vector_store_idx %arg13[%add3A_424, %and3A_341], %mul3A_425 masked %and3A_417 {add = true} : memref<384x16xf32, #tpu.memory_space<vmem>>[vector<16xi32>, vector<16xi32>], vector<16xf32>, vector<16xi1>
                %add3A_426 = arith.constant 256 : i32
                %add3A_427 = vector.broadcast %add3A_426 : i32 to vector<16xi32>
                %add3A_428 = arith.addi %shift_right_arithmetic3A_338, %add3A_427 : vector<16xi32>
                %mul3A_429 = arith.mulf %sub3A_409, %add3A_382 : vector<16xf32>
                tpu.vector_store_idx %arg13[%add3A_428, %and3A_341], %mul3A_429 masked %and3A_417 {add = true} : memref<384x16xf32, #tpu.memory_space<vmem>>[vector<16xi32>, vector<16xi32>], vector<16xf32>, vector<16xi1>
              }
              %scan3A_328 = arith.constant 64 : i32
            } else {
            }
          } else {
          }
        }
        %while3A_266 = arith.constant 1 : i32
        scf.for %while3A_267 = %while3A_264 to %while3A_260 step %while3A_266  : i32 {
          %mul3A_268 = arith.constant 2 : i32
          %mul3A_269 = arith.muli %mul3A_268, %while3A_267 : i32
          %add3A_270 = arith.addi %shift_right_arithmetic3A_228, %mul3A_269 : i32
          %add3A_271 = arith.constant 0 : i32
          %add3A_272 = arith.addi %add3A_270, %add3A_271 : i32
          %lt3A_273 = arith.cmpi slt, %add3A_272, %shift_right_arithmetic3A_232 : i32
          %convert_element_type3A_274 = arith.extui %lt3A_273 : i1 to i32
          %cond3A_275 = arith.constant 0 : i32
          %cond3A_276 = arith.cmpi ne, %convert_element_type3A_274, %cond3A_275 : i32
          scf.if %cond3A_276 {
            %add3A_286 = arith.constant 1 : i32
            %add3A_287 = arith.addi %add3A_272, %add3A_286 : i32
            %lt3A_288 = arith.cmpi slt, %add3A_287, %shift_right_arithmetic3A_232 : i32
            %convert_element_type3A_289 = arith.extui %lt3A_288 : i1 to i32
            %cond3A_290 = arith.constant 0 : i32
            %cond3A_291 = arith.cmpi ne, %convert_element_type3A_289, %cond3A_290 : i32
            scf.if %cond3A_291 {
              %add3A_324 = arith.constant 1 : i32
              %add3A_325 = arith.addi %add3A_272, %add3A_324 : i32
              %mul3A_326 = arith.constant 1024 : i32
              %mul3A_327 = arith.muli %add3A_325, %mul3A_326 : i32
              %dma_start3A_328 = tpu.memref_slice %arg4[%mul3A_327] : memref<6400000xi32, #tpu.memory_space<hbm>> -> memref<1024xi32, #tpu.memory_space<hbm>>
              %dma_start3A_329 = tpu.memref_slice %arg4[%mul3A_327] : memref<6400000xi32, #tpu.memory_space<hbm>> -> memref<1024xi32, #tpu.memory_space<hbm>>
              tpu.enqueue_dma source(%dma_start3A_329 : memref<1024xi32, #tpu.memory_space<hbm>>) target(%arg19 : memref<1024xi32, #tpu.memory_space<vmem>>) target_semaphore(%arg25 : memref<!tpu.dma_semaphore, #tpu.memory_space<semaphore_mem>>)
              %mul3A_330 = arith.constant 1024 : i32
              %mul3A_331 = arith.muli %add3A_325, %mul3A_330 : i32
              %dma_start3A_332 = tpu.memref_slice %arg5[%mul3A_331] : memref<6400000xi32, #tpu.memory_space<hbm>> -> memref<1024xi32, #tpu.memory_space<hbm>>
              %dma_start3A_333 = tpu.memref_slice %arg5[%mul3A_331] : memref<6400000xi32, #tpu.memory_space<hbm>> -> memref<1024xi32, #tpu.memory_space<hbm>>
              tpu.enqueue_dma source(%dma_start3A_333 : memref<1024xi32, #tpu.memory_space<hbm>>) target(%arg20 : memref<1024xi32, #tpu.memory_space<vmem>>) target_semaphore(%arg25 : memref<!tpu.dma_semaphore, #tpu.memory_space<semaphore_mem>>)
              %mul3A_334 = arith.constant 1024 : i32
              %mul3A_335 = arith.muli %add3A_325, %mul3A_334 : i32
              %dma_start3A_336 = tpu.memref_slice %arg6[%mul3A_335] : memref<6400000xf32, #tpu.memory_space<hbm>> -> memref<1024xf32, #tpu.memory_space<hbm>>
              %dma_start3A_337 = tpu.memref_slice %arg6[%mul3A_335] : memref<6400000xf32, #tpu.memory_space<hbm>> -> memref<1024xf32, #tpu.memory_space<hbm>>
              tpu.enqueue_dma source(%dma_start3A_337 : memref<1024xf32, #tpu.memory_space<hbm>>) target(%arg21 : memref<1024xf32, #tpu.memory_space<vmem>>) target_semaphore(%arg25 : memref<!tpu.dma_semaphore, #tpu.memory_space<semaphore_mem>>)
              %mul3A_338 = arith.constant 1024 : i32
              %mul3A_339 = arith.muli %add3A_325, %mul3A_338 : i32
              %dma_start3A_340 = tpu.memref_slice %arg7[%mul3A_339] : memref<6400000xf32, #tpu.memory_space<hbm>> -> memref<1024xf32, #tpu.memory_space<hbm>>
              %dma_start3A_341 = tpu.memref_slice %arg7[%mul3A_339] : memref<6400000xf32, #tpu.memory_space<hbm>> -> memref<1024xf32, #tpu.memory_space<hbm>>
              tpu.enqueue_dma source(%dma_start3A_341 : memref<1024xf32, #tpu.memory_space<hbm>>) target(%arg22 : memref<1024xf32, #tpu.memory_space<vmem>>) target_semaphore(%arg25 : memref<!tpu.dma_semaphore, #tpu.memory_space<semaphore_mem>>)
              %mul3A_342 = arith.constant 1024 : i32
              %mul3A_343 = arith.muli %add3A_325, %mul3A_342 : i32
              %dma_start3A_344 = tpu.memref_slice %arg8[%mul3A_343] : memref<6400000xf32, #tpu.memory_space<hbm>> -> memref<1024xf32, #tpu.memory_space<hbm>>
              %dma_start3A_345 = tpu.memref_slice %arg8[%mul3A_343] : memref<6400000xf32, #tpu.memory_space<hbm>> -> memref<1024xf32, #tpu.memory_space<hbm>>
              tpu.enqueue_dma source(%dma_start3A_345 : memref<1024xf32, #tpu.memory_space<hbm>>) target(%arg23 : memref<1024xf32, #tpu.memory_space<vmem>>) target_semaphore(%arg25 : memref<!tpu.dma_semaphore, #tpu.memory_space<semaphore_mem>>)
            } else {
            }
            %dma_wait3A = arith.constant 0 : i32
            %dma_wait3A_292 = tpu.memref_slice %arg4[%dma_wait3A] : memref<6400000xi32, #tpu.memory_space<hbm>> -> memref<1024xi32, #tpu.memory_space<hbm>>
            %dma_wait3A_293 = arith.constant 0 : i32
            %dma_wait3A_294 = tpu.memref_slice %arg4[%dma_wait3A_293] : memref<6400000xi32, #tpu.memory_space<hbm>> -> memref<1024xi32, #tpu.memory_space<hbm>>
            tpu.wait_dma2 semaphore(%arg24 : memref<!tpu.dma_semaphore, #tpu.memory_space<semaphore_mem>>) src(%dma_wait3A_294 : memref<1024xi32, #tpu.memory_space<hbm>>) dst(%arg14 : memref<1024xi32, #tpu.memory_space<vmem>>)
            %dma_wait3A_295 = arith.constant 0 : i32
            %dma_wait3A_296 = tpu.memref_slice %arg5[%dma_wait3A_295] : memref<6400000xi32, #tpu.memory_space<hbm>> -> memref<1024xi32, #tpu.memory_space<hbm>>
            %dma_wait3A_297 = arith.constant 0 : i32
            %dma_wait3A_298 = tpu.memref_slice %arg5[%dma_wait3A_297] : memref<6400000xi32, #tpu.memory_space<hbm>> -> memref<1024xi32, #tpu.memory_space<hbm>>
            tpu.wait_dma2 semaphore(%arg24 : memref<!tpu.dma_semaphore, #tpu.memory_space<semaphore_mem>>) src(%dma_wait3A_298 : memref<1024xi32, #tpu.memory_space<hbm>>) dst(%arg15 : memref<1024xi32, #tpu.memory_space<vmem>>)
            %dma_wait3A_299 = arith.constant 0 : i32
            %dma_wait3A_300 = tpu.memref_slice %arg6[%dma_wait3A_299] : memref<6400000xf32, #tpu.memory_space<hbm>> -> memref<1024xf32, #tpu.memory_space<hbm>>
            %dma_wait3A_301 = arith.constant 0 : i32
            %dma_wait3A_302 = tpu.memref_slice %arg6[%dma_wait3A_301] : memref<6400000xf32, #tpu.memory_space<hbm>> -> memref<1024xf32, #tpu.memory_space<hbm>>
            tpu.wait_dma2 semaphore(%arg24 : memref<!tpu.dma_semaphore, #tpu.memory_space<semaphore_mem>>) src(%dma_wait3A_302 : memref<1024xf32, #tpu.memory_space<hbm>>) dst(%arg16 : memref<1024xf32, #tpu.memory_space<vmem>>)
            %dma_wait3A_303 = arith.constant 0 : i32
            %dma_wait3A_304 = tpu.memref_slice %arg7[%dma_wait3A_303] : memref<6400000xf32, #tpu.memory_space<hbm>> -> memref<1024xf32, #tpu.memory_space<hbm>>
            %dma_wait3A_305 = arith.constant 0 : i32
            %dma_wait3A_306 = tpu.memref_slice %arg7[%dma_wait3A_305] : memref<6400000xf32, #tpu.memory_space<hbm>> -> memref<1024xf32, #tpu.memory_space<hbm>>
            tpu.wait_dma2 semaphore(%arg24 : memref<!tpu.dma_semaphore, #tpu.memory_space<semaphore_mem>>) src(%dma_wait3A_306 : memref<1024xf32, #tpu.memory_space<hbm>>) dst(%arg17 : memref<1024xf32, #tpu.memory_space<vmem>>)
            %dma_wait3A_307 = arith.constant 0 : i32
            %dma_wait3A_308 = tpu.memref_slice %arg8[%dma_wait3A_307] : memref<6400000xf32, #tpu.memory_space<hbm>> -> memref<1024xf32, #tpu.memory_space<hbm>>
            %dma_wait3A_309 = arith.constant 0 : i32
            %dma_wait3A_310 = tpu.memref_slice %arg8[%dma_wait3A_309] : memref<6400000xf32, #tpu.memory_space<hbm>> -> memref<1024xf32, #tpu.memory_space<hbm>>
            tpu.wait_dma2 semaphore(%arg24 : memref<!tpu.dma_semaphore, #tpu.memory_space<semaphore_mem>>) src(%dma_wait3A_310 : memref<1024xf32, #tpu.memory_space<hbm>>) dst(%arg18 : memref<1024xf32, #tpu.memory_space<vmem>>)
            %mul3A_311 = arith.constant 1024 : i32
            %mul3A_312 = arith.muli %add3A_272, %mul3A_311 : i32
            %ge3A = arith.cmpi sge, %mul3A_312, %max3A_224 : i32
            %add3A_313 = arith.constant 1024 : i32
            %add3A_314 = arith.addi %mul3A_312, %add3A_313 : i32
            %le3A_315 = arith.cmpi sle, %add3A_314, %min3A_225 : i32
            %and3A_316 = arith.andi %ge3A, %le3A_315 : i1
            %convert_element_type3A_317 = arith.extui %and3A_316 : i1 to i32
            %cond3A_318 = arith.constant 0 : i32
            %cond3A_319 = arith.cmpi ne, %convert_element_type3A_317, %cond3A_318 : i32
            scf.if %cond3A_319 {
              %scan3A = arith.constant 0 : i32
              %scan3A_324 = arith.constant 0 : i32
              %scan3A_325 = arith.constant 64 : i32
              %scan3A_326 = arith.addi %scan3A_324, %scan3A_325 : i32
              %scan3A_327 = arith.constant 1 : i32
              scf.for %scan3A_329 = %scan3A_324 to %scan3A_326 step %scan3A_327  : i32 {
                %mul3A_330 = arith.constant 16 : i32
                %mul3A_331 = arith.muli %scan3A_329, %mul3A_330 : i32
                %get3A_332 = arith.index_cast %mul3A_331 : i32 to index
                %get3A_333 = tpu.vector_load %arg14[%get3A_332] {strides = array<i32>} : memref<1024xi32, #tpu.memory_space<vmem>>, vector<16xi32>,
                %get3A_334 = arith.index_cast %mul3A_331 : i32 to index
                %get3A_335 = tpu.vector_load %arg15[%get3A_334] {strides = array<i32>} : memref<1024xi32, #tpu.memory_space<vmem>>, vector<16xi32>,
                %shift_right_arithmetic3A_336 = arith.constant 4 : i32
                %shift_right_arithmetic3A_337 = vector.broadcast %shift_right_arithmetic3A_336 : i32 to vector<16xi32>
                %shift_right_arithmetic3A_338 = arith.shrsi %get3A_333, %shift_right_arithmetic3A_337 : vector<16xi32>
                %and3A_339 = arith.constant 15 : i32
                %and3A_340 = vector.broadcast %and3A_339 : i32 to vector<16xi32>
                %and3A_341 = arith.andi %get3A_333, %and3A_340 : vector<16xi32>
                %shift_right_arithmetic3A_342 = arith.constant 4 : i32
                %shift_right_arithmetic3A_343 = vector.broadcast %shift_right_arithmetic3A_342 : i32 to vector<16xi32>
                %shift_right_arithmetic3A_344 = arith.shrsi %get3A_335, %shift_right_arithmetic3A_343 : vector<16xi32>
                %and3A_345 = arith.constant 15 : i32
                %and3A_346 = vector.broadcast %and3A_345 : i32 to vector<16xi32>
                %and3A_347 = arith.andi %get3A_335, %and3A_346 : vector<16xi32>
                %add3A_348 = arith.constant 0 : i32
                %add3A_349 = vector.broadcast %add3A_348 : i32 to vector<16xi32>
                %add3A_350 = arith.addi %shift_right_arithmetic3A_338, %add3A_349 : vector<16xi32>
                %gather3A = tpu.vector_load_idx %arg12[%add3A_350, %and3A_341] : memref<384x16xf32, #tpu.memory_space<vmem>>[vector<16xi32>, vector<16xi32>], vector<16xf32>,
                %add3A_351 = arith.constant 0 : i32
                %add3A_352 = vector.broadcast %add3A_351 : i32 to vector<16xi32>
                %add3A_353 = arith.addi %shift_right_arithmetic3A_344, %add3A_352 : vector<16xi32>
                %gather3A_354 = tpu.vector_load_idx %arg12[%add3A_353, %and3A_347] : memref<384x16xf32, #tpu.memory_space<vmem>>[vector<16xi32>, vector<16xi32>], vector<16xf32>,
                %sub3A_355 = arith.subf %gather3A_354, %gather3A : vector<16xf32>
                %get3A_356 = arith.index_cast %mul3A_331 : i32 to index
                %get3A_357 = tpu.vector_load %arg16[%get3A_356] {strides = array<i32>} : memref<1024xf32, #tpu.memory_space<vmem>>, vector<16xf32>,
                %add3A_358 = arith.addf %sub3A_355, %get3A_357 : vector<16xf32>
                %add3A_359 = arith.constant 128 : i32
                %add3A_360 = vector.broadcast %add3A_359 : i32 to vector<16xi32>
                %add3A_361 = arith.addi %shift_right_arithmetic3A_338, %add3A_360 : vector<16xi32>
                %gather3A_362 = tpu.vector_load_idx %arg12[%add3A_361, %and3A_341] : memref<384x16xf32, #tpu.memory_space<vmem>>[vector<16xi32>, vector<16xi32>], vector<16xf32>,
                %add3A_363 = arith.constant 128 : i32
                %add3A_364 = vector.broadcast %add3A_363 : i32 to vector<16xi32>
                %add3A_365 = arith.addi %shift_right_arithmetic3A_344, %add3A_364 : vector<16xi32>
                %gather3A_366 = tpu.vector_load_idx %arg12[%add3A_365, %and3A_347] : memref<384x16xf32, #tpu.memory_space<vmem>>[vector<16xi32>, vector<16xi32>], vector<16xf32>,
                %sub3A_367 = arith.subf %gather3A_366, %gather3A_362 : vector<16xf32>
                %get3A_368 = arith.index_cast %mul3A_331 : i32 to index
                %get3A_369 = tpu.vector_load %arg17[%get3A_368] {strides = array<i32>} : memref<1024xf32, #tpu.memory_space<vmem>>, vector<16xf32>,
                %add3A_370 = arith.addf %sub3A_367, %get3A_369 : vector<16xf32>
                %add3A_371 = arith.constant 256 : i32
                %add3A_372 = vector.broadcast %add3A_371 : i32 to vector<16xi32>
                %add3A_373 = arith.addi %shift_right_arithmetic3A_338, %add3A_372 : vector<16xi32>
                %gather3A_374 = tpu.vector_load_idx %arg12[%add3A_373, %and3A_341] : memref<384x16xf32, #tpu.memory_space<vmem>>[vector<16xi32>, vector<16xi32>], vector<16xf32>,
                %add3A_375 = arith.constant 256 : i32
                %add3A_376 = vector.broadcast %add3A_375 : i32 to vector<16xi32>
                %add3A_377 = arith.addi %shift_right_arithmetic3A_344, %add3A_376 : vector<16xi32>
                %gather3A_378 = tpu.vector_load_idx %arg12[%add3A_377, %and3A_347] : memref<384x16xf32, #tpu.memory_space<vmem>>[vector<16xi32>, vector<16xi32>], vector<16xf32>,
                %sub3A_379 = arith.subf %gather3A_378, %gather3A_374 : vector<16xf32>
                %get3A_380 = arith.index_cast %mul3A_331 : i32 to index
                %get3A_381 = tpu.vector_load %arg18[%get3A_380] {strides = array<i32>} : memref<1024xf32, #tpu.memory_space<vmem>>, vector<16xf32>,
                %add3A_382 = arith.addf %sub3A_379, %get3A_381 : vector<16xf32>
                %mul3A_383 = arith.mulf %add3A_358, %add3A_358 : vector<16xf32>
                %mul3A_384 = arith.mulf %add3A_370, %add3A_370 : vector<16xf32>
                %add3A_385 = arith.addf %mul3A_383, %mul3A_384 : vector<16xf32>
                %mul3A_386 = arith.mulf %add3A_382, %add3A_382 : vector<16xf32>
                %add3A_387 = arith.addf %add3A_385, %mul3A_386 : vector<16xf32>
                %bitcast_convert_type3A = tpu.bitcast %add3A_387 : vector<16xf32> -> vector<16xi32>
                %shift_right_arithmetic3A_388 = arith.constant 1 : i32
                %shift_right_arithmetic3A_389 = vector.broadcast %shift_right_arithmetic3A_388 : i32 to vector<16xi32>
                %shift_right_arithmetic3A_390 = arith.shrsi %bitcast_convert_type3A, %shift_right_arithmetic3A_389 : vector<16xi32>
                %sub3A_391 = arith.constant 1597463007 : i32
                %sub3A_392 = vector.broadcast %sub3A_391 : i32 to vector<16xi32>
                %sub3A_393 = arith.subi %sub3A_392, %shift_right_arithmetic3A_390 : vector<16xi32>
                %bitcast_convert_type3A_394 = tpu.bitcast %sub3A_393 : vector<16xi32> -> vector<16xf32>
                %mul3A_395 = arith.constant 5.000000e-01 : f32
                %mul3A_396 = vector.broadcast %mul3A_395 : f32 to vector<16xf32>
                %mul3A_397 = arith.mulf %mul3A_396, %add3A_387 : vector<16xf32>
                %mul3A_398 = arith.mulf %mul3A_397, %bitcast_convert_type3A_394 : vector<16xf32>
                %mul3A_399 = arith.mulf %mul3A_398, %bitcast_convert_type3A_394 : vector<16xf32>
                %sub3A_400 = arith.constant 1.500000e+00 : f32
                %sub3A_401 = vector.broadcast %sub3A_400 : f32 to vector<16xf32>
                %sub3A_402 = arith.subf %sub3A_401, %mul3A_399 : vector<16xf32>
                %mul3A_403 = arith.mulf %bitcast_convert_type3A_394, %sub3A_402 : vector<16xf32>
                %mul3A_404 = arith.constant 1.000000e+01 : f32
                %mul3A_405 = vector.broadcast %mul3A_404 : f32 to vector<16xf32>
                %mul3A_406 = arith.mulf %mul3A_405, %mul3A_403 : vector<16xf32>
                %sub3A_407 = arith.constant 2.000000e+00 : f32
                %sub3A_408 = vector.broadcast %sub3A_407 : f32 to vector<16xf32>
                %sub3A_409 = arith.subf %sub3A_408, %mul3A_406 : vector<16xf32>
                %add3A_410 = arith.constant 0 : i32
                %add3A_411 = vector.broadcast %add3A_410 : i32 to vector<16xi32>
                %add3A_412 = arith.addi %shift_right_arithmetic3A_338, %add3A_411 : vector<16xi32>
                %mul3A_413 = arith.mulf %sub3A_409, %add3A_358 : vector<16xf32>
                tpu.vector_store_idx %arg13[%add3A_412, %and3A_341], %mul3A_413 {add = true} : memref<384x16xf32, #tpu.memory_space<vmem>>[vector<16xi32>, vector<16xi32>], vector<16xf32>,
                %add3A_414 = arith.constant 128 : i32
                %add3A_415 = vector.broadcast %add3A_414 : i32 to vector<16xi32>
                %add3A_416 = arith.addi %shift_right_arithmetic3A_338, %add3A_415 : vector<16xi32>
                %mul3A_417 = arith.mulf %sub3A_409, %add3A_370 : vector<16xf32>
                tpu.vector_store_idx %arg13[%add3A_416, %and3A_341], %mul3A_417 {add = true} : memref<384x16xf32, #tpu.memory_space<vmem>>[vector<16xi32>, vector<16xi32>], vector<16xf32>,
                %add3A_418 = arith.constant 256 : i32
                %add3A_419 = vector.broadcast %add3A_418 : i32 to vector<16xi32>
                %add3A_420 = arith.addi %shift_right_arithmetic3A_338, %add3A_419 : vector<16xi32>
                %mul3A_421 = arith.mulf %sub3A_409, %add3A_382 : vector<16xf32>
                tpu.vector_store_idx %arg13[%add3A_420, %and3A_341], %mul3A_421 {add = true} : memref<384x16xf32, #tpu.memory_space<vmem>>[vector<16xi32>, vector<16xi32>], vector<16xf32>,
              }
              %scan3A_328 = arith.constant 64 : i32
            } else {
            }
            %not3A = arith.constant true
            %not3A_320 = arith.xori %and3A_316, %not3A : i1
            %convert_element_type3A_321 = arith.extui %not3A_320 : i1 to i32
            %cond3A_322 = arith.constant 0 : i32
            %cond3A_323 = arith.cmpi ne, %convert_element_type3A_321, %cond3A_322 : i32
            scf.if %cond3A_323 {
              %scan3A = arith.constant 0 : i32
              %scan3A_324 = arith.constant 0 : i32
              %scan3A_325 = arith.constant 64 : i32
              %scan3A_326 = arith.addi %scan3A_324, %scan3A_325 : i32
              %scan3A_327 = arith.constant 1 : i32
              scf.for %scan3A_329 = %scan3A_324 to %scan3A_326 step %scan3A_327  : i32 {
                %mul3A_330 = arith.constant 16 : i32
                %mul3A_331 = arith.muli %scan3A_329, %mul3A_330 : i32
                %get3A_332 = arith.index_cast %mul3A_331 : i32 to index
                %get3A_333 = tpu.vector_load %arg14[%get3A_332] {strides = array<i32>} : memref<1024xi32, #tpu.memory_space<vmem>>, vector<16xi32>,
                %get3A_334 = arith.index_cast %mul3A_331 : i32 to index
                %get3A_335 = tpu.vector_load %arg15[%get3A_334] {strides = array<i32>} : memref<1024xi32, #tpu.memory_space<vmem>>, vector<16xi32>,
                %shift_right_arithmetic3A_336 = arith.constant 4 : i32
                %shift_right_arithmetic3A_337 = vector.broadcast %shift_right_arithmetic3A_336 : i32 to vector<16xi32>
                %shift_right_arithmetic3A_338 = arith.shrsi %get3A_333, %shift_right_arithmetic3A_337 : vector<16xi32>
                %and3A_339 = arith.constant 15 : i32
                %and3A_340 = vector.broadcast %and3A_339 : i32 to vector<16xi32>
                %and3A_341 = arith.andi %get3A_333, %and3A_340 : vector<16xi32>
                %shift_right_arithmetic3A_342 = arith.constant 4 : i32
                %shift_right_arithmetic3A_343 = vector.broadcast %shift_right_arithmetic3A_342 : i32 to vector<16xi32>
                %shift_right_arithmetic3A_344 = arith.shrsi %get3A_335, %shift_right_arithmetic3A_343 : vector<16xi32>
                %and3A_345 = arith.constant 15 : i32
                %and3A_346 = vector.broadcast %and3A_345 : i32 to vector<16xi32>
                %and3A_347 = arith.andi %get3A_335, %and3A_346 : vector<16xi32>
                %add3A_348 = arith.constant 0 : i32
                %add3A_349 = vector.broadcast %add3A_348 : i32 to vector<16xi32>
                %add3A_350 = arith.addi %shift_right_arithmetic3A_338, %add3A_349 : vector<16xi32>
                %gather3A = tpu.vector_load_idx %arg12[%add3A_350, %and3A_341] : memref<384x16xf32, #tpu.memory_space<vmem>>[vector<16xi32>, vector<16xi32>], vector<16xf32>,
                %add3A_351 = arith.constant 0 : i32
                %add3A_352 = vector.broadcast %add3A_351 : i32 to vector<16xi32>
                %add3A_353 = arith.addi %shift_right_arithmetic3A_344, %add3A_352 : vector<16xi32>
                %gather3A_354 = tpu.vector_load_idx %arg12[%add3A_353, %and3A_347] : memref<384x16xf32, #tpu.memory_space<vmem>>[vector<16xi32>, vector<16xi32>], vector<16xf32>,
                %sub3A_355 = arith.subf %gather3A_354, %gather3A : vector<16xf32>
                %get3A_356 = arith.index_cast %mul3A_331 : i32 to index
                %get3A_357 = tpu.vector_load %arg16[%get3A_356] {strides = array<i32>} : memref<1024xf32, #tpu.memory_space<vmem>>, vector<16xf32>,
                %add3A_358 = arith.addf %sub3A_355, %get3A_357 : vector<16xf32>
                %add3A_359 = arith.constant 128 : i32
                %add3A_360 = vector.broadcast %add3A_359 : i32 to vector<16xi32>
                %add3A_361 = arith.addi %shift_right_arithmetic3A_338, %add3A_360 : vector<16xi32>
                %gather3A_362 = tpu.vector_load_idx %arg12[%add3A_361, %and3A_341] : memref<384x16xf32, #tpu.memory_space<vmem>>[vector<16xi32>, vector<16xi32>], vector<16xf32>,
                %add3A_363 = arith.constant 128 : i32
                %add3A_364 = vector.broadcast %add3A_363 : i32 to vector<16xi32>
                %add3A_365 = arith.addi %shift_right_arithmetic3A_344, %add3A_364 : vector<16xi32>
                %gather3A_366 = tpu.vector_load_idx %arg12[%add3A_365, %and3A_347] : memref<384x16xf32, #tpu.memory_space<vmem>>[vector<16xi32>, vector<16xi32>], vector<16xf32>,
                %sub3A_367 = arith.subf %gather3A_366, %gather3A_362 : vector<16xf32>
                %get3A_368 = arith.index_cast %mul3A_331 : i32 to index
                %get3A_369 = tpu.vector_load %arg17[%get3A_368] {strides = array<i32>} : memref<1024xf32, #tpu.memory_space<vmem>>, vector<16xf32>,
                %add3A_370 = arith.addf %sub3A_367, %get3A_369 : vector<16xf32>
                %add3A_371 = arith.constant 256 : i32
                %add3A_372 = vector.broadcast %add3A_371 : i32 to vector<16xi32>
                %add3A_373 = arith.addi %shift_right_arithmetic3A_338, %add3A_372 : vector<16xi32>
                %gather3A_374 = tpu.vector_load_idx %arg12[%add3A_373, %and3A_341] : memref<384x16xf32, #tpu.memory_space<vmem>>[vector<16xi32>, vector<16xi32>], vector<16xf32>,
                %add3A_375 = arith.constant 256 : i32
                %add3A_376 = vector.broadcast %add3A_375 : i32 to vector<16xi32>
                %add3A_377 = arith.addi %shift_right_arithmetic3A_344, %add3A_376 : vector<16xi32>
                %gather3A_378 = tpu.vector_load_idx %arg12[%add3A_377, %and3A_347] : memref<384x16xf32, #tpu.memory_space<vmem>>[vector<16xi32>, vector<16xi32>], vector<16xf32>,
                %sub3A_379 = arith.subf %gather3A_378, %gather3A_374 : vector<16xf32>
                %get3A_380 = arith.index_cast %mul3A_331 : i32 to index
                %get3A_381 = tpu.vector_load %arg18[%get3A_380] {strides = array<i32>} : memref<1024xf32, #tpu.memory_space<vmem>>, vector<16xf32>,
                %add3A_382 = arith.addf %sub3A_379, %get3A_381 : vector<16xf32>
                %mul3A_383 = arith.mulf %add3A_358, %add3A_358 : vector<16xf32>
                %mul3A_384 = arith.mulf %add3A_370, %add3A_370 : vector<16xf32>
                %add3A_385 = arith.addf %mul3A_383, %mul3A_384 : vector<16xf32>
                %mul3A_386 = arith.mulf %add3A_382, %add3A_382 : vector<16xf32>
                %add3A_387 = arith.addf %add3A_385, %mul3A_386 : vector<16xf32>
                %bitcast_convert_type3A = tpu.bitcast %add3A_387 : vector<16xf32> -> vector<16xi32>
                %shift_right_arithmetic3A_388 = arith.constant 1 : i32
                %shift_right_arithmetic3A_389 = vector.broadcast %shift_right_arithmetic3A_388 : i32 to vector<16xi32>
                %shift_right_arithmetic3A_390 = arith.shrsi %bitcast_convert_type3A, %shift_right_arithmetic3A_389 : vector<16xi32>
                %sub3A_391 = arith.constant 1597463007 : i32
                %sub3A_392 = vector.broadcast %sub3A_391 : i32 to vector<16xi32>
                %sub3A_393 = arith.subi %sub3A_392, %shift_right_arithmetic3A_390 : vector<16xi32>
                %bitcast_convert_type3A_394 = tpu.bitcast %sub3A_393 : vector<16xi32> -> vector<16xf32>
                %mul3A_395 = arith.constant 5.000000e-01 : f32
                %mul3A_396 = vector.broadcast %mul3A_395 : f32 to vector<16xf32>
                %mul3A_397 = arith.mulf %mul3A_396, %add3A_387 : vector<16xf32>
                %mul3A_398 = arith.mulf %mul3A_397, %bitcast_convert_type3A_394 : vector<16xf32>
                %mul3A_399 = arith.mulf %mul3A_398, %bitcast_convert_type3A_394 : vector<16xf32>
                %sub3A_400 = arith.constant 1.500000e+00 : f32
                %sub3A_401 = vector.broadcast %sub3A_400 : f32 to vector<16xf32>
                %sub3A_402 = arith.subf %sub3A_401, %mul3A_399 : vector<16xf32>
                %mul3A_403 = arith.mulf %bitcast_convert_type3A_394, %sub3A_402 : vector<16xf32>
                %mul3A_404 = arith.constant 1.000000e+01 : f32
                %mul3A_405 = vector.broadcast %mul3A_404 : f32 to vector<16xf32>
                %mul3A_406 = arith.mulf %mul3A_405, %mul3A_403 : vector<16xf32>
                %sub3A_407 = arith.constant 2.000000e+00 : f32
                %sub3A_408 = vector.broadcast %sub3A_407 : f32 to vector<16xf32>
                %sub3A_409 = arith.subf %sub3A_408, %mul3A_406 : vector<16xf32>
                %add3A_410 = arith.addi %mul3A_312, %mul3A_331 : i32
                %add3A_411 = vector.broadcast %add3A_410 : i32 to vector<16xi32>
                %add3A_412 = arith.addi %iota3A, %add3A_411 : vector<16xi32>
                %ge3A_413 = vector.broadcast %max3A_224 : i32 to vector<16xi32>
                %ge3A_414 = arith.cmpi sge, %add3A_412, %ge3A_413 : vector<16xi32>
                %lt3A_415 = vector.broadcast %min3A_225 : i32 to vector<16xi32>
                %lt3A_416 = arith.cmpi slt, %add3A_412, %lt3A_415 : vector<16xi32>
                %and3A_417 = arith.andi %ge3A_414, %lt3A_416 : vector<16xi1>
                %add3A_418 = arith.constant 0 : i32
                %add3A_419 = vector.broadcast %add3A_418 : i32 to vector<16xi32>
                %add3A_420 = arith.addi %shift_right_arithmetic3A_338, %add3A_419 : vector<16xi32>
                %mul3A_421 = arith.mulf %sub3A_409, %add3A_358 : vector<16xf32>
                tpu.vector_store_idx %arg13[%add3A_420, %and3A_341], %mul3A_421 masked %and3A_417 {add = true} : memref<384x16xf32, #tpu.memory_space<vmem>>[vector<16xi32>, vector<16xi32>], vector<16xf32>, vector<16xi1>
                %add3A_422 = arith.constant 128 : i32
                %add3A_423 = vector.broadcast %add3A_422 : i32 to vector<16xi32>
                %add3A_424 = arith.addi %shift_right_arithmetic3A_338, %add3A_423 : vector<16xi32>
                %mul3A_425 = arith.mulf %sub3A_409, %add3A_370 : vector<16xf32>
                tpu.vector_store_idx %arg13[%add3A_424, %and3A_341], %mul3A_425 masked %and3A_417 {add = true} : memref<384x16xf32, #tpu.memory_space<vmem>>[vector<16xi32>, vector<16xi32>], vector<16xf32>, vector<16xi1>
                %add3A_426 = arith.constant 256 : i32
                %add3A_427 = vector.broadcast %add3A_426 : i32 to vector<16xi32>
                %add3A_428 = arith.addi %shift_right_arithmetic3A_338, %add3A_427 : vector<16xi32>
                %mul3A_429 = arith.mulf %sub3A_409, %add3A_382 : vector<16xf32>
                tpu.vector_store_idx %arg13[%add3A_428, %and3A_341], %mul3A_429 masked %and3A_417 {add = true} : memref<384x16xf32, #tpu.memory_space<vmem>>[vector<16xi32>, vector<16xi32>], vector<16xf32>, vector<16xi1>
              }
              %scan3A_328 = arith.constant 64 : i32
            } else {
            }
          } else {
          }
          %mul3A_277 = arith.constant 2 : i32
          %mul3A_278 = arith.muli %mul3A_277, %while3A_267 : i32
          %add3A_279 = arith.addi %shift_right_arithmetic3A_228, %mul3A_278 : i32
          %add3A_280 = arith.constant 1 : i32
          %add3A_281 = arith.addi %add3A_279, %add3A_280 : i32
          %lt3A_282 = arith.cmpi slt, %add3A_281, %shift_right_arithmetic3A_232 : i32
          %convert_element_type3A_283 = arith.extui %lt3A_282 : i1 to i32
          %cond3A_284 = arith.constant 0 : i32
          %cond3A_285 = arith.cmpi ne, %convert_element_type3A_283, %cond3A_284 : i32
          scf.if %cond3A_285 {
            %add3A_286 = arith.constant 1 : i32
            %add3A_287 = arith.addi %add3A_281, %add3A_286 : i32
            %lt3A_288 = arith.cmpi slt, %add3A_287, %shift_right_arithmetic3A_232 : i32
            %convert_element_type3A_289 = arith.extui %lt3A_288 : i1 to i32
            %cond3A_290 = arith.constant 0 : i32
            %cond3A_291 = arith.cmpi ne, %convert_element_type3A_289, %cond3A_290 : i32
            scf.if %cond3A_291 {
              %add3A_324 = arith.constant 1 : i32
              %add3A_325 = arith.addi %add3A_281, %add3A_324 : i32
              %mul3A_326 = arith.constant 1024 : i32
              %mul3A_327 = arith.muli %add3A_325, %mul3A_326 : i32
              %dma_start3A_328 = tpu.memref_slice %arg4[%mul3A_327] : memref<6400000xi32, #tpu.memory_space<hbm>> -> memref<1024xi32, #tpu.memory_space<hbm>>
              %dma_start3A_329 = tpu.memref_slice %arg4[%mul3A_327] : memref<6400000xi32, #tpu.memory_space<hbm>> -> memref<1024xi32, #tpu.memory_space<hbm>>
              tpu.enqueue_dma source(%dma_start3A_329 : memref<1024xi32, #tpu.memory_space<hbm>>) target(%arg14 : memref<1024xi32, #tpu.memory_space<vmem>>) target_semaphore(%arg24 : memref<!tpu.dma_semaphore, #tpu.memory_space<semaphore_mem>>)
              %mul3A_330 = arith.constant 1024 : i32
              %mul3A_331 = arith.muli %add3A_325, %mul3A_330 : i32
              %dma_start3A_332 = tpu.memref_slice %arg5[%mul3A_331] : memref<6400000xi32, #tpu.memory_space<hbm>> -> memref<1024xi32, #tpu.memory_space<hbm>>
              %dma_start3A_333 = tpu.memref_slice %arg5[%mul3A_331] : memref<6400000xi32, #tpu.memory_space<hbm>> -> memref<1024xi32, #tpu.memory_space<hbm>>
              tpu.enqueue_dma source(%dma_start3A_333 : memref<1024xi32, #tpu.memory_space<hbm>>) target(%arg15 : memref<1024xi32, #tpu.memory_space<vmem>>) target_semaphore(%arg24 : memref<!tpu.dma_semaphore, #tpu.memory_space<semaphore_mem>>)
              %mul3A_334 = arith.constant 1024 : i32
              %mul3A_335 = arith.muli %add3A_325, %mul3A_334 : i32
              %dma_start3A_336 = tpu.memref_slice %arg6[%mul3A_335] : memref<6400000xf32, #tpu.memory_space<hbm>> -> memref<1024xf32, #tpu.memory_space<hbm>>
              %dma_start3A_337 = tpu.memref_slice %arg6[%mul3A_335] : memref<6400000xf32, #tpu.memory_space<hbm>> -> memref<1024xf32, #tpu.memory_space<hbm>>
              tpu.enqueue_dma source(%dma_start3A_337 : memref<1024xf32, #tpu.memory_space<hbm>>) target(%arg16 : memref<1024xf32, #tpu.memory_space<vmem>>) target_semaphore(%arg24 : memref<!tpu.dma_semaphore, #tpu.memory_space<semaphore_mem>>)
              %mul3A_338 = arith.constant 1024 : i32
              %mul3A_339 = arith.muli %add3A_325, %mul3A_338 : i32
              %dma_start3A_340 = tpu.memref_slice %arg7[%mul3A_339] : memref<6400000xf32, #tpu.memory_space<hbm>> -> memref<1024xf32, #tpu.memory_space<hbm>>
              %dma_start3A_341 = tpu.memref_slice %arg7[%mul3A_339] : memref<6400000xf32, #tpu.memory_space<hbm>> -> memref<1024xf32, #tpu.memory_space<hbm>>
              tpu.enqueue_dma source(%dma_start3A_341 : memref<1024xf32, #tpu.memory_space<hbm>>) target(%arg17 : memref<1024xf32, #tpu.memory_space<vmem>>) target_semaphore(%arg24 : memref<!tpu.dma_semaphore, #tpu.memory_space<semaphore_mem>>)
              %mul3A_342 = arith.constant 1024 : i32
              %mul3A_343 = arith.muli %add3A_325, %mul3A_342 : i32
              %dma_start3A_344 = tpu.memref_slice %arg8[%mul3A_343] : memref<6400000xf32, #tpu.memory_space<hbm>> -> memref<1024xf32, #tpu.memory_space<hbm>>
              %dma_start3A_345 = tpu.memref_slice %arg8[%mul3A_343] : memref<6400000xf32, #tpu.memory_space<hbm>> -> memref<1024xf32, #tpu.memory_space<hbm>>
              tpu.enqueue_dma source(%dma_start3A_345 : memref<1024xf32, #tpu.memory_space<hbm>>) target(%arg18 : memref<1024xf32, #tpu.memory_space<vmem>>) target_semaphore(%arg24 : memref<!tpu.dma_semaphore, #tpu.memory_space<semaphore_mem>>)
            } else {
            }
            %dma_wait3A = arith.constant 0 : i32
            %dma_wait3A_292 = tpu.memref_slice %arg4[%dma_wait3A] : memref<6400000xi32, #tpu.memory_space<hbm>> -> memref<1024xi32, #tpu.memory_space<hbm>>
            %dma_wait3A_293 = arith.constant 0 : i32
            %dma_wait3A_294 = tpu.memref_slice %arg4[%dma_wait3A_293] : memref<6400000xi32, #tpu.memory_space<hbm>> -> memref<1024xi32, #tpu.memory_space<hbm>>
            tpu.wait_dma2 semaphore(%arg25 : memref<!tpu.dma_semaphore, #tpu.memory_space<semaphore_mem>>) src(%dma_wait3A_294 : memref<1024xi32, #tpu.memory_space<hbm>>) dst(%arg19 : memref<1024xi32, #tpu.memory_space<vmem>>)
            %dma_wait3A_295 = arith.constant 0 : i32
            %dma_wait3A_296 = tpu.memref_slice %arg5[%dma_wait3A_295] : memref<6400000xi32, #tpu.memory_space<hbm>> -> memref<1024xi32, #tpu.memory_space<hbm>>
            %dma_wait3A_297 = arith.constant 0 : i32
            %dma_wait3A_298 = tpu.memref_slice %arg5[%dma_wait3A_297] : memref<6400000xi32, #tpu.memory_space<hbm>> -> memref<1024xi32, #tpu.memory_space<hbm>>
            tpu.wait_dma2 semaphore(%arg25 : memref<!tpu.dma_semaphore, #tpu.memory_space<semaphore_mem>>) src(%dma_wait3A_298 : memref<1024xi32, #tpu.memory_space<hbm>>) dst(%arg20 : memref<1024xi32, #tpu.memory_space<vmem>>)
            %dma_wait3A_299 = arith.constant 0 : i32
            %dma_wait3A_300 = tpu.memref_slice %arg6[%dma_wait3A_299] : memref<6400000xf32, #tpu.memory_space<hbm>> -> memref<1024xf32, #tpu.memory_space<hbm>>
            %dma_wait3A_301 = arith.constant 0 : i32
            %dma_wait3A_302 = tpu.memref_slice %arg6[%dma_wait3A_301] : memref<6400000xf32, #tpu.memory_space<hbm>> -> memref<1024xf32, #tpu.memory_space<hbm>>
            tpu.wait_dma2 semaphore(%arg25 : memref<!tpu.dma_semaphore, #tpu.memory_space<semaphore_mem>>) src(%dma_wait3A_302 : memref<1024xf32, #tpu.memory_space<hbm>>) dst(%arg21 : memref<1024xf32, #tpu.memory_space<vmem>>)
            %dma_wait3A_303 = arith.constant 0 : i32
            %dma_wait3A_304 = tpu.memref_slice %arg7[%dma_wait3A_303] : memref<6400000xf32, #tpu.memory_space<hbm>> -> memref<1024xf32, #tpu.memory_space<hbm>>
            %dma_wait3A_305 = arith.constant 0 : i32
            %dma_wait3A_306 = tpu.memref_slice %arg7[%dma_wait3A_305] : memref<6400000xf32, #tpu.memory_space<hbm>> -> memref<1024xf32, #tpu.memory_space<hbm>>
            tpu.wait_dma2 semaphore(%arg25 : memref<!tpu.dma_semaphore, #tpu.memory_space<semaphore_mem>>) src(%dma_wait3A_306 : memref<1024xf32, #tpu.memory_space<hbm>>) dst(%arg22 : memref<1024xf32, #tpu.memory_space<vmem>>)
            %dma_wait3A_307 = arith.constant 0 : i32
            %dma_wait3A_308 = tpu.memref_slice %arg8[%dma_wait3A_307] : memref<6400000xf32, #tpu.memory_space<hbm>> -> memref<1024xf32, #tpu.memory_space<hbm>>
            %dma_wait3A_309 = arith.constant 0 : i32
            %dma_wait3A_310 = tpu.memref_slice %arg8[%dma_wait3A_309] : memref<6400000xf32, #tpu.memory_space<hbm>> -> memref<1024xf32, #tpu.memory_space<hbm>>
            tpu.wait_dma2 semaphore(%arg25 : memref<!tpu.dma_semaphore, #tpu.memory_space<semaphore_mem>>) src(%dma_wait3A_310 : memref<1024xf32, #tpu.memory_space<hbm>>) dst(%arg23 : memref<1024xf32, #tpu.memory_space<vmem>>)
            %mul3A_311 = arith.constant 1024 : i32
            %mul3A_312 = arith.muli %add3A_281, %mul3A_311 : i32
            %ge3A = arith.cmpi sge, %mul3A_312, %max3A_224 : i32
            %add3A_313 = arith.constant 1024 : i32
            %add3A_314 = arith.addi %mul3A_312, %add3A_313 : i32
            %le3A_315 = arith.cmpi sle, %add3A_314, %min3A_225 : i32
            %and3A_316 = arith.andi %ge3A, %le3A_315 : i1
            %convert_element_type3A_317 = arith.extui %and3A_316 : i1 to i32
            %cond3A_318 = arith.constant 0 : i32
            %cond3A_319 = arith.cmpi ne, %convert_element_type3A_317, %cond3A_318 : i32
            scf.if %cond3A_319 {
              %scan3A = arith.constant 0 : i32
              %scan3A_324 = arith.constant 0 : i32
              %scan3A_325 = arith.constant 64 : i32
              %scan3A_326 = arith.addi %scan3A_324, %scan3A_325 : i32
              %scan3A_327 = arith.constant 1 : i32
              scf.for %scan3A_329 = %scan3A_324 to %scan3A_326 step %scan3A_327  : i32 {
                %mul3A_330 = arith.constant 16 : i32
                %mul3A_331 = arith.muli %scan3A_329, %mul3A_330 : i32
                %get3A_332 = arith.index_cast %mul3A_331 : i32 to index
                %get3A_333 = tpu.vector_load %arg19[%get3A_332] {strides = array<i32>} : memref<1024xi32, #tpu.memory_space<vmem>>, vector<16xi32>,
                %get3A_334 = arith.index_cast %mul3A_331 : i32 to index
                %get3A_335 = tpu.vector_load %arg20[%get3A_334] {strides = array<i32>} : memref<1024xi32, #tpu.memory_space<vmem>>, vector<16xi32>,
                %shift_right_arithmetic3A_336 = arith.constant 4 : i32
                %shift_right_arithmetic3A_337 = vector.broadcast %shift_right_arithmetic3A_336 : i32 to vector<16xi32>
                %shift_right_arithmetic3A_338 = arith.shrsi %get3A_333, %shift_right_arithmetic3A_337 : vector<16xi32>
                %and3A_339 = arith.constant 15 : i32
                %and3A_340 = vector.broadcast %and3A_339 : i32 to vector<16xi32>
                %and3A_341 = arith.andi %get3A_333, %and3A_340 : vector<16xi32>
                %shift_right_arithmetic3A_342 = arith.constant 4 : i32
                %shift_right_arithmetic3A_343 = vector.broadcast %shift_right_arithmetic3A_342 : i32 to vector<16xi32>
                %shift_right_arithmetic3A_344 = arith.shrsi %get3A_335, %shift_right_arithmetic3A_343 : vector<16xi32>
                %and3A_345 = arith.constant 15 : i32
                %and3A_346 = vector.broadcast %and3A_345 : i32 to vector<16xi32>
                %and3A_347 = arith.andi %get3A_335, %and3A_346 : vector<16xi32>
                %add3A_348 = arith.constant 0 : i32
                %add3A_349 = vector.broadcast %add3A_348 : i32 to vector<16xi32>
                %add3A_350 = arith.addi %shift_right_arithmetic3A_338, %add3A_349 : vector<16xi32>
                %gather3A = tpu.vector_load_idx %arg12[%add3A_350, %and3A_341] : memref<384x16xf32, #tpu.memory_space<vmem>>[vector<16xi32>, vector<16xi32>], vector<16xf32>,
                %add3A_351 = arith.constant 0 : i32
                %add3A_352 = vector.broadcast %add3A_351 : i32 to vector<16xi32>
                %add3A_353 = arith.addi %shift_right_arithmetic3A_344, %add3A_352 : vector<16xi32>
                %gather3A_354 = tpu.vector_load_idx %arg12[%add3A_353, %and3A_347] : memref<384x16xf32, #tpu.memory_space<vmem>>[vector<16xi32>, vector<16xi32>], vector<16xf32>,
                %sub3A_355 = arith.subf %gather3A_354, %gather3A : vector<16xf32>
                %get3A_356 = arith.index_cast %mul3A_331 : i32 to index
                %get3A_357 = tpu.vector_load %arg21[%get3A_356] {strides = array<i32>} : memref<1024xf32, #tpu.memory_space<vmem>>, vector<16xf32>,
                %add3A_358 = arith.addf %sub3A_355, %get3A_357 : vector<16xf32>
                %add3A_359 = arith.constant 128 : i32
                %add3A_360 = vector.broadcast %add3A_359 : i32 to vector<16xi32>
                %add3A_361 = arith.addi %shift_right_arithmetic3A_338, %add3A_360 : vector<16xi32>
                %gather3A_362 = tpu.vector_load_idx %arg12[%add3A_361, %and3A_341] : memref<384x16xf32, #tpu.memory_space<vmem>>[vector<16xi32>, vector<16xi32>], vector<16xf32>,
                %add3A_363 = arith.constant 128 : i32
                %add3A_364 = vector.broadcast %add3A_363 : i32 to vector<16xi32>
                %add3A_365 = arith.addi %shift_right_arithmetic3A_344, %add3A_364 : vector<16xi32>
                %gather3A_366 = tpu.vector_load_idx %arg12[%add3A_365, %and3A_347] : memref<384x16xf32, #tpu.memory_space<vmem>>[vector<16xi32>, vector<16xi32>], vector<16xf32>,
                %sub3A_367 = arith.subf %gather3A_366, %gather3A_362 : vector<16xf32>
                %get3A_368 = arith.index_cast %mul3A_331 : i32 to index
                %get3A_369 = tpu.vector_load %arg22[%get3A_368] {strides = array<i32>} : memref<1024xf32, #tpu.memory_space<vmem>>, vector<16xf32>,
                %add3A_370 = arith.addf %sub3A_367, %get3A_369 : vector<16xf32>
                %add3A_371 = arith.constant 256 : i32
                %add3A_372 = vector.broadcast %add3A_371 : i32 to vector<16xi32>
                %add3A_373 = arith.addi %shift_right_arithmetic3A_338, %add3A_372 : vector<16xi32>
                %gather3A_374 = tpu.vector_load_idx %arg12[%add3A_373, %and3A_341] : memref<384x16xf32, #tpu.memory_space<vmem>>[vector<16xi32>, vector<16xi32>], vector<16xf32>,
                %add3A_375 = arith.constant 256 : i32
                %add3A_376 = vector.broadcast %add3A_375 : i32 to vector<16xi32>
                %add3A_377 = arith.addi %shift_right_arithmetic3A_344, %add3A_376 : vector<16xi32>
                %gather3A_378 = tpu.vector_load_idx %arg12[%add3A_377, %and3A_347] : memref<384x16xf32, #tpu.memory_space<vmem>>[vector<16xi32>, vector<16xi32>], vector<16xf32>,
                %sub3A_379 = arith.subf %gather3A_378, %gather3A_374 : vector<16xf32>
                %get3A_380 = arith.index_cast %mul3A_331 : i32 to index
                %get3A_381 = tpu.vector_load %arg23[%get3A_380] {strides = array<i32>} : memref<1024xf32, #tpu.memory_space<vmem>>, vector<16xf32>,
                %add3A_382 = arith.addf %sub3A_379, %get3A_381 : vector<16xf32>
                %mul3A_383 = arith.mulf %add3A_358, %add3A_358 : vector<16xf32>
                %mul3A_384 = arith.mulf %add3A_370, %add3A_370 : vector<16xf32>
                %add3A_385 = arith.addf %mul3A_383, %mul3A_384 : vector<16xf32>
                %mul3A_386 = arith.mulf %add3A_382, %add3A_382 : vector<16xf32>
                %add3A_387 = arith.addf %add3A_385, %mul3A_386 : vector<16xf32>
                %bitcast_convert_type3A = tpu.bitcast %add3A_387 : vector<16xf32> -> vector<16xi32>
                %shift_right_arithmetic3A_388 = arith.constant 1 : i32
                %shift_right_arithmetic3A_389 = vector.broadcast %shift_right_arithmetic3A_388 : i32 to vector<16xi32>
                %shift_right_arithmetic3A_390 = arith.shrsi %bitcast_convert_type3A, %shift_right_arithmetic3A_389 : vector<16xi32>
                %sub3A_391 = arith.constant 1597463007 : i32
                %sub3A_392 = vector.broadcast %sub3A_391 : i32 to vector<16xi32>
                %sub3A_393 = arith.subi %sub3A_392, %shift_right_arithmetic3A_390 : vector<16xi32>
                %bitcast_convert_type3A_394 = tpu.bitcast %sub3A_393 : vector<16xi32> -> vector<16xf32>
                %mul3A_395 = arith.constant 5.000000e-01 : f32
                %mul3A_396 = vector.broadcast %mul3A_395 : f32 to vector<16xf32>
                %mul3A_397 = arith.mulf %mul3A_396, %add3A_387 : vector<16xf32>
                %mul3A_398 = arith.mulf %mul3A_397, %bitcast_convert_type3A_394 : vector<16xf32>
                %mul3A_399 = arith.mulf %mul3A_398, %bitcast_convert_type3A_394 : vector<16xf32>
                %sub3A_400 = arith.constant 1.500000e+00 : f32
                %sub3A_401 = vector.broadcast %sub3A_400 : f32 to vector<16xf32>
                %sub3A_402 = arith.subf %sub3A_401, %mul3A_399 : vector<16xf32>
                %mul3A_403 = arith.mulf %bitcast_convert_type3A_394, %sub3A_402 : vector<16xf32>
                %mul3A_404 = arith.constant 1.000000e+01 : f32
                %mul3A_405 = vector.broadcast %mul3A_404 : f32 to vector<16xf32>
                %mul3A_406 = arith.mulf %mul3A_405, %mul3A_403 : vector<16xf32>
                %sub3A_407 = arith.constant 2.000000e+00 : f32
                %sub3A_408 = vector.broadcast %sub3A_407 : f32 to vector<16xf32>
                %sub3A_409 = arith.subf %sub3A_408, %mul3A_406 : vector<16xf32>
                %add3A_410 = arith.constant 0 : i32
                %add3A_411 = vector.broadcast %add3A_410 : i32 to vector<16xi32>
                %add3A_412 = arith.addi %shift_right_arithmetic3A_338, %add3A_411 : vector<16xi32>
                %mul3A_413 = arith.mulf %sub3A_409, %add3A_358 : vector<16xf32>
                tpu.vector_store_idx %arg13[%add3A_412, %and3A_341], %mul3A_413 {add = true} : memref<384x16xf32, #tpu.memory_space<vmem>>[vector<16xi32>, vector<16xi32>], vector<16xf32>,
                %add3A_414 = arith.constant 128 : i32
                %add3A_415 = vector.broadcast %add3A_414 : i32 to vector<16xi32>
                %add3A_416 = arith.addi %shift_right_arithmetic3A_338, %add3A_415 : vector<16xi32>
                %mul3A_417 = arith.mulf %sub3A_409, %add3A_370 : vector<16xf32>
                tpu.vector_store_idx %arg13[%add3A_416, %and3A_341], %mul3A_417 {add = true} : memref<384x16xf32, #tpu.memory_space<vmem>>[vector<16xi32>, vector<16xi32>], vector<16xf32>,
                %add3A_418 = arith.constant 256 : i32
                %add3A_419 = vector.broadcast %add3A_418 : i32 to vector<16xi32>
                %add3A_420 = arith.addi %shift_right_arithmetic3A_338, %add3A_419 : vector<16xi32>
                %mul3A_421 = arith.mulf %sub3A_409, %add3A_382 : vector<16xf32>
                tpu.vector_store_idx %arg13[%add3A_420, %and3A_341], %mul3A_421 {add = true} : memref<384x16xf32, #tpu.memory_space<vmem>>[vector<16xi32>, vector<16xi32>], vector<16xf32>,
              }
              %scan3A_328 = arith.constant 64 : i32
            } else {
            }
            %not3A = arith.constant true
            %not3A_320 = arith.xori %and3A_316, %not3A : i1
            %convert_element_type3A_321 = arith.extui %not3A_320 : i1 to i32
            %cond3A_322 = arith.constant 0 : i32
            %cond3A_323 = arith.cmpi ne, %convert_element_type3A_321, %cond3A_322 : i32
            scf.if %cond3A_323 {
              %scan3A = arith.constant 0 : i32
              %scan3A_324 = arith.constant 0 : i32
              %scan3A_325 = arith.constant 64 : i32
              %scan3A_326 = arith.addi %scan3A_324, %scan3A_325 : i32
              %scan3A_327 = arith.constant 1 : i32
              scf.for %scan3A_329 = %scan3A_324 to %scan3A_326 step %scan3A_327  : i32 {
                %mul3A_330 = arith.constant 16 : i32
                %mul3A_331 = arith.muli %scan3A_329, %mul3A_330 : i32
                %get3A_332 = arith.index_cast %mul3A_331 : i32 to index
                %get3A_333 = tpu.vector_load %arg19[%get3A_332] {strides = array<i32>} : memref<1024xi32, #tpu.memory_space<vmem>>, vector<16xi32>,
                %get3A_334 = arith.index_cast %mul3A_331 : i32 to index
                %get3A_335 = tpu.vector_load %arg20[%get3A_334] {strides = array<i32>} : memref<1024xi32, #tpu.memory_space<vmem>>, vector<16xi32>,
                %shift_right_arithmetic3A_336 = arith.constant 4 : i32
                %shift_right_arithmetic3A_337 = vector.broadcast %shift_right_arithmetic3A_336 : i32 to vector<16xi32>
                %shift_right_arithmetic3A_338 = arith.shrsi %get3A_333, %shift_right_arithmetic3A_337 : vector<16xi32>
                %and3A_339 = arith.constant 15 : i32
                %and3A_340 = vector.broadcast %and3A_339 : i32 to vector<16xi32>
                %and3A_341 = arith.andi %get3A_333, %and3A_340 : vector<16xi32>
                %shift_right_arithmetic3A_342 = arith.constant 4 : i32
                %shift_right_arithmetic3A_343 = vector.broadcast %shift_right_arithmetic3A_342 : i32 to vector<16xi32>
                %shift_right_arithmetic3A_344 = arith.shrsi %get3A_335, %shift_right_arithmetic3A_343 : vector<16xi32>
                %and3A_345 = arith.constant 15 : i32
                %and3A_346 = vector.broadcast %and3A_345 : i32 to vector<16xi32>
                %and3A_347 = arith.andi %get3A_335, %and3A_346 : vector<16xi32>
                %add3A_348 = arith.constant 0 : i32
                %add3A_349 = vector.broadcast %add3A_348 : i32 to vector<16xi32>
                %add3A_350 = arith.addi %shift_right_arithmetic3A_338, %add3A_349 : vector<16xi32>
                %gather3A = tpu.vector_load_idx %arg12[%add3A_350, %and3A_341] : memref<384x16xf32, #tpu.memory_space<vmem>>[vector<16xi32>, vector<16xi32>], vector<16xf32>,
                %add3A_351 = arith.constant 0 : i32
                %add3A_352 = vector.broadcast %add3A_351 : i32 to vector<16xi32>
                %add3A_353 = arith.addi %shift_right_arithmetic3A_344, %add3A_352 : vector<16xi32>
                %gather3A_354 = tpu.vector_load_idx %arg12[%add3A_353, %and3A_347] : memref<384x16xf32, #tpu.memory_space<vmem>>[vector<16xi32>, vector<16xi32>], vector<16xf32>,
                %sub3A_355 = arith.subf %gather3A_354, %gather3A : vector<16xf32>
                %get3A_356 = arith.index_cast %mul3A_331 : i32 to index
                %get3A_357 = tpu.vector_load %arg21[%get3A_356] {strides = array<i32>} : memref<1024xf32, #tpu.memory_space<vmem>>, vector<16xf32>,
                %add3A_358 = arith.addf %sub3A_355, %get3A_357 : vector<16xf32>
                %add3A_359 = arith.constant 128 : i32
                %add3A_360 = vector.broadcast %add3A_359 : i32 to vector<16xi32>
                %add3A_361 = arith.addi %shift_right_arithmetic3A_338, %add3A_360 : vector<16xi32>
                %gather3A_362 = tpu.vector_load_idx %arg12[%add3A_361, %and3A_341] : memref<384x16xf32, #tpu.memory_space<vmem>>[vector<16xi32>, vector<16xi32>], vector<16xf32>,
                %add3A_363 = arith.constant 128 : i32
                %add3A_364 = vector.broadcast %add3A_363 : i32 to vector<16xi32>
                %add3A_365 = arith.addi %shift_right_arithmetic3A_344, %add3A_364 : vector<16xi32>
                %gather3A_366 = tpu.vector_load_idx %arg12[%add3A_365, %and3A_347] : memref<384x16xf32, #tpu.memory_space<vmem>>[vector<16xi32>, vector<16xi32>], vector<16xf32>,
                %sub3A_367 = arith.subf %gather3A_366, %gather3A_362 : vector<16xf32>
                %get3A_368 = arith.index_cast %mul3A_331 : i32 to index
                %get3A_369 = tpu.vector_load %arg22[%get3A_368] {strides = array<i32>} : memref<1024xf32, #tpu.memory_space<vmem>>, vector<16xf32>,
                %add3A_370 = arith.addf %sub3A_367, %get3A_369 : vector<16xf32>
                %add3A_371 = arith.constant 256 : i32
                %add3A_372 = vector.broadcast %add3A_371 : i32 to vector<16xi32>
                %add3A_373 = arith.addi %shift_right_arithmetic3A_338, %add3A_372 : vector<16xi32>
                %gather3A_374 = tpu.vector_load_idx %arg12[%add3A_373, %and3A_341] : memref<384x16xf32, #tpu.memory_space<vmem>>[vector<16xi32>, vector<16xi32>], vector<16xf32>,
                %add3A_375 = arith.constant 256 : i32
                %add3A_376 = vector.broadcast %add3A_375 : i32 to vector<16xi32>
                %add3A_377 = arith.addi %shift_right_arithmetic3A_344, %add3A_376 : vector<16xi32>
                %gather3A_378 = tpu.vector_load_idx %arg12[%add3A_377, %and3A_347] : memref<384x16xf32, #tpu.memory_space<vmem>>[vector<16xi32>, vector<16xi32>], vector<16xf32>,
                %sub3A_379 = arith.subf %gather3A_378, %gather3A_374 : vector<16xf32>
                %get3A_380 = arith.index_cast %mul3A_331 : i32 to index
                %get3A_381 = tpu.vector_load %arg23[%get3A_380] {strides = array<i32>} : memref<1024xf32, #tpu.memory_space<vmem>>, vector<16xf32>,
                %add3A_382 = arith.addf %sub3A_379, %get3A_381 : vector<16xf32>
                %mul3A_383 = arith.mulf %add3A_358, %add3A_358 : vector<16xf32>
                %mul3A_384 = arith.mulf %add3A_370, %add3A_370 : vector<16xf32>
                %add3A_385 = arith.addf %mul3A_383, %mul3A_384 : vector<16xf32>
                %mul3A_386 = arith.mulf %add3A_382, %add3A_382 : vector<16xf32>
                %add3A_387 = arith.addf %add3A_385, %mul3A_386 : vector<16xf32>
                %bitcast_convert_type3A = tpu.bitcast %add3A_387 : vector<16xf32> -> vector<16xi32>
                %shift_right_arithmetic3A_388 = arith.constant 1 : i32
                %shift_right_arithmetic3A_389 = vector.broadcast %shift_right_arithmetic3A_388 : i32 to vector<16xi32>
                %shift_right_arithmetic3A_390 = arith.shrsi %bitcast_convert_type3A, %shift_right_arithmetic3A_389 : vector<16xi32>
                %sub3A_391 = arith.constant 1597463007 : i32
                %sub3A_392 = vector.broadcast %sub3A_391 : i32 to vector<16xi32>
                %sub3A_393 = arith.subi %sub3A_392, %shift_right_arithmetic3A_390 : vector<16xi32>
                %bitcast_convert_type3A_394 = tpu.bitcast %sub3A_393 : vector<16xi32> -> vector<16xf32>
                %mul3A_395 = arith.constant 5.000000e-01 : f32
                %mul3A_396 = vector.broadcast %mul3A_395 : f32 to vector<16xf32>
                %mul3A_397 = arith.mulf %mul3A_396, %add3A_387 : vector<16xf32>
                %mul3A_398 = arith.mulf %mul3A_397, %bitcast_convert_type3A_394 : vector<16xf32>
                %mul3A_399 = arith.mulf %mul3A_398, %bitcast_convert_type3A_394 : vector<16xf32>
                %sub3A_400 = arith.constant 1.500000e+00 : f32
                %sub3A_401 = vector.broadcast %sub3A_400 : f32 to vector<16xf32>
                %sub3A_402 = arith.subf %sub3A_401, %mul3A_399 : vector<16xf32>
                %mul3A_403 = arith.mulf %bitcast_convert_type3A_394, %sub3A_402 : vector<16xf32>
                %mul3A_404 = arith.constant 1.000000e+01 : f32
                %mul3A_405 = vector.broadcast %mul3A_404 : f32 to vector<16xf32>
                %mul3A_406 = arith.mulf %mul3A_405, %mul3A_403 : vector<16xf32>
                %sub3A_407 = arith.constant 2.000000e+00 : f32
                %sub3A_408 = vector.broadcast %sub3A_407 : f32 to vector<16xf32>
                %sub3A_409 = arith.subf %sub3A_408, %mul3A_406 : vector<16xf32>
                %add3A_410 = arith.addi %mul3A_312, %mul3A_331 : i32
                %add3A_411 = vector.broadcast %add3A_410 : i32 to vector<16xi32>
                %add3A_412 = arith.addi %iota3A, %add3A_411 : vector<16xi32>
                %ge3A_413 = vector.broadcast %max3A_224 : i32 to vector<16xi32>
                %ge3A_414 = arith.cmpi sge, %add3A_412, %ge3A_413 : vector<16xi32>
                %lt3A_415 = vector.broadcast %min3A_225 : i32 to vector<16xi32>
                %lt3A_416 = arith.cmpi slt, %add3A_412, %lt3A_415 : vector<16xi32>
                %and3A_417 = arith.andi %ge3A_414, %lt3A_416 : vector<16xi1>
                %add3A_418 = arith.constant 0 : i32
                %add3A_419 = vector.broadcast %add3A_418 : i32 to vector<16xi32>
                %add3A_420 = arith.addi %shift_right_arithmetic3A_338, %add3A_419 : vector<16xi32>
                %mul3A_421 = arith.mulf %sub3A_409, %add3A_358 : vector<16xf32>
                tpu.vector_store_idx %arg13[%add3A_420, %and3A_341], %mul3A_421 masked %and3A_417 {add = true} : memref<384x16xf32, #tpu.memory_space<vmem>>[vector<16xi32>, vector<16xi32>], vector<16xf32>, vector<16xi1>
                %add3A_422 = arith.constant 128 : i32
                %add3A_423 = vector.broadcast %add3A_422 : i32 to vector<16xi32>
                %add3A_424 = arith.addi %shift_right_arithmetic3A_338, %add3A_423 : vector<16xi32>
                %mul3A_425 = arith.mulf %sub3A_409, %add3A_370 : vector<16xf32>
                tpu.vector_store_idx %arg13[%add3A_424, %and3A_341], %mul3A_425 masked %and3A_417 {add = true} : memref<384x16xf32, #tpu.memory_space<vmem>>[vector<16xi32>, vector<16xi32>], vector<16xf32>, vector<16xi1>
                %add3A_426 = arith.constant 256 : i32
                %add3A_427 = vector.broadcast %add3A_426 : i32 to vector<16xi32>
                %add3A_428 = arith.addi %shift_right_arithmetic3A_338, %add3A_427 : vector<16xi32>
                %mul3A_429 = arith.mulf %sub3A_409, %add3A_382 : vector<16xf32>
                tpu.vector_store_idx %arg13[%add3A_428, %and3A_341], %mul3A_429 masked %and3A_417 {add = true} : memref<384x16xf32, #tpu.memory_space<vmem>>[vector<16xi32>, vector<16xi32>], vector<16xf32>, vector<16xi1>
              }
              %scan3A_328 = arith.constant 64 : i32
            } else {
            }
          } else {
          }
        }
        "tpu.region"() ({
          %run_scoped3A = tpu.sem_alloc : memref<!tpu.dma_semaphore, #tpu.memory_space<semaphore_mem>>
          %dma_start3A_267 = arith.constant 0 : i32
          %dma_start3A_268 = arith.constant 0 : i32
          %dma_start3A_269 = tpu.memref_slice %arg10[%add3A, %add3A_180, %dma_start3A_267, %dma_start3A_268] : memref<32x50x384x16xf32, #tpu.memory_space<hbm>> -> memref<1x1x384x16xf32, #tpu.memory_space<hbm>>
          %dma_start3A_270 = tpu.memref_squeeze %dma_start3A_269 : memref<1x1x384x16xf32, #tpu.memory_space<hbm>> -> memref<384x16xf32, #tpu.memory_space<hbm>>
          %dma_start3A_271 = arith.constant 0 : i32
          %dma_start3A_272 = arith.constant 0 : i32
          %dma_start3A_273 = tpu.memref_slice %arg10[%add3A, %add3A_180, %dma_start3A_271, %dma_start3A_272] : memref<32x50x384x16xf32, #tpu.memory_space<hbm>> -> memref<1x1x384x16xf32, #tpu.memory_space<hbm>>
          %dma_start3A_274 = tpu.memref_squeeze %dma_start3A_273 : memref<1x1x384x16xf32, #tpu.memory_space<hbm>> -> memref<384x16xf32, #tpu.memory_space<hbm>>
          tpu.enqueue_dma source(%arg13 : memref<384x16xf32, #tpu.memory_space<vmem>>) target(%dma_start3A_274 : memref<384x16xf32, #tpu.memory_space<hbm>>) target_semaphore(%run_scoped3A : memref<!tpu.dma_semaphore, #tpu.memory_space<semaphore_mem>>)
          %dma_wait3A = arith.constant 0 : i32
          %dma_wait3A_275 = arith.constant 0 : i32
          %dma_wait3A_276 = tpu.memref_slice %arg10[%add3A, %add3A_180, %dma_wait3A, %dma_wait3A_275] : memref<32x50x384x16xf32, #tpu.memory_space<hbm>> -> memref<1x1x384x16xf32, #tpu.memory_space<hbm>>
          %dma_wait3A_277 = tpu.memref_squeeze %dma_wait3A_276 : memref<1x1x384x16xf32, #tpu.memory_space<hbm>> -> memref<384x16xf32, #tpu.memory_space<hbm>>
          %dma_wait3A_278 = arith.constant 0 : i32
          %dma_wait3A_279 = arith.constant 0 : i32
          %dma_wait3A_280 = tpu.memref_slice %arg10[%add3A, %add3A_180, %dma_wait3A_278, %dma_wait3A_279] : memref<32x50x384x16xf32, #tpu.memory_space<hbm>> -> memref<1x1x384x16xf32, #tpu.memory_space<hbm>>
          %dma_wait3A_281 = tpu.memref_squeeze %dma_wait3A_280 : memref<1x1x384x16xf32, #tpu.memory_space<hbm>> -> memref<384x16xf32, #tpu.memory_space<hbm>>
          tpu.wait_dma2 semaphore(%run_scoped3A : memref<!tpu.dma_semaphore, #tpu.memory_space<semaphore_mem>>) src(%arg13 : memref<384x16xf32, #tpu.memory_space<vmem>>) dst(%dma_wait3A_281 : memref<384x16xf32, #tpu.memory_space<hbm>>)
          tpu.yield
        }) : () -> ()
      } else {
      }
    }
    return
  }
}

</mosaic_0001>

<sc_bundles>
// kernel: kernel.3.cloned.1.call-start
scs
__scs_entry_jumppad:
0x0: {  	(pc) =	sbr.rel $0x88, $3  }
0x1: {  	(tag) =	ssettag $0x0;
	lr =	simm.s32 $0x1  }
0x2: {  	[smem:$0x3F9A] =	sst lr;
	_ =	strace $0xD0000000  }
0x3: {  	_ = 	snop  }
0x4: {  	_ = 	snop  }
0x5: {  	_ = 	snop  }
0x6: {  	_ = 	snop  }
0x7: {  	_ = 	snop  }
__scs_overlays_trampoline_lowered:
0x8: {  	[smem:$0x3FA9] =	sst s0  }
0x9: {  	[smem:$0x3FAA] =	sst s1  }
0xa: {  	[smem:$0x3FAB] =	sst s2  }
0xb: {  	[smem:$0x3FAC] =	sst s3  }
0xc: {  	[smem:$0x3FAD] =	sst s4  }
0xd: {  	[smem:$0x3FAE] =	sst s5  }
0xe: {  	[smem:$0x3FAF] =	sst s6  }
0xf: {  	[smem:$0x3FB0] =	sst s7  }
0x10: {  	[smem:$0x3FB1] =	sst s8  }
0x11: {  	[smem:$0x3FB2] =	sst s9;
	s0 =	simm.s32 @!p0 $0x0  }
0x12: {  	s1 =	sld [smem:$0x3F98];
	s0 =	simm.s32 @p0 $0x1  }
0x13: {  	[smem:$0x3FB3] =	sst s0;
	s0 =	simm.s32 @!p1 $0x0  }
0x14: {  	s2 =	sld [smem:$0x3F97];
	s0 =	simm.s32 @p1 $0x1  }
0x15: {  	[smem:$0x3FB4] =	sst s0;
	s0 =	simm.s32 @!p2 $0x0  }
0x16: {  	s3 =	sld [smem:$0x3FDB];
	s0 =	simm.s32 @p2 $0x1  }
0x17: {  	s4 =	simm.s32 $0x1BF5;
	[smem:$0x3FB6] =	sst s0  }
0x18: {  	s0 =	sld [smem:$0x3F99];
	_ =	swait.ge [sflag:s4], $0x0  }
0x19: {  	s7 =	sld [smem:$0x3F9A]  }
0x1a: {  	s8 =	sadd.s32 $0xFFFFE003, lr  }
0x1b: {  	s9 =	sadd.s32 $0xFFFFFEF7, lr;
	s5 =	simm.s32 $0xFFFFFFFF;
	p2 =	slt.u32 s8, $0xFFFFF086  }
0x1c: {  	p1 =	slt.u32 s9, $0xF7A;
	s5 =	simm.s32 @!p2 $0x0  }
0x1d: {  	s5 =	simm.s32 @p1 $0x1;
	p0 =	seq.s32 s7, s2  }
0x1e: {  	s7 =	smul.u32 @!p0 $0xF7A, s2;
	p2 =	seq.s32 @!p0 s5, $0x0  }
0x1f: {  	s9 =	smul.u32 $0xF7A, s1;
	s8 =	simm.s32 @!p0 $0x1BF5;
	p2 =	por !p2, p0  }
0x20: {  	[sflag:s8] =	ssyncset.s32 @!p0 $0xFFFFF086;
	s6 =	sadd.s32 @!p0 s3, s7;
	s7 =	simm.s32 @!p0 $0x108  }
0x21: {  	s3 =	sadd.s32 s3, s9;
	s6 =	sadd.s32 @!p0 $0x88, s6;
	s7 =	simm.s32 @p2 $0x1082  }
0x22: {  	[simem:s7], [sflag:s8] =	dma.local @!p0 [hbm:s6], $0xF7A  }
0x23: {  	s9 =	sor.u32 $0xD0000000, s2;
	s6 =	simm.s32 $0x108;
	_ =	swait.ge @!p0 [sflag:s8], $0x0  }
0x24: {  	s3 =	sadd.s32 $0x88, s3;
	s6 =	simm.s32 @!p1 $0x1082;
	[sflag:s4] =	ssyncset.s32 $0xFFFFF086  }
0x25: {  	[simem:s6], [sflag:s4] =	dma.local [hbm:s3], $0xF7A  }
0x26: {  	[smem:$0x3F9A] =	sst s1;
	(tag) =	ssettag s2;
	_ =	strace s9  }
0x27: {  	s1 =	sld [smem:$0x3FAA]  }
0x28: {  	s2 =	sld [smem:$0x3FAB]  }
0x29: {  	s4 =	sld [smem:$0x3FAD]  }
0x2a: {  	p0 =	seq.s32 s5, $0x0;
	s5 =	sld [smem:$0x3FAE]  }
0x2b: {  	s6 =	sld [smem:$0x3FAF]  }
0x2c: {  	s7 =	sld [smem:$0x3FB0]  }
0x2d: {  	s3 =	simm.s32 $0x108;
	s8 =	sld [smem:$0x3FB1]  }
0x2e: {  	s3 =	simm.s32 @!p0 $0x1082;
	s9 =	sld [smem:$0x3FB2]  }
0x2f: {  	lr =	sadd.s32 s0, s3;
	s0 =	sld [smem:$0x3FA9]  }
0x30: {  	s3 =	sld [smem:$0x3FAC]  }
0x31: {  	[smem:$0x3FB5] =	sst s10  }
0x32: {  	s10 =	sld [smem:$0x3FB3];
	_ =	sdelay $0x3  }
0x33: {  	p0 =	seq.s32 s10, $0x1;
	s10 =	sld [smem:$0x3FB5];
	_ =	sdelay $0x3  }
0x34: {  	[smem:$0x3FB5] =	sst s10  }
0x35: {  	s10 =	sld [smem:$0x3FB4];
	_ =	sdelay $0x3  }
0x36: {  	p1 =	seq.s32 s10, $0x1;
	s10 =	sld [smem:$0x3FB5];
	_ =	sdelay $0x3  }
0x37: {  	[smem:$0x3FB5] =	sst s10  }
0x38: {  	s10 =	sld [smem:$0x3FB6]  }
0x39: {  	_ = 	snop;
	(pc) =	sbr.ind lr, $3  }
0x3a: {  	_ = 	snop  }
0x3b: {  	_ = 	snop  }
0x3c: {  	p2 =	seq.s32 s10, $0x1;
	s10 =	sld [smem:$0x3FB5]  }
0x3d: {  	_ =	shalt  }
0x3e: {  	_ =	shalt  }
0x3f: {  	_ =	shalt  }
0x40: {  	_ =	shalt  }
0x41: {  	_ =	shalt  }
0x42: {  	_ =	shalt  }
0x43: {  	_ =	shalt  }
0x44: {  	_ =	shalt  }
0x45: {  	_ =	shalt  }
0x46: {  	_ =	shalt  }
0x47: {  	_ =	shalt  }
0x48: {  	_ =	shalt  }
0x49: {  	_ =	shalt  }
0x4a: {  	_ =	shalt  }
0x4b: {  	_ =	shalt  }
0x4c: {  	_ =	shalt  }
0x4d: {  	_ =	shalt  }
0x4e: {  	_ =	shalt  }
0x4f: {  	_ =	shalt  }
0x50: {  	_ =	shalt  }
0x51: {  	_ =	shalt  }
0x52: {  	_ =	shalt  }
0x53: {  	_ =	shalt  }
0x54: {  	_ =	shalt  }
0x55: {  	_ =	shalt  }
0x56: {  	_ =	shalt  }
0x57: {  	_ =	shalt  }
0x58: {  	_ =	shalt  }
0x59: {  	_ =	shalt  }
0x5a: {  	_ =	shalt  }
0x5b: {  	_ =	shalt  }
0x5c: {  	_ =	shalt  }
0x5d: {  	_ =	shalt  }
0x5e: {  	_ =	shalt  }
0x5f: {  	_ =	shalt  }
0x60: {  	_ =	shalt  }
0x61: {  	_ =	shalt  }
0x62: {  	_ =	shalt  }
0x63: {  	_ =	shalt  }
0x64: {  	_ =	shalt  }
0x65: {  	_ =	shalt  }
0x66: {  	_ =	shalt  }
0x67: {  	_ =	shalt  }
0x68: {  	_ =	shalt  }
0x69: {  	_ =	shalt  }
0x6a: {  	_ =	shalt  }
0x6b: {  	_ =	shalt  }
0x6c: {  	_ =	shalt  }
0x6d: {  	_ =	shalt  }
0x6e: {  	_ =	shalt  }
0x6f: {  	_ =	shalt  }
0x70: {  	_ =	shalt  }
0x71: {  	_ =	shalt  }
0x72: {  	_ =	shalt  }
0x73: {  	_ =	shalt  }
0x74: {  	_ =	shalt  }
0x75: {  	_ =	shalt  }
0x76: {  	_ =	shalt  }
0x77: {  	_ =	shalt  }
0x78: {  	_ =	shalt  }
0x79: {  	_ =	shalt  }
0x7a: {  	_ =	shalt  }
0x7b: {  	_ =	shalt  }
0x7c: {  	_ =	shalt  }
0x7d: {  	_ =	shalt  }
0x7e: {  	_ =	shalt  }
0x7f: {  	_ =	shalt  }
0x80: {  	_ =	shalt  }
0x81: {  	_ =	shalt  }
0x82: {  	_ =	shalt  }
0x83: {  	_ =	shalt  }
0x84: {  	_ =	shalt  }
0x85: {  	_ =	shalt  }
0x86: {  	_ =	shalt  }
0x87: {  	_ =	shalt  }
.Lfunc_end0:
.L_simem_size_0:
called_computation_lowered:
.L_overlay_start_0:
0x88: {  	s2 =	sld [smem:$0x3FD9]  }
0x89: {  	s3 =	sld [smem:$0x3FFE];
	_ =	sdelay $0x1  }
0x8a: {  	s1 =	srdreg.scid  }
0x8b: {  	s0 =	sand.u32 $0x1, s1  }
0x8c: {  	s17 =	sshll.u32 s0, $0xA;
	s2 =	sadd.s32 s3, s2  }
0x8d: {  	s2 =	sadd.s32 s2, s17  }
0x8e: {  	[smem:$0x3FC1] =	sst s2  }
0x8f: {  	_ = 	snop  }
0x90: {  	s2 =	sld [smem:$0x3FC5]  }
0x91: {  	s18 =	sld [smem:$0x3FC4]  }
0x92: {  	s4 =	sld [smem:$0x3FD0];
	(tm) =	ssettm $0x1  }
0x93: {  	s5 =	sld [smem:$0x3FFB];
	_ =	sdelay $0x3  }
0x94: {  	_ =	strace s5  }
0x95: {  	s5 =	sld [smem:$0x3FFC];
	_ =	sdelay $0x3  }
0x96: {  	_ =	strace s5  }
0x97: {  	s5 =	sld [smem:$0x3FFD];
	_ =	sdelay $0x3  }
0x98: {  	_ =	strace s5  }
0x99: {  	_ =	strace $0x8FFFFFFF  }
0x9a: {  	s19 =	sld [smem:$0x3FDB];
	_ =	sdelay $0x1  }
0x9b: {  	s6 =	simm.s32 $_scs_section_size  }
0x9c: {  	s7 =	simm.s32 $_size__tile_overlayer_lowered;
	s8 =	simm.s32 $_tile_overlayer_lowered  }
0x9d: {  	s22 =	simm.s32 $0x1BFF;
	s21 =	sshll.u32 s8, $0x1;
	s5 =	sadd.s32 s6, s19  }
0x9e: {  	s9 =	simm.s32 $0x0;
	s20 =	sshll.u32 s7, $0x1;
	s7 =	sadd.s32 s21, s5  }
0x9f: {  	[timem:s9], [sflag:s22] =	dma.local [hbm:s7], s20  }
0xa0: {  	_ =	swait.ge [sflag:s22], s20  }
0xa1: {  	s6 =	ssub.s32 $0x0, s20;
	[sflag:s22] =	ssyncset.done $0x0  }
0xa2: {  	[sflag:s22] =	ssyncadd.s32 s6;
	_ =	sdelay $0x1  }
0xa3: {  	s23 =	simm.s32 $0x1B8B  }
0xa4: {  	_ =	swait.ge [sflag:s23], $0x1  }
0xa5: {  	[sflag:s23] =	ssyncset.done $0x0  }
0xa6: {  	s25 =	simm.s32 $0x1B8E;
	s24 =	sld [smem:$0x3FFE];
	[sflag:s23] =	ssyncadd.s32 $0xFFFFFFFF  }
0xa7: {  	s26 =	simm.s32 $execute0_lowered;
	[smem:$0x3FD2] =	sst s25  }
0xa8: {  	s7 =	sshll.u32 s26, $0x1;
	_ =	strace $0x80000046;
	[dreg:$0x1] =	wrdreg $0xFFFFFFFF  }
0xa9: {  	s28 =	simm.s32 $_size_execute0_lowered;
	s5 =	sadd.s32 s5, s7;
	[dreg:$0x0] =	wrdreg $0x0  }
0xaa: {  	s7 =	sshll.u32 s28, $0x1;
	[dreg:$0x2] =	wrdreg s5  }
0xab: {  	[dreg:$0x3] =	wrdreg s7  }
0xac: {  	[dreg:$0x4] =	wrdreg $0xC0  }
0xad: {  	_ =	task [dreg:s9], $0x5FFFF  }
0xae: {  	[dreg:$0x1] =	wrdreg $0xFFFFFFFF  }
0xaf: {  	[dreg:$0x0] =	wrdreg $0x60  }
0xb0: {  	[dreg:$0x2] =	wrdreg s24  }
0xb1: {  	[dreg:$0x3] =	wrdreg s2  }
0xb2: {  	[dreg:$0x4] =	wrdreg s18  }
0xb3: {  	[dreg:$0x5] =	wrdreg s4  }
0xb4: {  	[dreg:$0x6] =	wrdreg $0x9  }
0xb5: {  	_ =	task.clear_ibuf [dreg:s9], $0x7FFFF;
	_ =	strace $0x90000046  }
0xb6: {  	s29 =	simm.s32 $0x9;
	_ =	strace $0x80000048  }
0xb7: {  	_ =	swait.ge [sflag:s29], $0x1  }
0xb8: {  	[sflag:s29] =	ssyncadd.s32 $0xFFFFFFFF  }
0xb9: {  	_ =	strace $0x90000048  }
0xba: {  	_ =	sfence  }
0xbb: {  	s30 =	sld [smem:$0x0];
	_ =	sdelay $0x2  }
0xbc: {  	s31 =	sshll.u32 s1, $0xD;
	s1 =	sshrl.u32 s1, $0x2  }
0xbd: {  	s3 =	sand.u32 $0x4000, s31;
	s1 =	sadd.s32 s1, s30  }
0xbe: {  	s0 =	sor.u32 s3, s0;
	s1 =	sshll.u32 s1, $0x11  }
0xbf: {  	s0 =	sor.u32 s1, s0  }
0xc0: {  	s0 =	sadd.s32 $0x8F2B, s0  }
0xc1: {  	[sflag:s0] =	ssyncadd.remote.s32 $0x1  }
0xc2: {  	_ =	sfence.sel $0xFFFF  }
0xc3: {  	[dreg:$0x0] =	wrdreg $0xFFFFFFFF;
	(pc) =	sbr.abs _section_cstart, $3  }
0xc4: {  	[dreg:$0x1] =	wrdreg $0xFFFFFFFF  }
0xc5: {  	_ =	task.clear_ibuf [dreg:s9], $0x2FFFF;
	_ =	strace $0x9FFFFFFF  }
0xc6: {  	(tm) =	ssettm $0x7FFFFFFF  }
0xc7: {  	_ =	shalt  }
tec
execute0_lowered:
.L_overlay_start_1:
0x0: {  	(tag) =	ssettag $0x1  }
0x1: {  	s0 =	rddreg [dreg:$0x0]  }
0x2: {  	s1 =	rddreg [dreg:$0x1]  }
0x3: {  	s2 =	rddreg [dreg:$0x2]  }
0x4: {  	s5 =	simm.s32 $0x0;
	s3 =	srdreg.scid;
	s4 =	stileid.u32  }
0x5: {  	s22 =	simm.s32 $0xC080;
	[smem:$0x7FF] =	sst s5;
	s3 =	sand.u32 $0x1, s3  }
0x6: {  	s4 =	sshll.u32 s4, $0x1;
	s6 =	sadd.s32 $0x297E00, s0;
	s8 =	sadd.s32 $0x1D4800, s0  }
0x7: {  	s29 =	sadd.s32 $0x2A00, s0;
	s9 =	sadd.s32 $0x111200, s0;
	s10 =	sadd.s32 $0x4DC00, s0  }
0x8: {  	s0 =	sadd.s32 $0x298000, s0;
	s4 =	sor.u32 s3, s4;
	s3 =	ssub.s32 $0x2, s3  }
0x9: {  	_ =	strace $0x80000047;
	s30 =	smul.u32 $0xC4, s4;
	s31 =	sshrl.u32 s3, $0x1  }
0xa: {  	[dreg:$0x7] =	wrdreg s0;
	s0 =	ssub.s32 s3, s31;
	s3 =	smul.u32 $0x31000, s4  }
.Ltmp0:
0xb: {  	s23 =	simm.s32 $0x4;
	s24 =	simm.s32 $0x80;
	(pc) =	sbr.rel .LBB2_1-.Ltmp0, $4  }
0xc: {  	v0 =	vlaneseq.u32;
	[dreg:$0x5] =	wrdreg s6;
	s4 =	smul.u32 $0x258000, s4;
	s6 =	smin.u32 s30, $0x17A6  }
0xd: {  	s25 =	simm.s32 $0x1;
	v3 =	vadd.s32 $0x80000001, v0;
	[dreg:$0x6] =	wrdreg s29;
	s6 =	sshll.u32 s6, $0xA  }
0xe: {  	v4 =	vadd.s32 $0x80000011, v0;
	v5 =	vadd.s32 $0x80000021, v0;
	s0 =	smax.u32 s0, $0x1;
	[dreg:$0x8] =	wrdreg s4;
	s6 =	sadd.s32 $0x31000, s6  }
0xf: {  	s26 =	simm.s32 $0x2;
	v6 =	vadd.s32 $0x80000031, v0;
	[dreg:$0x9] =	wrdreg s0;
	v1 =	vmov s3;
	s4 =	simm.s32 $0x0;
	v2 =	vmov s6  }
.LBB2_25:
0x10: {  	s4 =	rddreg [dreg:$0xa]  }
0x11: {  	s0 =	rddreg [dreg:$0x9];
	s4 =	sadd.s32 $0x1, s4  }
0x12: {  	p0 =	sne.s32 s4, s0  }
.Ltmp1:
0x13: {  	_ = 	snop;
	(pc) =	sbr.rel @!p0 .LBB2_26-.Ltmp1, $1  }
0x14: {  	_ =	sdelay $0x3  }
.LBB2_1:
0x15: {  	[dreg:$0xa] =	wrdreg s4  }
0x16: {  	s0 =	rddreg [dreg:$0x5];
	s19 =	simm.s32 $0x3  }
0x17: {  	[tilespmem:s5], [sflag:$0x3] =	stream.linear.gather [hbm4b:s0+s5], $0x80, $0x38;
	[tilespmem:$0x1A880] =	vst v63  }
0x18: {  	_ =	swait.ge [sflag:s19], $0x80  }
0x19: {  	[sflag:s19] =	ssyncset.done $0x0  }
0x1a: {  	[sflag:s19] =	ssyncadd.s32 $0xFFFFFF80  }
0x1b: {  	v7 =	vld [tilespmem:$0x0]  }
0x1c: {  	v8 =	vld [tilespmem:$0x10]  }
0x1d: {  	v9 =	vld [tilespmem:$0x20]  }
0x1e: {  	v10 =	vld [tilespmem:$0x30];
	_ =	sdelay $0x1  }
0x1f: {  	vm0 =	vgt.s32 v7, v1  }
0x20: {  	vm9 =	vgt.s32 v8, v1;
	v11 =	vsel vm0, $0x80000000, v3  }
0x21: {  	vm10 =	vgt.s32 v9, v1;
	v61 =	vsel vm9, $0x80000000, v4;
	(xrf0) =	vmax.scan.msk.u32 $0xffff, v11  }
0x22: {  	vm11 =	vgt.s32 v10, v1;
	v62 =	vsel vm10, $0x80000000, v5;
	(xrf0) =	vmax.scan.msk.u32 $0xffff, v61  }
0x23: {  	vm12 =	vlt.s32 v7, v2;
	v63 =	vsel vm11, $0x80000000, v6;
	(xrf0) =	vmax.scan.msk.u32 $0xffff, v62  }
0x24: {  	vm13 =	vlt.s32 v8, v2;
	v7 =	vnsel vm12, $0x80000000, v3;
	(xrf0) =	vmax.scan.msk.u32 $0xffff, v63  }
0x25: {  	(xrf0) =	vmax.scan.msk.u32 $0xffff, v7;
	v7 =	vnsel vm13, $0x80000000, v4;
	_ =	sdelay $0x1  }
0x26: {  	vm14 =	vlt.s32 v9, v2  }
0x27: {  	v8 =	vnsel vm14, $0x80000000, v5;
	(xrf0) =	vmax.scan.msk.u32 $0xffff, v7;
	v7, _, _ =	vpop (xrf0)  }
0x28: {  	vm15 =	vlt.s32 v10, v2;
	(v2sf) =	vpush v7, $0xF;
	v7, _, _ =	vpop (xrf0)  }
0x29: {  	(xrf0) =	vmax.scan.msk.u32 $0xffff, v8;
	(v2sf) =	vpush v7, $0xF;
	v7 =	vnsel vm15, $0x80000000, v6  }
0x2a: {  	v8, _, _ =	vpop (xrf0)  }
0x2b: {  	(v2sf) =	vpush v8, $0xF;
	v8, _, _ =	vpop (xrf0);
	(xrf0) =	vmax.scan.msk.u32 $0xffff, v7  }
0x2c: {  	(v2sf) =	vpush v8, $0xF;
	v7, _, _ =	vpop (xrf0)  }
0x2d: {  	v8, _, _ =	vpop (xrf0);
	(v2sf) =	vpush v7, $0xF  }
0x2e: {  	(v2sf) =	vpush v8, $0xF  }
0x2f: {  	v7, _, _ =	vpop (xrf0)  }
0x30: {  	(v2sf) =	vpush v7, $0xF  }
0x31: {  	v7, _, _ =	vpop (xrf0)  }
0x32: {  	(v2sf) =	vpush v7, $0xF;
	_ =	sdelay $0x5  }
0x33: {  	s20 =	spop (v2sf)  }
0x34: {  	s21 =	spop (v2sf)  }
0x35: {  	s7 =	spop (v2sf)  }
0x36: {  	s11 =	spop (v2sf)  }
0x37: {  	s0 =	sxor.u32 $0x80000000, s20;
	s4 =	sxor.u32 $0x80000000, s21;
	s12 =	spop (v2sf)  }
0x38: {  	p0 =	sgt.s32 s0, s4;
	s13 =	spop (v2sf)  }
0x39: {  	s4 =	smov.u32 @p0 s0;
	s0 =	sxor.u32 $0x80000000, s12;
	s12 =	sxor.u32 $0x80000000, s13  }
0x3a: {  	s7 =	sxor.u32 $0x80000000, s7;
	s28 =	spop (v2sf);
	p0 =	sgt.s32 s0, s12  }
0x3b: {  	s12 =	smov.u32 @p0 s0;
	p0 =	sgt.s32 s4, s7;
	s0 =	sxor.u32 $0x80000000, s28  }
0x3c: {  	s31 =	spop (v2sf);
	s7 =	smov.u32 @p0 s4;
	p0 =	sgt.s32 s12, s0  }
0x3d: {  	s29 =	sxor.u32 $0x80000000, s11;
	s4 =	sxor.u32 $0x80000000, s31;
	s0 =	smov.u32 @p0 s12  }
0x3e: {  	p0 =	sgt.s32 s7, s29;
	p1 =	sgt.s32 s0, s4  }
0x3f: {  	s29 =	smov.u32 @p0 s7;
	s4 =	smov.u32 @p1 s0  }
0x40: {  	p0 =	sgt.s32 s29, $0x0;
	p1 =	sgt.s32 s4, $0x0  }
0x41: {  	s29 =	simm.s32 @!p0 $0x0;
	s4 =	simm.s32 @!p1 $0x0  }
0x42: {  	s30 =	ssub.s32 s4, s29  }
0x43: {  	p0 =	sgt.u32 s30, $0x7FFFFFFE  }
.Ltmp2:
0x44: {  	_ = 	snop;
	(pc) =	sbr.rel @p0 .LBB2_25-.Ltmp2, $1  }
0x45: {  	_ =	sdelay $0x3  }
.Ltmp3:
0x46: {  	(pc) =	sbr.rel .LBB2_3-.Ltmp3, $3  }
0x47: {  	_ =	sdelay $0x1  }
0x48: {  	s14 =	sadd.s32 $0xFFFFFFFF, s29  }
0x49: {  	s0 =	simm.s32 $0x0;
	[dreg:$0xb] =	wrdreg s14  }
.LBB2_23:
0x4a: {  	s4 =	rddreg [dreg:$0x8]  }
0x4b: {  	s4 =	sadd.s32 s4, s15  }
0x4c: {  	s7 =	rddreg [dreg:$0x7];
	s4 =	sshrl.u32 s4, $0x3  }
0x4d: {  	s31 =	simm.s32 $0x3;
	s4 =	sadd.s32 s7, s4  }
0x4e: {  	[hbm4b:s4+s5] =	stream.linear.scatter [tilespmem:s22], [sflag:$0x3], $0xC000, $0x38;
	[tilespmem:$0x1A880] =	vst v63  }
0x4f: {  	_ =	swait.ge [sflag:s31], $0xC000  }
0x50: {  	[sflag:s31] =	ssyncset.done $0x0  }
0x51: {  	s14 =	rddreg [dreg:$0xb];
	[sflag:s31] =	ssyncadd.s32 $0xFFFF4000  }
.LBB2_24:
0x52: {  	p0 =	sne.s32 s0, s30  }
.Ltmp4:
0x53: {  	_ = 	snop;
	(pc) =	sbr.rel @!p0 .LBB2_25-.Ltmp4, $3  }
0x54: {  	_ =	sdelay $0x1  }
0x55: {  	s4 =	sadd.s32 $0x1, s0  }
0x56: {  	s0 =	smov.u32 s4  }
.LBB2_3:
0x57: {  	s4 =	sadd.s32 s0, s14  }
0x58: {  	s11 =	sadd.s32 s29, s0;
	s7 =	sand.u32 $0xFFFFFFF0, s4  }
0x59: {  	s19 =	sand.u32 $0xFFFFFFF0, s11;
	v7 =	vld [tilespmem:s7+$0x0]  }
0x5a: {  	v8 =	vld [tilespmem:s19+$0x0];
	_ =	sdelay $0x1  }
0x5b: {  	s20 =	sand.u32 $0xF, s4  }
0x5c: {  	s21 =	sand.u32 $0xF, s11;
	v9 =	vmov s20  }
0x5d: {  	v63 =	vmov s21;
	vm0 =	veq.s32 v9, v0;
	v7 =	vxor.u32 $0x80000000, v7  }
0x5e: {  	vm15 =	veq.s32 v63, v0;
	v8 =	vxor.u32 $0x80000000, v8;
	v7 =	vnsel vm0, $0x80000000, v7  }
0x5f: {  	(xrf0) =	vmax.scan.msk.u32 $0xffff, v7;
	v7 =	vnsel vm15, $0x80000000, v8  }
0x60: {  	(xrf0) =	vmax.scan.msk.u32 $0xffff, v7;
	_ =	sdelay $0x4  }
0x61: {  	v7, _, _ =	vpop (xrf0)  }
0x62: {  	(v2sf) =	vpush v7, $0xF;
	v7, _, _ =	vpop (xrf0)  }
0x63: {  	(v2sf) =	vpush v7, $0xF;
	_ =	sdelay $0xd  }
0x64: {  	s28 =	spop (v2sf)  }
0x65: {  	s31 =	spop (v2sf)  }
0x66: {  	s12 =	smov.u32 s3;
	s7 =	sxor.u32 $0x80000000, s28;
	s11 =	sxor.u32 $0x80000000, s31  }
0x67: {  	s13 =	smov.u32 s6;
	p0 =	sgt.s32 s7, s3;
	p1 =	slt.s32 s11, s6  }
0x68: {  	s12 =	smov.u32 @p0 s7;
	s13 =	smov.u32 @p1 s11  }
0x69: {  	p0 =	sle.s32 s13, s12  }
.Ltmp5:
0x6a: {  	_ = 	snop;
	(pc) =	sbr.rel @p0 .LBB2_24-.Ltmp5, $1  }
0x6b: {  	_ =	sdelay $0x3  }
0x6c: {  	s7 =	sshrl.u32 s12, $0x3  }
0x6d: {  	s7 =	sand.u32 $0xFFFFF80, s7  }
0x6e: {  	s14 =	simm.s32 $0x18080;
	s11 =	sadd.s32 s1, s7  }
0x6f: {  	[tilespmem:s14], [sflag:$0x1] =	stream.linear.gather [hbm4b:s11+s5], $0x400, $0x38;
	[tilespmem:$0x1A880] =	vst v63  }
0x70: {  	s31 =	simm.s32 $0x18480;
	s28 =	sadd.s32 s2, s7  }
0x71: {  	[tilespmem:s31], [sflag:$0x1] =	stream.linear.gather [hbm4b:s28+s5], $0x400, $0x38;
	[tilespmem:$0x1A880] =	vst v63  }
0x72: {  	s15 =	simm.s32 $0x18880;
	s14 =	sadd.s32 s8, s7  }
0x73: {  	[tilespmem:s15], [sflag:$0x1] =	stream.linear.gather [hbm4b:s14+s5], $0x400, $0x38;
	[tilespmem:$0x1A880] =	vst v63  }
0x74: {  	s17 =	simm.s32 $0x18C80;
	s16 =	sadd.s32 s9, s7  }
0x75: {  	[tilespmem:s17], [sflag:$0x1] =	stream.linear.gather [hbm4b:s16+s5], $0x400, $0x38;
	[tilespmem:$0x1A880] =	vst v63  }
0x76: {  	s18 =	simm.s32 $0x19080;
	s7 =	sadd.s32 s10, s7  }
0x77: {  	[tilespmem:s18], [sflag:$0x1] =	stream.linear.gather [hbm4b:s7+s5], $0x400, $0x38;
	[tilespmem:$0x1A880] =	vst v63  }
0x78: {  	s19 =	rddreg [dreg:$0x3];
	s20 =	sadd.s32 $0x3FF, s13;
	s15 =	smul.u32 $0xC000, s4  }
0x79: {  	[tilespmem:s22], [sflag:$0x4] =	stream.linear.gather [hbm4b:s19+s5], $0xC000, $0x38;
	[tilespmem:$0x1A880] =	vst v63  }
0x7a: {  	s4 =	sshrl.u32 s12, $0xA;
	s21 =	sshrl.u32 s15, $0x3;
	_ =	swait.ge [sflag:s23], $0xC000  }
0x7b: {  	s17 =	sshrl.u32 s20, $0xA;
	[sflag:s23] =	ssyncset.done $0x0;
	s28 =	rddreg [dreg:$0x6]  }
0x7c: {  	s31 =	ssub.s32 s17, s4;
	[sflag:s23] =	ssyncadd.s32 $0xFFFF4000;
	s7 =	sadd.s32 s28, s21  }
0x7d: {  	[tilespmem:s24], [sflag:$0x4] =	stream.linear.gather [hbm4b:s7+s5], $0xC000, $0x38;
	[tilespmem:$0x1A880] =	vst v63  }
0x7e: {  	s7 =	sadd.s32 $0x1, s31  }
0x7f: {  	s18 =	sshra.s32 s7, $0x1  }
0x80: {  	p0 =	slt.s32 s18, $0x1  }
.Ltmp6:
0x81: {  	_ = 	snop;
	(pc) =	sbr.rel @p0 .LBB2_23-.Ltmp6, $4  }
0x82: {  	_ = 	snop  }
0x83: {  	_ =	swait.ge [sflag:s23], $0xC000  }
0x84: {  	[sflag:s23] =	ssyncset.done $0x0  }
0x85: {  	[sflag:s23] =	ssyncadd.s32 $0xFFFF4000  }
.Ltmp7:
0x86: {  	(pc) =	sbr.rel .LBB2_6-.Ltmp7, $3  }
0x87: {  	_ =	sdelay $0x1  }
0x88: {  	s11 =	sshll.u32 s4, $0xA  }
0x89: {  	v7 =	vmov s12;
	v8 =	vmov s13;
	s21 =	simm.s32 $0x0;
	s20 =	sadd.s32 $0x400, s11  }
.LBB2_18:
0x8a: {  	_ =	sdelay $0x4  }
0x8b: {  	v12 =	vmul.f32 v13, v12;
	[tilespmem:v9+s22+$0x0] =	vst.idx.add.f32.msk vm0, v15  }
0x8c: {  	[tilespmem:v10+s22+$0x0] =	vst.idx.add.f32.msk vm0, v14  }
0x8d: {  	[tilespmem:v11+s22+$0x0] =	vst.idx.add.f32.msk vm0, v12  }
.LBB2_22:
0x8e: {  	s21 =	sadd.s32 $0x1, s21  }
0x8f: {  	p0 =	sne.s32 s21, s18  }
.Ltmp8:
0x90: {  	_ = 	snop;
	(pc) =	sbr.rel @!p0 .LBB2_23-.Ltmp8, $2  }
0x91: {  	_ =	sdelay $0x2  }
0x92: {  	s11 =	sadd.s32 $0x800, s11;
	s20 =	sadd.s32 $0x800, s20  }
.LBB2_6:
0x93: {  	s7 =	sshll.u32 s21, $0x1  }
0x94: {  	s7 =	sadd.s32 s4, s7  }
0x95: {  	p1 =	sge.u32 s7, s17  }
.Ltmp9:
0x96: {  	_ = 	snop;
	(pc) =	sbr.rel @p1 .LBB2_14-.Ltmp9, $3  }
0x97: {  	_ =	sdelay $0x1  }
0x98: {  	s28 =	sadd.s32 $0x1, s7  }
0x99: {  	p0 =	sge.u32 s28, s17  }
0x9a: {  	s14 =	sshll.u32 @!p0 s28, $0x7  }
0x9b: {  	s14 =	sand.u32 @!p0 $0x1FFFFF80, s14  }
0x9c: {  	s16 =	simm.s32 @!p0 $0x0;
	s31 =	simm.s32 @!p0 $0x19480;
	s19 =	sadd.s32 @!p0 s1, s14  }
0x9d: {  	[tilespmem:s31], [sflag:$0x2] =	stream.linear.gather @!p0 [hbm4b:s19+s16], $0x400, $0x38;
	[tilespmem:$0x1A880] =	vst v63  }
0x9e: {  	s19 =	sadd.s32 @!p0 s2, s14;
	s31 =	simm.s32 @!p0 $0x19880  }
0x9f: {  	[tilespmem:s31], [sflag:$0x2] =	stream.linear.gather @!p0 [hbm4b:s19+s16], $0x400, $0x38;
	[tilespmem:$0x1A880] =	vst v63  }
0xa0: {  	s19 =	sadd.s32 @!p0 s8, s14;
	s31 =	simm.s32 @!p0 $0x19C80  }
0xa1: {  	[tilespmem:s31], [sflag:$0x2] =	stream.linear.gather @!p0 [hbm4b:s19+s16], $0x400, $0x38;
	[tilespmem:$0x1A880] =	vst v63  }
0xa2: {  	s19 =	sadd.s32 @!p0 s9, s14;
	s31 =	simm.s32 @!p0 $0x1A080  }
0xa3: {  	[tilespmem:s31], [sflag:$0x2] =	stream.linear.gather @!p0 [hbm4b:s19+s16], $0x400, $0x38;
	[tilespmem:$0x1A880] =	vst v63  }
0xa4: {  	s14 =	sadd.s32 @!p0 s10, s14;
	s19 =	simm.s32 @!p0 $0x1A480  }
0xa5: {  	[tilespmem:s19], [sflag:$0x2] =	stream.linear.gather @!p0 [hbm4b:s14+s16], $0x400, $0x38;
	[tilespmem:$0x1A880] =	vst v63  }
0xa6: {  	_ =	swait.ge [sflag:s25], $0x400  }
0xa7: {  	[sflag:s25] =	ssyncset.done $0x0  }
0xa8: {  	[sflag:s25] =	ssyncadd.s32 $0xFFFFFC00  }
0xa9: {  	_ =	swait.ge [sflag:s25], $0x400  }
0xaa: {  	[sflag:s25] =	ssyncset.done $0x0  }
0xab: {  	[sflag:s25] =	ssyncadd.s32 $0xFFFFFC00  }
0xac: {  	s31 =	sshll.u32 s7, $0xA;
	_ =	swait.ge [sflag:s25], $0x400  }
0xad: {  	p1 =	slt.u32 s31, s12;
	s14 =	sadd.s32 $0x400, s31;
	[sflag:s25] =	ssyncset.done $0x0  }
0xae: {  	p2 =	sgt.s32 @!p1 s14, s13;
	[sflag:s25] =	ssyncadd.s32 $0xFFFFFC00  }
0xaf: {  	p2 =	por p1, p2;
	_ =	swait.ge [sflag:s25], $0x400  }
.Ltmp10:
0xb0: {  	[sflag:s25] =	ssyncset.done $0x0;
	(pc) =	sbr.rel @p2 .LBB2_8-.Ltmp10, $4  }
0xb1: {  	[sflag:s25] =	ssyncadd.s32 $0xFFFFFC00  }
0xb2: {  	_ =	swait.ge [sflag:s25], $0x400  }
0xb3: {  	[sflag:s25] =	ssyncset.done $0x0  }
0xb4: {  	s14 =	simm.s32 $0x0;
	[sflag:s25] =	ssyncadd.s32 $0xFFFFFC00  }
0xb5: {  	s14 =	simm.s32 $0x0  }
0xb6: {  	v9 =	vld [tilespmem:s14+$0x18080]  }
0xb7: {  	v10 =	vld [tilespmem:s14+$0x18480];
	_ =	sdelay $0x3  }
0xb8: {  	v11 =	vshll.u32 v9, $0x3  }
0xb9: {  	v9 =	vand.u32 $0xF, v9;
	v12 =	vshll.u32 v10, $0x3;
	v11 =	vand.u32 $0xFFFFFF80, v11  }
0xba: {  	v10 =	vand.u32 $0xF, v10;
	v9 =	vor.u32 v9, v11;
	v11 =	vand.u32 $0xFFFFFF80, v12  }
0xbb: {  	v12 =	vor.u32 v10, v11  }
0xbc: {  	v10 =	vadd.s32 $0x4000, v9  }
0xbd: {  	v15 =	vld [tilespmem:s14+$0x18C80];
	v14 =	vadd.s32 $0x4000, v12  }
0xbe: {  	v18 =	vld [tilespmem:s14+$0x18880];
	v11 =	vadd.s32 $0x8000, v9  }
0xbf: {  	v13 =	vadd.s32 $0x8000, v12;
	v16 =	vld.idx.msk [tilespmem:v9+s24+$0x0], $0xffff  }
0xc0: {  	v12 =	vld.idx.msk [tilespmem:v12+s24+$0x0], $0xffff  }
0xc1: {  	v17 =	vld.idx.msk [tilespmem:v10+s24+$0x0], $0xffff  }
0xc2: {  	v14 =	vld.idx.msk [tilespmem:v14+s24+$0x0], $0xffff  }
0xc3: {  	v19 =	vld.idx.msk [tilespmem:v11+s24+$0x0], $0xffff  }
0xc4: {  	v13 =	vld.idx.msk [tilespmem:v13+s24+$0x0], $0xffff;
	_ =	sdelay $0x1  }
0xc5: {  	v12 =	vsub.f32 v12, v16;
	v16 =	vld [tilespmem:s14+$0x19080]  }
0xc6: {  	v14 =	vsub.f32 v14, v17  }
0xc7: {  	v17 =	vadd.f32 v18, v12  }
0xc8: {  	v12 =	vsub.f32 v13, v19;
	v13 =	vadd.f32 v15, v14;
	_ =	sdelay $0x1  }
0xc9: {  	v14 =	vmul.f32 v17, v17;
	v12 =	vadd.f32 v16, v12;
	v15 =	vmul.f32 v13, v13;
	_ =	sdelay $0x1  }
0xca: {  	v16 =	vmul.f32 v12, v12;
	v14 =	vadd.f32 v15, v14;
	_ =	sdelay $0x1  }
0xcb: {  	v14 =	vadd.f32 v16, v14;
	_ =	sdelay $0x1  }
0xcc: {  	v15 =	vshra.s32 v14, $0x1;
	v14 =	vmul.f32 $-5.000000000e-01, v14  }
0xcd: {  	v15 =	vsub.s32 $0x5F3759DF, v15  }
0xce: {  	v14 =	vmul.f32 v15, v14;
	_ =	sdelay $0x1  }
0xcf: {  	v14 =	vmul.f32 v15, v14;
	_ =	sdelay $0x1  }
0xd0: {  	v14 =	vadd.f32 $1.500000000e+00, v14;
	_ =	sdelay $0x1  }
0xd1: {  	v14 =	vmul.f32 v15, v14;
	_ =	sdelay $0x1  }
0xd2: {  	v14 =	vmul.f32 $-1.000000000e+01, v14;
	_ =	sdelay $0x1  }
0xd3: {  	v14 =	vadd.f32 $2.000000000e+00, v14;
	_ =	sdelay $0x1  }
0xd4: {  	s14 =	simm.s32 $0x40;
	v15 =	vmul.f32 v14, v17;
	v13 =	vmul.f32 v14, v13  }
.LBB2_12:
0xd5: {  	p1 =	seq.s32 s14, $0xFC0;
	v12 =	vmul.f32 v14, v12;
	s16 =	smov.u32 s14;
	s14 =	sadd.s32 $0x40, s14  }
0xd6: {  	[tilespmem:v9+s22+$0x0] =	vst.idx.add.f32.msk $0xffff, v15  }
0xd7: {  	[tilespmem:v10+s22+$0x0] =	vst.idx.add.f32.msk $0xffff, v13  }
0xd8: {  	s16 =	sshra.s32 s16, $0x2;
	[tilespmem:v11+s22+$0x0] =	vst.idx.add.f32.msk $0xffff, v12  }
0xd9: {  	v9 =	vld [tilespmem:s16+$0x18080]  }
0xda: {  	v10 =	vld [tilespmem:s16+$0x18480];
	_ =	sdelay $0x3  }
0xdb: {  	v11 =	vand.u32 $0xF, v9;
	v9 =	vshll.u32 v9, $0x3  }
0xdc: {  	v12 =	vand.u32 $0xF, v10;
	v9 =	vand.u32 $0xFFFFFF80, v9;
	v10 =	vshll.u32 v10, $0x3  }
0xdd: {  	v9 =	vor.u32 v11, v9;
	v10 =	vand.u32 $0xFFFFFF80, v10  }
0xde: {  	v12 =	vor.u32 v12, v10;
	v10 =	vadd.s32 $0x4000, v9  }
0xdf: {  	v13 =	vadd.s32 $0x4000, v12;
	v14 =	vadd.s32 $0x8000, v12;
	_ =	sdelay $0x1  }
0xe0: {  	v11 =	vadd.s32 $0x8000, v9;
	v15 =	vld [tilespmem:s16+$0x18C80]  }
0xe1: {  	v16 =	vld.idx.msk [tilespmem:v9+s24+$0x0], $0xffff  }
0xe2: {  	v12 =	vld.idx.msk [tilespmem:v12+s24+$0x0], $0xffff  }
0xe3: {  	v14 =	vld.idx.msk [tilespmem:v14+s24+$0x0], $0xffff  }
0xe4: {  	v13 =	vld.idx.msk [tilespmem:v13+s24+$0x0], $0xffff  }
0xe5: {  	v17 =	vld.idx.msk [tilespmem:v10+s24+$0x0], $0xffff  }
0xe6: {  	v18 =	vld.idx.msk [tilespmem:v11+s24+$0x0], $0xffff  }
0xe7: {  	v19 =	vld [tilespmem:s16+$0x18880]  }
0xe8: {  	v12 =	vsub.f32 v12, v16  }
0xe9: {  	v16 =	vld [tilespmem:s16+$0x19080];
	_ =	sdelay $0x1  }
0xea: {  	v13 =	vsub.f32 v13, v17  }
0xeb: {  	v17 =	vadd.f32 v19, v12;
	v12 =	vsub.f32 v14, v18  }
0xec: {  	v13 =	vadd.f32 v15, v13  }
0xed: {  	v12 =	vadd.f32 v16, v12;
	v14 =	vmul.f32 v17, v17  }
0xee: {  	v15 =	vmul.f32 v13, v13  }
0xef: {  	v16 =	vmul.f32 v12, v12  }
0xf0: {  	v14 =	vadd.f32 v15, v14;
	_ =	sdelay $0x1  }
0xf1: {  	v14 =	vadd.f32 v16, v14;
	_ =	sdelay $0x1  }
0xf2: {  	v15 =	vshra.s32 v14, $0x1;
	v14 =	vmul.f32 $-5.000000000e-01, v14  }
0xf3: {  	v15 =	vsub.s32 $0x5F3759DF, v15  }
0xf4: {  	v14 =	vmul.f32 v15, v14;
	_ =	sdelay $0x1  }
0xf5: {  	v14 =	vmul.f32 v15, v14;
	_ =	sdelay $0x1  }
0xf6: {  	v14 =	vadd.f32 $1.500000000e+00, v14;
	_ =	sdelay $0x1  }
0xf7: {  	v14 =	vmul.f32 v15, v14;
	_ =	sdelay $0x1  }
.Ltmp11:
0xf8: {  	v14 =	vmul.f32 $-1.000000000e+01, v14;
	(pc) =	sbr.rel @!p1 .LBB2_12-.Ltmp11, $3  }
0xf9: {  	_ = 	snop  }
0xfa: {  	v14 =	vadd.f32 $2.000000000e+00, v14;
	_ =	sdelay $0x1  }
0xfb: {  	v15 =	vmul.f32 v14, v17;
	v13 =	vmul.f32 v14, v13  }
0xfc: {  	_ =	sdelay $0x1  }
.Ltmp12:
0xfd: {  	_ = 	snop;
	(pc) =	sbr.rel .LBB2_14-.Ltmp12, $4  }
0xfe: {  	_ = 	snop  }
0xff: {  	v12 =	vmul.f32 v14, v12;
	[tilespmem:v9+s22+$0x0] =	vst.idx.add.f32.msk $0xffff, v15  }
0x100: {  	[tilespmem:v10+s22+$0x0] =	vst.idx.add.f32.msk $0xffff, v13  }
0x101: {  	[tilespmem:v11+s22+$0x0] =	vst.idx.add.f32.msk $0xffff, v12  }
.LBB2_8:
0x102: {  	s14 =	simm.s32 @p1 $0x0  }
0x103: {  	s16 =	sshra.s32 s14, $0x2  }
0x104: {  	v9 =	vld [tilespmem:s16+$0x18080]  }
0x105: {  	v10 =	vld [tilespmem:s16+$0x18480];
	_ =	sdelay $0x3  }
0x106: {  	v11 =	vshll.u32 v9, $0x3  }
0x107: {  	v9 =	vand.u32 $0xF, v9;
	v12 =	vshll.u32 v10, $0x3;
	v11 =	vand.u32 $0xFFFFFF80, v11  }
0x108: {  	v10 =	vand.u32 $0xF, v10;
	v9 =	vor.u32 v9, v11;
	v11 =	vand.u32 $0xFFFFFF80, v12  }
0x109: {  	v12 =	vor.u32 v10, v11  }
0x10a: {  	v10 =	vadd.s32 $0x4000, v9  }
0x10b: {  	v15 =	vld [tilespmem:s16+$0x18C80];
	v14 =	vadd.s32 $0x4000, v12  }
0x10c: {  	v18 =	vld [tilespmem:s16+$0x18880];
	v11 =	vadd.s32 $0x8000, v9  }
0x10d: {  	v13 =	vadd.s32 $0x8000, v12;
	v16 =	vld.idx.msk [tilespmem:v9+s24+$0x0], $0xffff  }
0x10e: {  	v12 =	vld.idx.msk [tilespmem:v12+s24+$0x0], $0xffff  }
0x10f: {  	v17 =	vld.idx.msk [tilespmem:v10+s24+$0x0], $0xffff  }
0x110: {  	v14 =	vld.idx.msk [tilespmem:v14+s24+$0x0], $0xffff  }
0x111: {  	v19 =	vld.idx.msk [tilespmem:v11+s24+$0x0], $0xffff  }
0x112: {  	v13 =	vld.idx.msk [tilespmem:v13+s24+$0x0], $0xffff;
	_ =	sdelay $0x1  }
0x113: {  	v12 =	vsub.f32 v12, v16;
	v16 =	vld [tilespmem:s16+$0x19080]  }
0x114: {  	v14 =	vsub.f32 v14, v17  }
0x115: {  	v17 =	vadd.f32 v18, v12  }
0x116: {  	v12 =	vsub.f32 v13, v19;
	v14 =	vadd.f32 v15, v14;
	_ =	sdelay $0x1  }
0x117: {  	v13 =	vmul.f32 v17, v17;
	v12 =	vadd.f32 v16, v12;
	v15 =	vmul.f32 v14, v14;
	_ =	sdelay $0x1  }
0x118: {  	v16 =	vmul.f32 v12, v12;
	v13 =	vadd.f32 v15, v13;
	_ =	sdelay $0x1  }
0x119: {  	v13 =	vadd.f32 v16, v13;
	_ =	sdelay $0x1  }
0x11a: {  	v15 =	vshra.s32 v13, $0x1;
	v13 =	vmul.f32 $-5.000000000e-01, v13  }
0x11b: {  	v15 =	vsub.s32 $0x5F3759DF, v15  }
0x11c: {  	v13 =	vmul.f32 v15, v13;
	_ =	sdelay $0x1  }
0x11d: {  	v13 =	vmul.f32 v15, v13;
	_ =	sdelay $0x1  }
0x11e: {  	v13 =	vadd.f32 $1.500000000e+00, v13  }
0x11f: {  	s19 =	smov.u32 s11  }
0x120: {  	s19 =	smov.u32 @p1 s11;
	v13 =	vmul.f32 v15, v13  }
0x121: {  	p1 =	sne.s32 s14, $0xFC0;
	v15 =	vor.u32 s19, v0  }
.Ltmp13:
0x122: {  	vm0 =	vge.u32 v15, v7;
	vm1 =	vlt.s32 v15, v8;
	v13 =	vmul.f32 $-1.000000000e+01, v13;
	(pc) =	sbr.rel @!p1 .LBB2_10-.Ltmp13, $3  }
0x123: {  	vm0 =	vmand vm0, vm1  }
0x124: {  	v13 =	vadd.f32 $2.000000000e+00, v13;
	_ =	sdelay $0x1  }
0x125: {  	s14 =	sadd.s32 $0x40, s14;
	v15 =	vmul.f32 v13, v17;
	v14 =	vmul.f32 v13, v14  }
.LBB2_9:
0x126: {  	p1 =	sne.s32 s14, $0xFC0  }
0x127: {  	v12 =	vmul.f32 v13, v12;
	s19 =	sadd.s32 $0x10, s19;
	s16 =	smov.u32 s14;
	s14 =	sadd.s32 $0x40, s14  }
0x128: {  	[tilespmem:v9+s22+$0x0] =	vst.idx.add.f32.msk vm0, v15  }
0x129: {  	[tilespmem:v10+s22+$0x0] =	vst.idx.add.f32.msk vm0, v14  }
0x12a: {  	s16 =	sshra.s32 s16, $0x2;
	[tilespmem:v11+s22+$0x0] =	vst.idx.add.f32.msk vm0, v12  }
0x12b: {  	v9 =	vld [tilespmem:s16+$0x18080]  }
0x12c: {  	v10 =	vld [tilespmem:s16+$0x18480];
	_ =	sdelay $0x3  }
0x12d: {  	v11 =	vand.u32 $0xF, v9;
	v9 =	vshll.u32 v9, $0x3  }
0x12e: {  	v12 =	vand.u32 $0xF, v10;
	v9 =	vand.u32 $0xFFFFFF80, v9;
	v10 =	vshll.u32 v10, $0x3  }
0x12f: {  	v9 =	vor.u32 v11, v9;
	v10 =	vand.u32 $0xFFFFFF80, v10  }
0x130: {  	v12 =	vor.u32 v12, v10;
	v10 =	vadd.s32 $0x4000, v9  }
0x131: {  	v13 =	vadd.s32 $0x4000, v12;
	v14 =	vadd.s32 $0x8000, v12;
	_ =	sdelay $0x1  }
0x132: {  	v11 =	vadd.s32 $0x8000, v9;
	v15 =	vld [tilespmem:s16+$0x18C80]  }
0x133: {  	v16 =	vld.idx.msk [tilespmem:v9+s24+$0x0], $0xffff  }
0x134: {  	v12 =	vld.idx.msk [tilespmem:v12+s24+$0x0], $0xffff  }
0x135: {  	v14 =	vld.idx.msk [tilespmem:v14+s24+$0x0], $0xffff  }
0x136: {  	v13 =	vld.idx.msk [tilespmem:v13+s24+$0x0], $0xffff  }
0x137: {  	v17 =	vld.idx.msk [tilespmem:v10+s24+$0x0], $0xffff  }
0x138: {  	v18 =	vld.idx.msk [tilespmem:v11+s24+$0x0], $0xffff  }
0x139: {  	v19 =	vld [tilespmem:s16+$0x18880]  }
0x13a: {  	v12 =	vsub.f32 v12, v16  }
0x13b: {  	v16 =	vld [tilespmem:s16+$0x19080];
	_ =	sdelay $0x1  }
0x13c: {  	v13 =	vsub.f32 v13, v17  }
0x13d: {  	v17 =	vadd.f32 v19, v12;
	v12 =	vsub.f32 v14, v18  }
0x13e: {  	v14 =	vadd.f32 v15, v13  }
0x13f: {  	v12 =	vadd.f32 v16, v12;
	v13 =	vmul.f32 v17, v17  }
0x140: {  	v15 =	vmul.f32 v14, v14  }
0x141: {  	v16 =	vmul.f32 v12, v12  }
0x142: {  	v13 =	vadd.f32 v15, v13;
	_ =	sdelay $0x1  }
0x143: {  	v13 =	vadd.f32 v16, v13;
	_ =	sdelay $0x1  }
0x144: {  	v15 =	vshra.s32 v13, $0x1;
	v13 =	vmul.f32 $-5.000000000e-01, v13  }
0x145: {  	v15 =	vsub.s32 $0x5F3759DF, v15  }
0x146: {  	v13 =	vmul.f32 v15, v13;
	_ =	sdelay $0x1  }
0x147: {  	v13 =	vmul.f32 v15, v13;
	_ =	sdelay $0x1  }
0x148: {  	v13 =	vadd.f32 $1.500000000e+00, v13  }
0x149: {  	v16 =	vor.u32 s19, v0  }
0x14a: {  	vm0 =	vge.u32 v16, v7;
	vm1 =	vlt.s32 v16, v8;
	v13 =	vmul.f32 v15, v13  }
0x14b: {  	vm0 =	vmand vm0, vm1  }
.Ltmp14:
0x14c: {  	v13 =	vmul.f32 $-1.000000000e+01, v13;
	(pc) =	sbr.rel @p1 .LBB2_9-.Ltmp14, $3  }
0x14d: {  	_ = 	snop  }
0x14e: {  	v13 =	vadd.f32 $2.000000000e+00, v13;
	_ =	sdelay $0x1  }
0x14f: {  	v15 =	vmul.f32 v13, v17;
	v14 =	vmul.f32 v13, v14  }
.LBB2_10:
0x150: {  	_ =	sdelay $0x4  }
0x151: {  	v12 =	vmul.f32 v13, v12;
	[tilespmem:v9+s22+$0x0] =	vst.idx.add.f32.msk vm0, v15  }
0x152: {  	[tilespmem:v10+s22+$0x0] =	vst.idx.add.f32.msk vm0, v14  }
0x153: {  	[tilespmem:v11+s22+$0x0] =	vst.idx.add.f32.msk vm0, v12  }
.LBB2_14:
.Ltmp15:
0x154: {  	(pc) =	sbr.rel @p0 .LBB2_22-.Ltmp15, $1  }
0x155: {  	_ =	sdelay $0x3  }
0x156: {  	s7 =	sadd.s32 $0x2, s7  }
0x157: {  	p0 =	sge.u32 s7, s17  }
0x158: {  	s7 =	sshll.u32 @!p0 s7, $0x7  }
0x159: {  	s7 =	sand.u32 @!p0 $0x1FFFFF80, s7  }
0x15a: {  	s16 =	simm.s32 @!p0 $0x0;
	s19 =	simm.s32 @!p0 $0x18080;
	s14 =	sadd.s32 @!p0 s1, s7  }
0x15b: {  	[tilespmem:s19], [sflag:$0x1] =	stream.linear.gather @!p0 [hbm4b:s14+s16], $0x400, $0x38;
	[tilespmem:$0x1A880] =	vst v63  }
0x15c: {  	s14 =	sadd.s32 @!p0 s2, s7;
	s19 =	simm.s32 @!p0 $0x18480  }
0x15d: {  	[tilespmem:s19], [sflag:$0x1] =	stream.linear.gather @!p0 [hbm4b:s14+s16], $0x400, $0x38;
	[tilespmem:$0x1A880] =	vst v63  }
0x15e: {  	s14 =	sadd.s32 @!p0 s8, s7;
	s19 =	simm.s32 @!p0 $0x18880  }
0x15f: {  	[tilespmem:s19], [sflag:$0x1] =	stream.linear.gather @!p0 [hbm4b:s14+s16], $0x400, $0x38;
	[tilespmem:$0x1A880] =	vst v63  }
0x160: {  	s14 =	sadd.s32 @!p0 s9, s7;
	s19 =	simm.s32 @!p0 $0x18C80  }
0x161: {  	[tilespmem:s19], [sflag:$0x1] =	stream.linear.gather @!p0 [hbm4b:s14+s16], $0x400, $0x38;
	[tilespmem:$0x1A880] =	vst v63  }
0x162: {  	s7 =	sadd.s32 @!p0 s10, s7;
	s14 =	simm.s32 @!p0 $0x19080  }
0x163: {  	[tilespmem:s14], [sflag:$0x1] =	stream.linear.gather @!p0 [hbm4b:s7+s16], $0x400, $0x38;
	[tilespmem:$0x1A880] =	vst v63  }
0x164: {  	_ =	swait.ge [sflag:s26], $0x400  }
0x165: {  	[sflag:s26] =	ssyncset.done $0x0  }
0x166: {  	[sflag:s26] =	ssyncadd.s32 $0xFFFFFC00  }
0x167: {  	_ =	swait.ge [sflag:s26], $0x400  }
0x168: {  	[sflag:s26] =	ssyncset.done $0x0  }
0x169: {  	[sflag:s26] =	ssyncadd.s32 $0xFFFFFC00  }
0x16a: {  	s31 =	sshll.u32 s28, $0xA;
	_ =	swait.ge [sflag:s26], $0x400  }
0x16b: {  	p0 =	slt.u32 s31, s12;
	s7 =	sadd.s32 $0x400, s31;
	[sflag:s26] =	ssyncset.done $0x0  }
0x16c: {  	p1 =	sgt.s32 @!p0 s7, s13;
	[sflag:s26] =	ssyncadd.s32 $0xFFFFFC00  }
0x16d: {  	p1 =	por p0, p1;
	_ =	swait.ge [sflag:s26], $0x400  }
.Ltmp16:
0x16e: {  	[sflag:s26] =	ssyncset.done $0x0;
	(pc) =	sbr.rel @p1 .LBB2_16-.Ltmp16, $4  }
0x16f: {  	[sflag:s26] =	ssyncadd.s32 $0xFFFFFC00  }
0x170: {  	_ =	swait.ge [sflag:s26], $0x400  }
0x171: {  	[sflag:s26] =	ssyncset.done $0x0  }
0x172: {  	s14 =	simm.s32 $0x0;
	[sflag:s26] =	ssyncadd.s32 $0xFFFFFC00  }
0x173: {  	s7 =	simm.s32 $0x0  }
0x174: {  	v9 =	vld [tilespmem:s7+$0x19480]  }
0x175: {  	v10 =	vld [tilespmem:s7+$0x19880];
	_ =	sdelay $0x3  }
0x176: {  	v11 =	vshll.u32 v9, $0x3  }
0x177: {  	v9 =	vand.u32 $0xF, v9;
	v12 =	vshll.u32 v10, $0x3;
	v11 =	vand.u32 $0xFFFFFF80, v11  }
0x178: {  	v10 =	vand.u32 $0xF, v10;
	v9 =	vor.u32 v9, v11;
	v11 =	vand.u32 $0xFFFFFF80, v12  }
0x179: {  	v12 =	vor.u32 v10, v11  }
0x17a: {  	v10 =	vadd.s32 $0x4000, v9  }
0x17b: {  	v15 =	vld [tilespmem:s7+$0x1A080];
	v14 =	vadd.s32 $0x4000, v12  }
0x17c: {  	v18 =	vld [tilespmem:s7+$0x19C80];
	v11 =	vadd.s32 $0x8000, v9  }
0x17d: {  	v13 =	vadd.s32 $0x8000, v12;
	v16 =	vld.idx.msk [tilespmem:v9+s24+$0x0], $0xffff  }
0x17e: {  	v12 =	vld.idx.msk [tilespmem:v12+s24+$0x0], $0xffff  }
0x17f: {  	v17 =	vld.idx.msk [tilespmem:v10+s24+$0x0], $0xffff  }
0x180: {  	v14 =	vld.idx.msk [tilespmem:v14+s24+$0x0], $0xffff  }
0x181: {  	v19 =	vld.idx.msk [tilespmem:v11+s24+$0x0], $0xffff  }
0x182: {  	v13 =	vld.idx.msk [tilespmem:v13+s24+$0x0], $0xffff;
	_ =	sdelay $0x1  }
0x183: {  	v12 =	vsub.f32 v12, v16;
	v16 =	vld [tilespmem:s7+$0x1A480]  }
0x184: {  	v14 =	vsub.f32 v14, v17  }
0x185: {  	v17 =	vadd.f32 v18, v12  }
0x186: {  	v12 =	vsub.f32 v13, v19;
	v13 =	vadd.f32 v15, v14;
	_ =	sdelay $0x1  }
0x187: {  	v14 =	vmul.f32 v17, v17;
	v12 =	vadd.f32 v16, v12;
	v15 =	vmul.f32 v13, v13;
	_ =	sdelay $0x1  }
0x188: {  	v16 =	vmul.f32 v12, v12;
	v14 =	vadd.f32 v15, v14;
	_ =	sdelay $0x1  }
0x189: {  	v14 =	vadd.f32 v16, v14;
	_ =	sdelay $0x1  }
0x18a: {  	v15 =	vshra.s32 v14, $0x1;
	v14 =	vmul.f32 $-5.000000000e-01, v14  }
0x18b: {  	v15 =	vsub.s32 $0x5F3759DF, v15  }
0x18c: {  	v14 =	vmul.f32 v15, v14;
	_ =	sdelay $0x1  }
0x18d: {  	v14 =	vmul.f32 v15, v14;
	_ =	sdelay $0x1  }
0x18e: {  	v14 =	vadd.f32 $1.500000000e+00, v14;
	_ =	sdelay $0x1  }
0x18f: {  	v14 =	vmul.f32 v15, v14;
	_ =	sdelay $0x1  }
0x190: {  	v14 =	vmul.f32 $-1.000000000e+01, v14;
	_ =	sdelay $0x1  }
0x191: {  	v14 =	vadd.f32 $2.000000000e+00, v14;
	_ =	sdelay $0x1  }
0x192: {  	s7 =	simm.s32 $0x40;
	v15 =	vmul.f32 v14, v17;
	v13 =	vmul.f32 v14, v13  }
.LBB2_20:
0x193: {  	p0 =	seq.s32 s7, $0xFC0;
	v12 =	vmul.f32 v14, v12;
	s14 =	smov.u32 s7;
	s7 =	sadd.s32 $0x40, s7  }
0x194: {  	[tilespmem:v9+s22+$0x0] =	vst.idx.add.f32.msk $0xffff, v15  }
0x195: {  	[tilespmem:v10+s22+$0x0] =	vst.idx.add.f32.msk $0xffff, v13  }
0x196: {  	s14 =	sshra.s32 s14, $0x2;
	[tilespmem:v11+s22+$0x0] =	vst.idx.add.f32.msk $0xffff, v12  }
0x197: {  	v9 =	vld [tilespmem:s14+$0x19480]  }
0x198: {  	v10 =	vld [tilespmem:s14+$0x19880];
	_ =	sdelay $0x3  }
0x199: {  	v11 =	vand.u32 $0xF, v9;
	v9 =	vshll.u32 v9, $0x3  }
0x19a: {  	v12 =	vand.u32 $0xF, v10;
	v9 =	vand.u32 $0xFFFFFF80, v9;
	v10 =	vshll.u32 v10, $0x3  }
0x19b: {  	v9 =	vor.u32 v11, v9;
	v10 =	vand.u32 $0xFFFFFF80, v10  }
0x19c: {  	v12 =	vor.u32 v12, v10;
	v10 =	vadd.s32 $0x4000, v9  }
0x19d: {  	v13 =	vadd.s32 $0x4000, v12;
	v14 =	vadd.s32 $0x8000, v12;
	_ =	sdelay $0x1  }
0x19e: {  	v11 =	vadd.s32 $0x8000, v9;
	v15 =	vld [tilespmem:s14+$0x1A080]  }
0x19f: {  	v16 =	vld.idx.msk [tilespmem:v9+s24+$0x0], $0xffff  }
0x1a0: {  	v12 =	vld.idx.msk [tilespmem:v12+s24+$0x0], $0xffff  }
0x1a1: {  	v14 =	vld.idx.msk [tilespmem:v14+s24+$0x0], $0xffff  }
0x1a2: {  	v13 =	vld.idx.msk [tilespmem:v13+s24+$0x0], $0xffff  }
0x1a3: {  	v17 =	vld.idx.msk [tilespmem:v10+s24+$0x0], $0xffff  }
0x1a4: {  	v18 =	vld.idx.msk [tilespmem:v11+s24+$0x0], $0xffff  }
0x1a5: {  	v19 =	vld [tilespmem:s14+$0x19C80]  }
0x1a6: {  	v12 =	vsub.f32 v12, v16  }
0x1a7: {  	v16 =	vld [tilespmem:s14+$0x1A480];
	_ =	sdelay $0x1  }
0x1a8: {  	v13 =	vsub.f32 v13, v17  }
0x1a9: {  	v17 =	vadd.f32 v19, v12;
	v12 =	vsub.f32 v14, v18  }
0x1aa: {  	v13 =	vadd.f32 v15, v13  }
0x1ab: {  	v12 =	vadd.f32 v16, v12;
	v14 =	vmul.f32 v17, v17  }
0x1ac: {  	v15 =	vmul.f32 v13, v13  }
0x1ad: {  	v16 =	vmul.f32 v12, v12  }
0x1ae: {  	v14 =	vadd.f32 v15, v14;
	_ =	sdelay $0x1  }
0x1af: {  	v14 =	vadd.f32 v16, v14;
	_ =	sdelay $0x1  }
0x1b0: {  	v15 =	vshra.s32 v14, $0x1;
	v14 =	vmul.f32 $-5.000000000e-01, v14  }
0x1b1: {  	v15 =	vsub.s32 $0x5F3759DF, v15  }
0x1b2: {  	v14 =	vmul.f32 v15, v14;
	_ =	sdelay $0x1  }
0x1b3: {  	v14 =	vmul.f32 v15, v14;
	_ =	sdelay $0x1  }
0x1b4: {  	v14 =	vadd.f32 $1.500000000e+00, v14;
	_ =	sdelay $0x1  }
0x1b5: {  	v14 =	vmul.f32 v15, v14;
	_ =	sdelay $0x1  }
.Ltmp17:
0x1b6: {  	v14 =	vmul.f32 $-1.000000000e+01, v14;
	(pc) =	sbr.rel @!p0 .LBB2_20-.Ltmp17, $3  }
0x1b7: {  	_ = 	snop  }
0x1b8: {  	v14 =	vadd.f32 $2.000000000e+00, v14;
	_ =	sdelay $0x1  }
0x1b9: {  	v15 =	vmul.f32 v14, v17;
	v13 =	vmul.f32 v14, v13  }
0x1ba: {  	_ =	sdelay $0x1  }
.Ltmp18:
0x1bb: {  	_ = 	snop;
	(pc) =	sbr.rel .LBB2_22-.Ltmp18, $4  }
0x1bc: {  	_ = 	snop  }
0x1bd: {  	v12 =	vmul.f32 v14, v12;
	[tilespmem:v9+s22+$0x0] =	vst.idx.add.f32.msk $0xffff, v15  }
0x1be: {  	[tilespmem:v10+s22+$0x0] =	vst.idx.add.f32.msk $0xffff, v13  }
0x1bf: {  	[tilespmem:v11+s22+$0x0] =	vst.idx.add.f32.msk $0xffff, v12  }
.LBB2_16:
0x1c0: {  	s14 =	simm.s32 @p0 $0x0  }
0x1c1: {  	s16 =	sshra.s32 s14, $0x2  }
0x1c2: {  	v9 =	vld [tilespmem:s16+$0x19480]  }
0x1c3: {  	v10 =	vld [tilespmem:s16+$0x19880];
	_ =	sdelay $0x3  }
0x1c4: {  	v11 =	vshll.u32 v9, $0x3  }
0x1c5: {  	v9 =	vand.u32 $0xF, v9;
	v12 =	vshll.u32 v10, $0x3;
	v11 =	vand.u32 $0xFFFFFF80, v11  }
0x1c6: {  	v10 =	vand.u32 $0xF, v10;
	v9 =	vor.u32 v9, v11;
	v11 =	vand.u32 $0xFFFFFF80, v12  }
0x1c7: {  	v12 =	vor.u32 v10, v11  }
0x1c8: {  	v10 =	vadd.s32 $0x4000, v9  }
0x1c9: {  	v15 =	vld [tilespmem:s16+$0x1A080];
	v14 =	vadd.s32 $0x4000, v12  }
0x1ca: {  	v18 =	vld [tilespmem:s16+$0x19C80];
	v11 =	vadd.s32 $0x8000, v9  }
0x1cb: {  	v13 =	vadd.s32 $0x8000, v12;
	v16 =	vld.idx.msk [tilespmem:v9+s24+$0x0], $0xffff  }
0x1cc: {  	v12 =	vld.idx.msk [tilespmem:v12+s24+$0x0], $0xffff  }
0x1cd: {  	v17 =	vld.idx.msk [tilespmem:v10+s24+$0x0], $0xffff  }
0x1ce: {  	v14 =	vld.idx.msk [tilespmem:v14+s24+$0x0], $0xffff  }
0x1cf: {  	v19 =	vld.idx.msk [tilespmem:v11+s24+$0x0], $0xffff  }
0x1d0: {  	v13 =	vld.idx.msk [tilespmem:v13+s24+$0x0], $0xffff;
	_ =	sdelay $0x1  }
0x1d1: {  	v12 =	vsub.f32 v12, v16;
	v16 =	vld [tilespmem:s16+$0x1A480]  }
0x1d2: {  	v14 =	vsub.f32 v14, v17  }
0x1d3: {  	v17 =	vadd.f32 v18, v12  }
0x1d4: {  	v12 =	vsub.f32 v13, v19;
	v14 =	vadd.f32 v15, v14;
	_ =	sdelay $0x1  }
0x1d5: {  	v13 =	vmul.f32 v17, v17;
	v12 =	vadd.f32 v16, v12;
	v15 =	vmul.f32 v14, v14;
	_ =	sdelay $0x1  }
0x1d6: {  	v16 =	vmul.f32 v12, v12;
	v13 =	vadd.f32 v15, v13;
	_ =	sdelay $0x1  }
0x1d7: {  	v13 =	vadd.f32 v16, v13;
	_ =	sdelay $0x1  }
0x1d8: {  	v15 =	vshra.s32 v13, $0x1;
	v13 =	vmul.f32 $-5.000000000e-01, v13  }
0x1d9: {  	v15 =	vsub.s32 $0x5F3759DF, v15  }
0x1da: {  	v13 =	vmul.f32 v15, v13;
	_ =	sdelay $0x1  }
0x1db: {  	v13 =	vmul.f32 v15, v13;
	_ =	sdelay $0x1  }
0x1dc: {  	v13 =	vadd.f32 $1.500000000e+00, v13  }
0x1dd: {  	s7 =	smov.u32 s20  }
0x1de: {  	s7 =	smov.u32 @p0 s20;
	v13 =	vmul.f32 v15, v13  }
0x1df: {  	p0 =	sne.s32 s14, $0xFC0;
	v15 =	vor.u32 s7, v0  }
.Ltmp19:
0x1e0: {  	vm0 =	vge.u32 v15, v7;
	vm1 =	vlt.s32 v15, v8;
	v13 =	vmul.f32 $-1.000000000e+01, v13;
	(pc) =	sbr.rel @!p0 .LBB2_18-.Ltmp19, $3  }
0x1e1: {  	vm0 =	vmand vm0, vm1  }
0x1e2: {  	v13 =	vadd.f32 $2.000000000e+00, v13;
	_ =	sdelay $0x1  }
0x1e3: {  	s14 =	sadd.s32 $0x40, s14;
	v15 =	vmul.f32 v13, v17;
	v14 =	vmul.f32 v13, v14  }
.LBB2_17:
0x1e4: {  	p0 =	sne.s32 s14, $0xFC0  }
0x1e5: {  	v12 =	vmul.f32 v13, v12;
	s7 =	sadd.s32 $0x10, s7;
	s16 =	smov.u32 s14;
	s14 =	sadd.s32 $0x40, s14  }
0x1e6: {  	[tilespmem:v9+s22+$0x0] =	vst.idx.add.f32.msk vm0, v15  }
0x1e7: {  	[tilespmem:v10+s22+$0x0] =	vst.idx.add.f32.msk vm0, v14  }
0x1e8: {  	s16 =	sshra.s32 s16, $0x2;
	[tilespmem:v11+s22+$0x0] =	vst.idx.add.f32.msk vm0, v12  }
0x1e9: {  	v9 =	vld [tilespmem:s16+$0x19480]  }
0x1ea: {  	v10 =	vld [tilespmem:s16+$0x19880];
	_ =	sdelay $0x3  }
0x1eb: {  	v11 =	vand.u32 $0xF, v9;
	v9 =	vshll.u32 v9, $0x3  }
0x1ec: {  	v12 =	vand.u32 $0xF, v10;
	v9 =	vand.u32 $0xFFFFFF80, v9;
	v10 =	vshll.u32 v10, $0x3  }
0x1ed: {  	v9 =	vor.u32 v11, v9;
	v10 =	vand.u32 $0xFFFFFF80, v10  }
0x1ee: {  	v12 =	vor.u32 v12, v10;
	v10 =	vadd.s32 $0x4000, v9  }
0x1ef: {  	v13 =	vadd.s32 $0x4000, v12;
	v14 =	vadd.s32 $0x8000, v12;
	_ =	sdelay $0x1  }
0x1f0: {  	v11 =	vadd.s32 $0x8000, v9;
	v15 =	vld [tilespmem:s16+$0x1A080]  }
0x1f1: {  	v16 =	vld.idx.msk [tilespmem:v9+s24+$0x0], $0xffff  }
0x1f2: {  	v12 =	vld.idx.msk [tilespmem:v12+s24+$0x0], $0xffff  }
0x1f3: {  	v14 =	vld.idx.msk [tilespmem:v14+s24+$0x0], $0xffff  }
0x1f4: {  	v13 =	vld.idx.msk [tilespmem:v13+s24+$0x0], $0xffff  }
0x1f5: {  	v17 =	vld.idx.msk [tilespmem:v10+s24+$0x0], $0xffff  }
0x1f6: {  	v18 =	vld.idx.msk [tilespmem:v11+s24+$0x0], $0xffff  }
0x1f7: {  	v19 =	vld [tilespmem:s16+$0x19C80]  }
0x1f8: {  	v12 =	vsub.f32 v12, v16  }
0x1f9: {  	v16 =	vld [tilespmem:s16+$0x1A480];
	_ =	sdelay $0x1  }
0x1fa: {  	v13 =	vsub.f32 v13, v17  }
0x1fb: {  	v17 =	vadd.f32 v19, v12;
	v12 =	vsub.f32 v14, v18  }
0x1fc: {  	v14 =	vadd.f32 v15, v13  }
0x1fd: {  	v12 =	vadd.f32 v16, v12;
	v13 =	vmul.f32 v17, v17  }
0x1fe: {  	v15 =	vmul.f32 v14, v14  }
0x1ff: {  	v16 =	vmul.f32 v12, v12  }
0x200: {  	v13 =	vadd.f32 v15, v13;
	_ =	sdelay $0x1  }
0x201: {  	v13 =	vadd.f32 v16, v13;
	_ =	sdelay $0x1  }
0x202: {  	v15 =	vshra.s32 v13, $0x1;
	v13 =	vmul.f32 $-5.000000000e-01, v13  }
0x203: {  	v15 =	vsub.s32 $0x5F3759DF, v15  }
0x204: {  	v13 =	vmul.f32 v15, v13;
	_ =	sdelay $0x1  }
0x205: {  	v13 =	vmul.f32 v15, v13;
	_ =	sdelay $0x1  }
0x206: {  	v13 =	vadd.f32 $1.500000000e+00, v13  }
0x207: {  	v16 =	vor.u32 s7, v0  }
0x208: {  	vm0 =	vge.u32 v16, v7;
	vm1 =	vlt.s32 v16, v8;
	v13 =	vmul.f32 v15, v13  }
0x209: {  	vm0 =	vmand vm0, vm1  }
.Ltmp20:
0x20a: {  	v13 =	vmul.f32 $-1.000000000e+01, v13;
	(pc) =	sbr.rel @p0 .LBB2_17-.Ltmp20, $3  }
0x20b: {  	_ = 	snop  }
0x20c: {  	v13 =	vadd.f32 $2.000000000e+00, v13;
	_ =	sdelay $0x1  }
0x20d: {  	v15 =	vmul.f32 v13, v17;
	v14 =	vmul.f32 v13, v14  }
.Ltmp21:
0x20e: {  	_ = 	snop;
	(pc) =	sbr.rel .LBB2_18-.Ltmp21, $1  }
0x20f: {  	_ =	sdelay $0x3  }
.LBB2_26:
0x210: {  	_ =	sfence.sel $0x180000  }
0x211: {  	[bflag:$0x0] =	sbarrier.arrive $0xFFFF  }
0x212: {  	_ =	strace $0x90000047  }
0x213: {  	s0 =	stileid.u32;
	[bflag:$0x2] =	sbarrier.arrive $0xFFFF  }
0x214: {  	p0 =	sne.s32 s0, $0x0;
	s0 =	rddreg [dreg:$0x4]  }
0x215: {  	s0 =	sadd.s32 @!p0 $0x100000, s0  }
0x216: {  	[sflag:s0] =	ssyncadd.tile.s32 @!p0 $0x1;
	_ =	shalt  }
.Lfunc_end2:
_tile_overlayer_lowered:
.L_overlay_start_2:
0x217: {  	(tag) =	ssettag $0x2  }
0x218: {  	s0 =	rddreg [dreg:$0x0];
	s2 =	stileid.u32  }
0x219: {  	s1 =	rddreg [dreg:$0x1];
	p0 =	sne.s32 s2, $0x0  }
0x21a: {  	s3 =	rddreg [dreg:$0x2];
	[bflag:$0x3] =	sbarrier.arrive $0xFFFF;
	s2 =	simm.s32 @!p0 $0x1C03  }
0x21b: {  	[timem:s3], [sflag:s2] =	dma.local @!p0 [hbm:s0], s1  }
0x21c: {  	s0 =	simm.s32 @!p0 $0x3  }
0x21d: {  	_ =	swait.ge @!p0 [sflag:s0], s1  }
0x21e: {  	s1 =	ssub.s32 @!p0 $0x0, s1;
	[sflag:s0] =	ssyncset.done @!p0 $0x0  }
0x21f: {  	[sflag:s0] =	ssyncadd.s32 @!p0 s1  }
0x220: {  	[bflag:$0x3] =	sbarrier.arrive $0xFFFF  }
0x221: {  	_ =	shalt  }

</sc_bundles>
